<compile_context>
chip_gen: v7x
topology: tpu7x:2x2x1
jax: 0.10.2.dev20260603
libtpu: 0.0.44.dev20260713+nightly
codegen_flags: <defaults>
</compile_context>

<pallas_src>
import functools

import jax
import jax.numpy as jnp
from jax import lax
from jax.experimental import pallas as pl
from jax.experimental.pallas import tpu as pltpu
from jax.experimental.pallas import tpu_sc as plsc

NS = 16
NC = 2
NW = NC * NS
CH = 128


def _cdiv(a, b):
    return (a + b - 1) // b



def _make_sc_deg(n_pad, cpt, ddum):
    rpt = n_pad // NS
    mesh = plsc.VectorSubcoreMesh(
        core_axis_name="c", subcore_axis_name="s",
        num_cores=NC, num_subcores=NS)

    @functools.partial(
        pl.kernel,
        out_type=jax.ShapeDtypeStruct((NC, n_pad), jnp.float32),
        mesh=mesh,
        scratch_types=[
            pltpu.VMEM((rpt,), jnp.float32),
            pltpu.VMEM((CH,), jnp.float32),
            pltpu.VMEM((CH,), jnp.int32),
            pltpu.VMEM((CH,), jnp.int32),
            pltpu.VMEM((CH,), jnp.int32),
            pltpu.VMEM_SHARED((n_pad,), jnp.float32),
        ],
    )
    def deg_k(src_hbm, dst_hbm, deg_hbm, zb_v, ones_v, srow_v, drow_v,
              idx_v, deg_sh):
        c = lax.axis_index("c")
        s = lax.axis_index("s")
        w = c * NS + s
        zv = jnp.zeros((16,), jnp.float32)
        ov = jnp.ones((16,), jnp.float32)

        def zfill(r, carry):
            zb_v[pl.ds(r * 16, 16)] = zv
            return carry
        lax.fori_loop(0, rpt // 16, zfill, 0)

        def ofill(r, carry):
            ones_v[pl.ds(r * 16, 16)] = ov
            return carry
        lax.fori_loop(0, CH // 16, ofill, 0)
        pltpu.sync_copy(zb_v, deg_sh.at[pl.ds(s * rpt, rpt)])
        plsc.subcore_barrier()

        def chunk(j, carry):
            pltpu.sync_copy(src_hbm.at[w, j], srow_v)
            pltpu.sync_copy(dst_hbm.at[w, j], drow_v)
            for k in range(CH // 16):
                sv = srow_v[pl.ds(k * 16, 16)]
                dv = drow_v[pl.ds(k * 16, 16)]
                idx_v[pl.ds(k * 16, 16)] = jnp.where(sv == dv, ddum, dv)
            pltpu.sync_copy(ones_v, deg_sh.at[idx_v], add=True)
            return carry
        lax.fori_loop(0, cpt, chunk, 0)
        plsc.subcore_barrier()
        pltpu.sync_copy(deg_sh.at[pl.ds(s * rpt, rpt)],
                        deg_hbm.at[c, pl.ds(s * rpt, rpt)])

    return deg_k


def _make_sc_agg(n_pad, d, cpt, zrow):
    rpt = n_pad // NS
    mesh = plsc.VectorSubcoreMesh(
        core_axis_name="c", subcore_axis_name="s",
        num_cores=NC, num_subcores=NS)

    @functools.partial(
        pl.kernel,
        out_type=jax.ShapeDtypeStruct((NC, n_pad, d), jnp.float32),
        mesh=mesh,
        scratch_types=[
            pltpu.VMEM((cpt, CH), jnp.int32),
            pltpu.VMEM((CH,), jnp.int32),
            pltpu.VMEM((2, CH), jnp.int32),
            pltpu.VMEM((CH,), jnp.int32),
            pltpu.VMEM((2, CH, d), jnp.float32),
            pltpu.VMEM_SHARED((n_pad, d), jnp.float32),
            pltpu.SemaphoreType.DMA,
        ],
    )
    def agg_k(hs_hbm, src_hbm, dst_hbm, out_hbm, dst_v, srow_v, sidx3,
              didx_v, buf3, s_sh, sem_a):
        c = lax.axis_index("c")
        s = lax.axis_index("s")
        w = c * NS + s
        pltpu.sync_copy(dst_hbm.at[w], dst_v)
        zv = jnp.zeros((16,), jnp.float32)

        def zrow_init(r, carry):
            for k in range(d // 16):
                buf3[0, r, pl.ds(k * 16, 16)] = zv
            return carry
        lax.fori_loop(0, CH, zrow_init, 0)

        def zstripe(t, carry):
            pltpu.sync_copy(buf3.at[0], s_sh.at[pl.ds(s * rpt + t * CH, CH)])
            return carry
        lax.fori_loop(0, rpt // CH, zstripe, 0)
        plsc.subcore_barrier()

        def stage_build(j, q):
            pltpu.sync_copy(src_hbm.at[w, j], srow_v)
            for k in range(CH // 16):
                sv = srow_v[pl.ds(k * 16, 16)]
                dv = dst_v[j, pl.ds(k * 16, 16)]
                sidx3[q, pl.ds(k * 16, 16)] = jnp.where(sv == dv, zrow, sv)

        def gstart(q):
            pltpu.make_async_copy(hs_hbm.at[sidx3.at[q]], buf3.at[q],
                                  sem_a).start()

        def gwait(q):
            pltpu.make_async_copy(hs_hbm.at[sidx3.at[q]], buf3.at[q],
                                  sem_a).wait()

        stage_build(0, 0)
        gstart(0)

        def chunk(j, carry):
            p = lax.rem(j, 2)
            gwait(p)

            @pl.when(j < cpt - 1)
            def _():
                stage_build(j + 1, 1 - p)
                gstart(1 - p)

            for k in range(CH // 16):
                didx_v[pl.ds(k * 16, 16)] = dst_v[j, pl.ds(k * 16, 16)]
            pltpu.sync_copy(buf3.at[p], s_sh.at[didx_v], add=True)
            return carry
        lax.fori_loop(0, cpt, chunk, 0)
        plsc.subcore_barrier()
        pltpu.sync_copy(s_sh.at[pl.ds(s * rpt, rpt)],
                        out_hbm.at[c, pl.ds(s * rpt, rpt)])

    return agg_k



def _dinv_block(deg_ref, blk, r, n):
    dg = deg_ref[...]
    drow = dg[0] + dg[1]
    rid = lax.broadcasted_iota(jnp.int32, (r, 1), 0) + blk * r
    deg = drow + jnp.where(rid < n, 1.0, 0.0)
    return jnp.where(deg > 0, lax.rsqrt(jnp.maximum(deg, 1e-12)), 0.0)


def _tc_mm(x_p, w, r):
    n_pad, d = x_p.shape
    g = n_pad // r

    def body(xb, wb, ob):
        ob[...] = jnp.dot(xb[...], wb[...], preferred_element_type=jnp.float32)

    return pl.pallas_call(
        body,
        grid=(g,),
        in_specs=[
            pl.BlockSpec((r, d), lambda k: (k, 0)),
            pl.BlockSpec((d, d), lambda k: (0, 0)),
        ],
        out_specs=pl.BlockSpec((r, d), lambda k: (k, 0)),
        out_shape=jax.ShapeDtypeStruct((n_pad, d), jnp.float32),
    )(x_p, w)


def _tc_scale(h, deg2, r, n):
    n_pad, d = h.shape
    g = n_pad // r

    def body(hb, degb, ob):
        dinv = _dinv_block(degb, pl.program_id(0), r, n)
        ob[...] = hb[...] * dinv

    return pl.pallas_call(
        body,
        grid=(g,),
        in_specs=[
            pl.BlockSpec((r, d), lambda k: (k, 0)),
            pl.BlockSpec((NC, r, 1), lambda k: (0, k, 0)),
        ],
        out_specs=pl.BlockSpec((r, d), lambda k: (k, 0)),
        out_shape=jax.ShapeDtypeStruct((n_pad, d), jnp.float32),
    )(h, deg2)


def _tc_mid(s2, hs, deg2, b, w, r, n):
    n_pad, d = hs.shape
    g = n_pad // r

    def body(sb, hb, degb, bb, wb, ob):
        dinv = _dinv_block(degb, pl.program_id(0), r, n)
        z = jnp.maximum(dinv * (sb[0] + sb[1] + hb[...]) + bb[...], 0.0)
        ob[...] = jnp.dot(z, wb[...], preferred_element_type=jnp.float32) * dinv

    return pl.pallas_call(
        body,
        grid=(g,),
        in_specs=[
            pl.BlockSpec((NC, r, d), lambda k: (0, k, 0)),
            pl.BlockSpec((r, d), lambda k: (k, 0)),
            pl.BlockSpec((NC, r, 1), lambda k: (0, k, 0)),
            pl.BlockSpec((1, d), lambda k: (0, 0)),
            pl.BlockSpec((d, d), lambda k: (0, 0)),
        ],
        out_specs=pl.BlockSpec((r, d), lambda k: (k, 0)),
        out_shape=jax.ShapeDtypeStruct((n_pad, d), jnp.float32),
    )(s2, hs, deg2, b, w)


def _tc_out(s2, hs, deg2, b, r, n):
    n_pad, d = hs.shape
    g = n_pad // r

    def body(sb, hb, degb, bb, ob):
        dinv = _dinv_block(degb, pl.program_id(0), r, n)
        ob[...] = dinv * (sb[0] + sb[1] + hb[...]) + bb[...]

    return pl.pallas_call(
        body,
        grid=(g,),
        in_specs=[
            pl.BlockSpec((NC, r, d), lambda k: (0, k, 0)),
            pl.BlockSpec((r, d), lambda k: (k, 0)),
            pl.BlockSpec((NC, r, 1), lambda k: (0, k, 0)),
            pl.BlockSpec((1, d), lambda k: (0, 0)),
        ],
        out_specs=pl.BlockSpec((r, d), lambda k: (k, 0)),
        out_shape=jax.ShapeDtypeStruct((n_pad, d), jnp.float32),
    )(s2, hs, deg2, b)



def kernel(x, edge_index, W1, b1, W2, b2):
    n, d = x.shape
    e = edge_index.shape[1]
    r = 1024
    n_pad = _cdiv(n, r) * r
    e_pad = _cdiv(e, NW * CH) * NW * CH
    cpt = e_pad // (NW * CH)
    zrow = n
    ddum = n + 1

    src = edge_index[0].astype(jnp.int32)
    dst = edge_index[1].astype(jnp.int32)
    src_p = jnp.pad(src, (0, e_pad - e)).reshape(NW, cpt, CH)
    dst_p = jnp.pad(dst, (0, e_pad - e)).reshape(NW, cpt, CH)
    x_p = jnp.pad(x, ((0, n_pad - n), (0, 0)))
    b1r = b1.reshape(1, d)
    b2r = b2.reshape(1, d)

    h1 = _tc_mm(x_p, W1, r)
    deg2 = _make_sc_deg(n_pad, cpt, ddum)(src_p, dst_p).reshape(NC, n_pad, 1)
    agg = _make_sc_agg(n_pad, d, cpt, zrow)

    hs1 = _tc_scale(h1, deg2, r, n)
    s1 = agg(hs1, src_p, dst_p)
    hs2 = _tc_mid(s1, hs1, deg2, b1r, W2, r, n)
    s2 = agg(hs2, src_p, dst_p)
    out = _tc_out(s2, hs2, deg2, b2r, r, n)
    return out[:n]

# --- scband reference (transcript-rebuilt; emitter-appended) ---
"""Pipeline reference for scband-gcn5-shot-9594956939361 (READ-ONLY COPY).

The authoritative reference and input builder live on the scoring server;
editing this copy changes nothing except your own understanding.
"""

import jax, jax.numpy as jnp
import numpy as np

N = 10000
E = 320000
D_IN = 128
D_HID = 128
D_OUT = 128


def setup_inputs(seed: int = 0) -> dict:
    key = jax.random.key(seed)
    k1, k2, k3, k4, k5, k6 = jax.random.split(key, 6)
    x = jax.random.normal(k1, (N, D_IN), dtype=jnp.float32)
    edge_index = jax.random.randint(k2, (2, E), 0, N, dtype=jnp.int64)
    # glorot-style init for GCNConv weights
    s1 = float(np.sqrt(6.0 / (D_IN + D_HID)))
    s2 = float(np.sqrt(6.0 / (D_HID + D_OUT)))
    W1 = jax.random.uniform(k3, (D_IN, D_HID), dtype=jnp.float32, minval=-s1, maxval=s1)
    b1 = jnp.zeros((D_HID,), dtype=jnp.float32)
    W2 = jax.random.uniform(k4, (D_HID, D_OUT), dtype=jnp.float32, minval=-s2, maxval=s2)
    b2 = jnp.zeros((D_OUT,), dtype=jnp.float32)
    return {"x": x, "edge_index": edge_index, "W1": W1, "b1": b1, "W2": W2, "b2": b2}


def _gcn_conv(x, W, b, src, dst, ew, n):
    # x' = D^{-1/2} A_hat D^{-1/2} (x W) + b ; A_hat edges carried in (src, dst, ew)
    h = x @ W
    deg = jnp.zeros((n,), dtype=jnp.float32).at[dst].add(ew)
    deg_inv_sqrt = jnp.where(deg > 0, jax.lax.rsqrt(jnp.maximum(deg, 1e-12)), 0.0)
    norm = deg_inv_sqrt[src] * ew * deg_inv_sqrt[dst]
    msg = jnp.take(h, src, axis=0) * norm[:, None]
    out = jnp.zeros((n, h.shape[1]), dtype=h.dtype).at[dst].add(msg)
    return out + b


def reference(x, edge_index, W1, b1, W2, b2):
    n = x.shape[0]
    src0 = edge_index[0]
    dst0 = edge_index[1]
    # remove_self_loops: zero-weight original self-loop edges; add_self_loops: append N loops
    keep = (src0 != dst0).astype(jnp.float32)
    loop = jnp.arange(n, dtype=src0.dtype)
    src = jnp.concatenate([src0, loop])
    dst = jnp.concatenate([dst0, loop])
    ew = jnp.concatenate([keep, jnp.ones((n,), dtype=jnp.float32)])
    h = _gcn_conv(x, W1, b1, src, dst, ew, n)
    h = jax.nn.relu(h)
    # dropout is identity in eval mode
    out = _gcn_conv(h, W2, b2, src, dst, ew, n)
    return out

if __name__ == "__main__":
    import jax
    _d = setup_inputs()
    print(jax.jit(kernel)(*tuple(_d.values())))

</pallas_src>

<mosaic_0001>
#map = affine_map<(d0, d1) -> (0, 0)>
#map1 = affine_map<(d0, d1) -> (0, 0, 0)>
module attributes {stable_mosaic.version = 14 : i64} {
  func.func @agg_k(%arg0: i32, %arg1: i32, %arg2: memref<10240x128xf32, #tpu.memory_space<hbm>>, %arg3: memref<32x79x128xi32, #tpu.memory_space<hbm>>, %arg4: memref<32x79x128xi32, #tpu.memory_space<hbm>>, %arg5: memref<2x10240x128xf32, #tpu.memory_space<hbm>>, %arg6: memref<79x128xi32, #tpu.memory_space<vmem>>, %arg7: memref<128xi32, #tpu.memory_space<vmem>>, %arg8: memref<2x128xi32, #tpu.memory_space<vmem>>, %arg9: memref<128xi32, #tpu.memory_space<vmem>>, %arg10: memref<2x128x128xf32, #tpu.memory_space<vmem>>, %arg11: memref<10240x128xf32, #tpu.memory_space<vmem_shared>>, %arg12: memref<!tpu.dma_semaphore, #tpu.memory_space<semaphore_mem>>) attributes {dimension_semantics = [#tpu.dimension_semantics<core_parallel>, #tpu.dimension_semantics<subcore_parallel>], iteration_bounds = array<i64: 2, 16>, scalar_prefetch = 0 : i64, scratch_operands = 7 : i64, tpu.core_type = #tpu.core_type<sc_vector_subcore>, window_params = [{transform_indices = #map}, {transform_indices = #map1}, {transform_indices = #map1}, {transform_indices = #map1}]} {
    %mul3A = arith.constant 16 : i32
    %mul3A_0 = arith.muli %arg0, %mul3A : i32
    %add3A = arith.addi %mul3A_0, %arg1 : i32
    "tpu.region"() ({
      %run_scoped3A_174 = tpu.sem_alloc : memref<!tpu.dma_semaphore, #tpu.memory_space<semaphore_mem>>
      %dma_start3A_175 = arith.constant 0 : i32
      %dma_start3A_176 = arith.constant 0 : i32
      %dma_start3A_177 = tpu.memref_slice %arg4[%add3A, %dma_start3A_175, %dma_start3A_176] : memref<32x79x128xi32, #tpu.memory_space<hbm>> -> memref<1x79x128xi32, #tpu.memory_space<hbm>>
      %dma_start3A_178 = tpu.memref_squeeze %dma_start3A_177 : memref<1x79x128xi32, #tpu.memory_space<hbm>> -> memref<79x128xi32, #tpu.memory_space<hbm>>
      %dma_start3A_179 = arith.constant 0 : i32
      %dma_start3A_180 = arith.constant 0 : i32
      %dma_start3A_181 = tpu.memref_slice %arg4[%add3A, %dma_start3A_179, %dma_start3A_180] : memref<32x79x128xi32, #tpu.memory_space<hbm>> -> memref<1x79x128xi32, #tpu.memory_space<hbm>>
      %dma_start3A_182 = tpu.memref_squeeze %dma_start3A_181 : memref<1x79x128xi32, #tpu.memory_space<hbm>> -> memref<79x128xi32, #tpu.memory_space<hbm>>
      tpu.enqueue_dma source(%dma_start3A_182 : memref<79x128xi32, #tpu.memory_space<hbm>>) target(%arg6 : memref<79x128xi32, #tpu.memory_space<vmem>>) target_semaphore(%run_scoped3A_174 : memref<!tpu.dma_semaphore, #tpu.memory_space<semaphore_mem>>)
      %dma_wait3A = arith.constant 0 : i32
      %dma_wait3A_183 = arith.constant 0 : i32
      %dma_wait3A_184 = tpu.memref_slice %arg4[%add3A, %dma_wait3A, %dma_wait3A_183] : memref<32x79x128xi32, #tpu.memory_space<hbm>> -> memref<1x79x128xi32, #tpu.memory_space<hbm>>
      %dma_wait3A_185 = tpu.memref_squeeze %dma_wait3A_184 : memref<1x79x128xi32, #tpu.memory_space<hbm>> -> memref<79x128xi32, #tpu.memory_space<hbm>>
      %dma_wait3A_186 = arith.constant 0 : i32
      %dma_wait3A_187 = arith.constant 0 : i32
      %dma_wait3A_188 = tpu.memref_slice %arg4[%add3A, %dma_wait3A_186, %dma_wait3A_187] : memref<32x79x128xi32, #tpu.memory_space<hbm>> -> memref<1x79x128xi32, #tpu.memory_space<hbm>>
      %dma_wait3A_189 = tpu.memref_squeeze %dma_wait3A_188 : memref<1x79x128xi32, #tpu.memory_space<hbm>> -> memref<79x128xi32, #tpu.memory_space<hbm>>
      tpu.wait_dma2 semaphore(%run_scoped3A_174 : memref<!tpu.dma_semaphore, #tpu.memory_space<semaphore_mem>>) src(%dma_wait3A_189 : memref<79x128xi32, #tpu.memory_space<hbm>>) dst(%arg6 : memref<79x128xi32, #tpu.memory_space<vmem>>)
      tpu.yield
    }) : () -> ()
    %broadcast_in_dim3A = arith.constant 0.000000e+00 : f32
    %broadcast_in_dim3A_1 = vector.broadcast %broadcast_in_dim3A : f32 to vector<16xf32>
    %scan3A = arith.constant 0 : i32
    %scan3A_2 = arith.constant 0 : i32
    %scan3A_3 = arith.constant 128 : i32
    %scan3A_4 = arith.addi %scan3A_2, %scan3A_3 : i32
    %scan3A_5 = arith.constant 1 : i32
    scf.for %scan3A_174 = %scan3A_2 to %scan3A_4 step %scan3A_5  : i32 {
      %swap3A_175 = arith.constant 0 : i32
      %swap3A_176 = arith.index_cast %swap3A_175 : i32 to index
      %swap3A_177 = arith.index_cast %scan3A_174 : i32 to index
      %swap3A_178 = arith.constant 0 : index
      %swap3A_179 = tpu.vector_load %arg10[%swap3A_176, %swap3A_177, %swap3A_178] {strides = array<i32>} : memref<2x128x128xf32, #tpu.memory_space<vmem>>, vector<1x1x16xf32>,
      %swap3A_180 = vector.shape_cast %swap3A_179 : vector<1x1x16xf32> to vector<16xf32>
      %swap3A_181 = vector.shape_cast %broadcast_in_dim3A_1 : vector<16xf32> to vector<1x1x16xf32>
      tpu.vector_store %arg10[%swap3A_176, %swap3A_177, %swap3A_178], %swap3A_181 {strides = array<i32>} : memref<2x128x128xf32, #tpu.memory_space<vmem>>, vector<1x1x16xf32>,
      %swap3A_182 = arith.constant 0 : i32
      %swap3A_183 = arith.index_cast %swap3A_182 : i32 to index
      %swap3A_184 = arith.index_cast %scan3A_174 : i32 to index
      %swap3A_185 = arith.constant 16 : index
      %swap3A_186 = tpu.vector_load %arg10[%swap3A_183, %swap3A_184, %swap3A_185] {strides = array<i32>} : memref<2x128x128xf32, #tpu.memory_space<vmem>>, vector<1x1x16xf32>,
      %swap3A_187 = vector.shape_cast %swap3A_186 : vector<1x1x16xf32> to vector<16xf32>
      %swap3A_188 = vector.shape_cast %broadcast_in_dim3A_1 : vector<16xf32> to vector<1x1x16xf32>
      tpu.vector_store %arg10[%swap3A_183, %swap3A_184, %swap3A_185], %swap3A_188 {strides = array<i32>} : memref<2x128x128xf32, #tpu.memory_space<vmem>>, vector<1x1x16xf32>,
      %swap3A_189 = arith.constant 0 : i32
      %swap3A_190 = arith.index_cast %swap3A_189 : i32 to index
      %swap3A_191 = arith.index_cast %scan3A_174 : i32 to index
      %swap3A_192 = arith.constant 32 : index
      %swap3A_193 = tpu.vector_load %arg10[%swap3A_190, %swap3A_191, %swap3A_192] {strides = array<i32>} : memref<2x128x128xf32, #tpu.memory_space<vmem>>, vector<1x1x16xf32>,
      %swap3A_194 = vector.shape_cast %swap3A_193 : vector<1x1x16xf32> to vector<16xf32>
      %swap3A_195 = vector.shape_cast %broadcast_in_dim3A_1 : vector<16xf32> to vector<1x1x16xf32>
      tpu.vector_store %arg10[%swap3A_190, %swap3A_191, %swap3A_192], %swap3A_195 {strides = array<i32>} : memref<2x128x128xf32, #tpu.memory_space<vmem>>, vector<1x1x16xf32>,
      %swap3A_196 = arith.constant 0 : i32
      %swap3A_197 = arith.index_cast %swap3A_196 : i32 to index
      %swap3A_198 = arith.index_cast %scan3A_174 : i32 to index
      %swap3A_199 = arith.constant 48 : index
      %swap3A_200 = tpu.vector_load %arg10[%swap3A_197, %swap3A_198, %swap3A_199] {strides = array<i32>} : memref<2x128x128xf32, #tpu.memory_space<vmem>>, vector<1x1x16xf32>,
      %swap3A_201 = vector.shape_cast %swap3A_200 : vector<1x1x16xf32> to vector<16xf32>
      %swap3A_202 = vector.shape_cast %broadcast_in_dim3A_1 : vector<16xf32> to vector<1x1x16xf32>
      tpu.vector_store %arg10[%swap3A_197, %swap3A_198, %swap3A_199], %swap3A_202 {strides = array<i32>} : memref<2x128x128xf32, #tpu.memory_space<vmem>>, vector<1x1x16xf32>,
      %swap3A_203 = arith.constant 0 : i32
      %swap3A_204 = arith.index_cast %swap3A_203 : i32 to index
      %swap3A_205 = arith.index_cast %scan3A_174 : i32 to index
      %swap3A_206 = arith.constant 64 : index
      %swap3A_207 = tpu.vector_load %arg10[%swap3A_204, %swap3A_205, %swap3A_206] {strides = array<i32>} : memref<2x128x128xf32, #tpu.memory_space<vmem>>, vector<1x1x16xf32>,
      %swap3A_208 = vector.shape_cast %swap3A_207 : vector<1x1x16xf32> to vector<16xf32>
      %swap3A_209 = vector.shape_cast %broadcast_in_dim3A_1 : vector<16xf32> to vector<1x1x16xf32>
      tpu.vector_store %arg10[%swap3A_204, %swap3A_205, %swap3A_206], %swap3A_209 {strides = array<i32>} : memref<2x128x128xf32, #tpu.memory_space<vmem>>, vector<1x1x16xf32>,
      %swap3A_210 = arith.constant 0 : i32
      %swap3A_211 = arith.index_cast %swap3A_210 : i32 to index
      %swap3A_212 = arith.index_cast %scan3A_174 : i32 to index
      %swap3A_213 = arith.constant 80 : index
      %swap3A_214 = tpu.vector_load %arg10[%swap3A_211, %swap3A_212, %swap3A_213] {strides = array<i32>} : memref<2x128x128xf32, #tpu.memory_space<vmem>>, vector<1x1x16xf32>,
      %swap3A_215 = vector.shape_cast %swap3A_214 : vector<1x1x16xf32> to vector<16xf32>
      %swap3A_216 = vector.shape_cast %broadcast_in_dim3A_1 : vector<16xf32> to vector<1x1x16xf32>
      tpu.vector_store %arg10[%swap3A_211, %swap3A_212, %swap3A_213], %swap3A_216 {strides = array<i32>} : memref<2x128x128xf32, #tpu.memory_space<vmem>>, vector<1x1x16xf32>,
      %swap3A_217 = arith.constant 0 : i32
      %swap3A_218 = arith.index_cast %swap3A_217 : i32 to index
      %swap3A_219 = arith.index_cast %scan3A_174 : i32 to index
      %swap3A_220 = arith.constant 96 : index
      %swap3A_221 = tpu.vector_load %arg10[%swap3A_218, %swap3A_219, %swap3A_220] {strides = array<i32>} : memref<2x128x128xf32, #tpu.memory_space<vmem>>, vector<1x1x16xf32>,
      %swap3A_222 = vector.shape_cast %swap3A_221 : vector<1x1x16xf32> to vector<16xf32>
      %swap3A_223 = vector.shape_cast %broadcast_in_dim3A_1 : vector<16xf32> to vector<1x1x16xf32>
      tpu.vector_store %arg10[%swap3A_218, %swap3A_219, %swap3A_220], %swap3A_223 {strides = array<i32>} : memref<2x128x128xf32, #tpu.memory_space<vmem>>, vector<1x1x16xf32>,
      %swap3A_224 = arith.constant 0 : i32
      %swap3A_225 = arith.index_cast %swap3A_224 : i32 to index
      %swap3A_226 = arith.index_cast %scan3A_174 : i32 to index
      %swap3A_227 = arith.constant 112 : index
      %swap3A_228 = tpu.vector_load %arg10[%swap3A_225, %swap3A_226, %swap3A_227] {strides = array<i32>} : memref<2x128x128xf32, #tpu.memory_space<vmem>>, vector<1x1x16xf32>,
      %swap3A_229 = vector.shape_cast %swap3A_228 : vector<1x1x16xf32> to vector<16xf32>
      %swap3A_230 = vector.shape_cast %broadcast_in_dim3A_1 : vector<16xf32> to vector<1x1x16xf32>
      tpu.vector_store %arg10[%swap3A_225, %swap3A_226, %swap3A_227], %swap3A_230 {strides = array<i32>} : memref<2x128x128xf32, #tpu.memory_space<vmem>>, vector<1x1x16xf32>,
    }
    %scan3A_6 = arith.constant 128 : i32
    %scan3A_7 = arith.constant 0 : i32
    %scan3A_8 = arith.constant 0 : i32
    %scan3A_9 = arith.constant 5 : i32
    %scan3A_10 = arith.addi %scan3A_8, %scan3A_9 : i32
    %scan3A_11 = arith.constant 1 : i32
    scf.for %scan3A_174 = %scan3A_8 to %scan3A_10 step %scan3A_11  : i32 {
      %mul3A_175 = arith.constant 640 : i32
      %mul3A_176 = arith.muli %arg1, %mul3A_175 : i32
      %mul3A_177 = arith.constant 128 : i32
      %mul3A_178 = arith.muli %scan3A_174, %mul3A_177 : i32
      %add3A_179 = arith.addi %mul3A_176, %mul3A_178 : i32
      %run_scoped3A_180 = arith.constant 0 : i32
      "tpu.region"() ({
        %run_scoped3A_181 = tpu.sem_alloc : memref<!tpu.dma_semaphore, #tpu.memory_space<semaphore_mem>>
        %dma_start3A_182 = arith.constant 0 : i32
        %dma_start3A_183 = arith.constant 0 : i32
        %dma_start3A_184 = tpu.memref_slice %arg10[%run_scoped3A_180, %dma_start3A_182, %dma_start3A_183] : memref<2x128x128xf32, #tpu.memory_space<vmem>> -> memref<1x128x128xf32, #tpu.memory_space<vmem>>
        %dma_start3A_185 = tpu.memref_squeeze %dma_start3A_184 : memref<1x128x128xf32, #tpu.memory_space<vmem>> -> memref<128x128xf32, #tpu.memory_space<vmem>>
        %dma_start3A_186 = arith.constant 0 : i32
        %dma_start3A_187 = tpu.memref_slice %arg11[%add3A_179, %dma_start3A_186] : memref<10240x128xf32, #tpu.memory_space<vmem_shared>> -> memref<128x128xf32, #tpu.memory_space<vmem_shared>>
        %dma_start3A_188 = arith.constant 0 : i32
        %dma_start3A_189 = tpu.memref_slice %arg11[%add3A_179, %dma_start3A_188] : memref<10240x128xf32, #tpu.memory_space<vmem_shared>> -> memref<128x128xf32, #tpu.memory_space<vmem_shared>>
        %dma_start3A_190 = arith.constant 0 : i32
        %dma_start3A_191 = arith.constant 0 : i32
        %dma_start3A_192 = tpu.memref_slice %arg10[%run_scoped3A_180, %dma_start3A_190, %dma_start3A_191] : memref<2x128x128xf32, #tpu.memory_space<vmem>> -> memref<1x128x128xf32, #tpu.memory_space<vmem>>
        %dma_start3A_193 = tpu.memref_squeeze %dma_start3A_192 : memref<1x128x128xf32, #tpu.memory_space<vmem>> -> memref<128x128xf32, #tpu.memory_space<vmem>>
        tpu.enqueue_dma source(%dma_start3A_193 : memref<128x128xf32, #tpu.memory_space<vmem>>) target(%dma_start3A_189 : memref<128x128xf32, #tpu.memory_space<vmem_shared>>) target_semaphore(%run_scoped3A_181 : memref<!tpu.dma_semaphore, #tpu.memory_space<semaphore_mem>>)
        %dma_wait3A = arith.constant 0 : i32
        %dma_wait3A_194 = arith.constant 0 : i32
        %dma_wait3A_195 = tpu.memref_slice %arg10[%run_scoped3A_180, %dma_wait3A, %dma_wait3A_194] : memref<2x128x128xf32, #tpu.memory_space<vmem>> -> memref<1x128x128xf32, #tpu.memory_space<vmem>>
        %dma_wait3A_196 = tpu.memref_squeeze %dma_wait3A_195 : memref<1x128x128xf32, #tpu.memory_space<vmem>> -> memref<128x128xf32, #tpu.memory_space<vmem>>
        %dma_wait3A_197 = arith.constant 0 : i32
        %dma_wait3A_198 = tpu.memref_slice %arg11[%add3A_179, %dma_wait3A_197] : memref<10240x128xf32, #tpu.memory_space<vmem_shared>> -> memref<128x128xf32, #tpu.memory_space<vmem_shared>>
        %dma_wait3A_199 = arith.constant 0 : i32
        %dma_wait3A_200 = tpu.memref_slice %arg11[%add3A_179, %dma_wait3A_199] : memref<10240x128xf32, #tpu.memory_space<vmem_shared>> -> memref<128x128xf32, #tpu.memory_space<vmem_shared>>
        %dma_wait3A_201 = arith.constant 0 : i32
        %dma_wait3A_202 = arith.constant 0 : i32
        %dma_wait3A_203 = tpu.memref_slice %arg10[%run_scoped3A_180, %dma_wait3A_201, %dma_wait3A_202] : memref<2x128x128xf32, #tpu.memory_space<vmem>> -> memref<1x128x128xf32, #tpu.memory_space<vmem>>
        %dma_wait3A_204 = tpu.memref_squeeze %dma_wait3A_203 : memref<1x128x128xf32, #tpu.memory_space<vmem>> -> memref<128x128xf32, #tpu.memory_space<vmem>>
        tpu.wait_dma2 semaphore(%run_scoped3A_181 : memref<!tpu.dma_semaphore, #tpu.memory_space<semaphore_mem>>) src(%dma_wait3A_204 : memref<128x128xf32, #tpu.memory_space<vmem>>) dst(%dma_wait3A_200 : memref<128x128xf32, #tpu.memory_space<vmem_shared>>)
        tpu.yield
      }) : () -> ()
    }
    %scan3A_12 = arith.constant 5 : i32
    %barrier3A = arith.constant 0 : index
    tpu.barrier barrier_id(%barrier3A)
    %run_scoped3A = arith.constant 0 : i32
    "tpu.region"() ({
      %run_scoped3A_174 = tpu.sem_alloc : memref<!tpu.dma_semaphore, #tpu.memory_space<semaphore_mem>>
      %dma_start3A_175 = arith.constant 0 : i32
      %dma_start3A_176 = tpu.memref_slice %arg3[%add3A, %run_scoped3A, %dma_start3A_175] : memref<32x79x128xi32, #tpu.memory_space<hbm>> -> memref<1x1x128xi32, #tpu.memory_space<hbm>>
      %dma_start3A_177 = tpu.memref_squeeze %dma_start3A_176 : memref<1x1x128xi32, #tpu.memory_space<hbm>> -> memref<128xi32, #tpu.memory_space<hbm>>
      %dma_start3A_178 = arith.constant 0 : i32
      %dma_start3A_179 = tpu.memref_slice %arg3[%add3A, %run_scoped3A, %dma_start3A_178] : memref<32x79x128xi32, #tpu.memory_space<hbm>> -> memref<1x1x128xi32, #tpu.memory_space<hbm>>
      %dma_start3A_180 = tpu.memref_squeeze %dma_start3A_179 : memref<1x1x128xi32, #tpu.memory_space<hbm>> -> memref<128xi32, #tpu.memory_space<hbm>>
      tpu.enqueue_dma source(%dma_start3A_180 : memref<128xi32, #tpu.memory_space<hbm>>) target(%arg7 : memref<128xi32, #tpu.memory_space<vmem>>) target_semaphore(%run_scoped3A_174 : memref<!tpu.dma_semaphore, #tpu.memory_space<semaphore_mem>>)
      %dma_wait3A = arith.constant 0 : i32
      %dma_wait3A_181 = tpu.memref_slice %arg3[%add3A, %run_scoped3A, %dma_wait3A] : memref<32x79x128xi32, #tpu.memory_space<hbm>> -> memref<1x1x128xi32, #tpu.memory_space<hbm>>
      %dma_wait3A_182 = tpu.memref_squeeze %dma_wait3A_181 : memref<1x1x128xi32, #tpu.memory_space<hbm>> -> memref<128xi32, #tpu.memory_space<hbm>>
      %dma_wait3A_183 = arith.constant 0 : i32
      %dma_wait3A_184 = tpu.memref_slice %arg3[%add3A, %run_scoped3A, %dma_wait3A_183] : memref<32x79x128xi32, #tpu.memory_space<hbm>> -> memref<1x1x128xi32, #tpu.memory_space<hbm>>
      %dma_wait3A_185 = tpu.memref_squeeze %dma_wait3A_184 : memref<1x1x128xi32, #tpu.memory_space<hbm>> -> memref<128xi32, #tpu.memory_space<hbm>>
      tpu.wait_dma2 semaphore(%run_scoped3A_174 : memref<!tpu.dma_semaphore, #tpu.memory_space<semaphore_mem>>) src(%dma_wait3A_185 : memref<128xi32, #tpu.memory_space<hbm>>) dst(%arg7 : memref<128xi32, #tpu.memory_space<vmem>>)
      tpu.yield
    }) : () -> ()
    %get3A = arith.constant 0 : index
    %get3A_13 = tpu.vector_load %arg7[%get3A] {strides = array<i32>} : memref<128xi32, #tpu.memory_space<vmem>>, vector<16xi32>,
    %get3A_14 = vector.shape_cast %get3A_13 : vector<16xi32> to vector<16xi32>
    %get3A_15 = arith.constant 0 : i32
    %get3A_16 = arith.index_cast %get3A_15 : i32 to index
    %get3A_17 = arith.constant 0 : index
    %get3A_18 = tpu.vector_load %arg6[%get3A_16, %get3A_17] {strides = array<i32>} : memref<79x128xi32, #tpu.memory_space<vmem>>, vector<1x16xi32>,
    %get3A_19 = vector.shape_cast %get3A_18 : vector<1x16xi32> to vector<16xi32>
    %eq3A = arith.cmpi eq, %get3A_14, %get3A_19 : vector<16xi32>
    %jit3A = arith.constant 10000 : i32
    %broadcast_in_dim3A_20 = vector.broadcast %jit3A : i32 to vector<16xi32>
    %select_n3A = arith.select %eq3A, %broadcast_in_dim3A_20, %get3A_14 : vector<16xi1>, vector<16xi32>
    %swap3A = arith.constant 0 : i32
    %swap3A_21 = arith.index_cast %swap3A : i32 to index
    %swap3A_22 = arith.constant 0 : index
    %swap3A_23 = tpu.vector_load %arg8[%swap3A_21, %swap3A_22] {strides = array<i32>} : memref<2x128xi32, #tpu.memory_space<vmem>>, vector<1x16xi32>,
    %swap3A_24 = vector.shape_cast %swap3A_23 : vector<1x16xi32> to vector<16xi32>
    %swap3A_25 = vector.shape_cast %select_n3A : vector<16xi32> to vector<1x16xi32>
    tpu.vector_store %arg8[%swap3A_21, %swap3A_22], %swap3A_25 {strides = array<i32>} : memref<2x128xi32, #tpu.memory_space<vmem>>, vector<1x16xi32>,
    %get3A_26 = arith.constant 16 : index
    %get3A_27 = tpu.vector_load %arg7[%get3A_26] {strides = array<i32>} : memref<128xi32, #tpu.memory_space<vmem>>, vector<16xi32>,
    %get3A_28 = vector.shape_cast %get3A_27 : vector<16xi32> to vector<16xi32>
    %get3A_29 = arith.constant 0 : i32
    %get3A_30 = arith.index_cast %get3A_29 : i32 to index
    %get3A_31 = arith.constant 16 : index
    %get3A_32 = tpu.vector_load %arg6[%get3A_30, %get3A_31] {strides = array<i32>} : memref<79x128xi32, #tpu.memory_space<vmem>>, vector<1x16xi32>,
    %get3A_33 = vector.shape_cast %get3A_32 : vector<1x16xi32> to vector<16xi32>
    %eq3A_34 = arith.cmpi eq, %get3A_28, %get3A_33 : vector<16xi32>
    %jit3A_35 = arith.constant 10000 : i32
    %broadcast_in_dim3A_36 = vector.broadcast %jit3A_35 : i32 to vector<16xi32>
    %select_n3A_37 = arith.select %eq3A_34, %broadcast_in_dim3A_36, %get3A_28 : vector<16xi1>, vector<16xi32>
    %swap3A_38 = arith.constant 0 : i32
    %swap3A_39 = arith.index_cast %swap3A_38 : i32 to index
    %swap3A_40 = arith.constant 16 : index
    %swap3A_41 = tpu.vector_load %arg8[%swap3A_39, %swap3A_40] {strides = array<i32>} : memref<2x128xi32, #tpu.memory_space<vmem>>, vector<1x16xi32>,
    %swap3A_42 = vector.shape_cast %swap3A_41 : vector<1x16xi32> to vector<16xi32>
    %swap3A_43 = vector.shape_cast %select_n3A_37 : vector<16xi32> to vector<1x16xi32>
    tpu.vector_store %arg8[%swap3A_39, %swap3A_40], %swap3A_43 {strides = array<i32>} : memref<2x128xi32, #tpu.memory_space<vmem>>, vector<1x16xi32>,
    %get3A_44 = arith.constant 32 : index
    %get3A_45 = tpu.vector_load %arg7[%get3A_44] {strides = array<i32>} : memref<128xi32, #tpu.memory_space<vmem>>, vector<16xi32>,
    %get3A_46 = vector.shape_cast %get3A_45 : vector<16xi32> to vector<16xi32>
    %get3A_47 = arith.constant 0 : i32
    %get3A_48 = arith.index_cast %get3A_47 : i32 to index
    %get3A_49 = arith.constant 32 : index
    %get3A_50 = tpu.vector_load %arg6[%get3A_48, %get3A_49] {strides = array<i32>} : memref<79x128xi32, #tpu.memory_space<vmem>>, vector<1x16xi32>,
    %get3A_51 = vector.shape_cast %get3A_50 : vector<1x16xi32> to vector<16xi32>
    %eq3A_52 = arith.cmpi eq, %get3A_46, %get3A_51 : vector<16xi32>
    %jit3A_53 = arith.constant 10000 : i32
    %broadcast_in_dim3A_54 = vector.broadcast %jit3A_53 : i32 to vector<16xi32>
    %select_n3A_55 = arith.select %eq3A_52, %broadcast_in_dim3A_54, %get3A_46 : vector<16xi1>, vector<16xi32>
    %swap3A_56 = arith.constant 0 : i32
    %swap3A_57 = arith.index_cast %swap3A_56 : i32 to index
    %swap3A_58 = arith.constant 32 : index
    %swap3A_59 = tpu.vector_load %arg8[%swap3A_57, %swap3A_58] {strides = array<i32>} : memref<2x128xi32, #tpu.memory_space<vmem>>, vector<1x16xi32>,
    %swap3A_60 = vector.shape_cast %swap3A_59 : vector<1x16xi32> to vector<16xi32>
    %swap3A_61 = vector.shape_cast %select_n3A_55 : vector<16xi32> to vector<1x16xi32>
    tpu.vector_store %arg8[%swap3A_57, %swap3A_58], %swap3A_61 {strides = array<i32>} : memref<2x128xi32, #tpu.memory_space<vmem>>, vector<1x16xi32>,
    %get3A_62 = arith.constant 48 : index
    %get3A_63 = tpu.vector_load %arg7[%get3A_62] {strides = array<i32>} : memref<128xi32, #tpu.memory_space<vmem>>, vector<16xi32>,
    %get3A_64 = vector.shape_cast %get3A_63 : vector<16xi32> to vector<16xi32>
    %get3A_65 = arith.constant 0 : i32
    %get3A_66 = arith.index_cast %get3A_65 : i32 to index
    %get3A_67 = arith.constant 48 : index
    %get3A_68 = tpu.vector_load %arg6[%get3A_66, %get3A_67] {strides = array<i32>} : memref<79x128xi32, #tpu.memory_space<vmem>>, vector<1x16xi32>,
    %get3A_69 = vector.shape_cast %get3A_68 : vector<1x16xi32> to vector<16xi32>
    %eq3A_70 = arith.cmpi eq, %get3A_64, %get3A_69 : vector<16xi32>
    %jit3A_71 = arith.constant 10000 : i32
    %broadcast_in_dim3A_72 = vector.broadcast %jit3A_71 : i32 to vector<16xi32>
    %select_n3A_73 = arith.select %eq3A_70, %broadcast_in_dim3A_72, %get3A_64 : vector<16xi1>, vector<16xi32>
    %swap3A_74 = arith.constant 0 : i32
    %swap3A_75 = arith.index_cast %swap3A_74 : i32 to index
    %swap3A_76 = arith.constant 48 : index
    %swap3A_77 = tpu.vector_load %arg8[%swap3A_75, %swap3A_76] {strides = array<i32>} : memref<2x128xi32, #tpu.memory_space<vmem>>, vector<1x16xi32>,
    %swap3A_78 = vector.shape_cast %swap3A_77 : vector<1x16xi32> to vector<16xi32>
    %swap3A_79 = vector.shape_cast %select_n3A_73 : vector<16xi32> to vector<1x16xi32>
    tpu.vector_store %arg8[%swap3A_75, %swap3A_76], %swap3A_79 {strides = array<i32>} : memref<2x128xi32, #tpu.memory_space<vmem>>, vector<1x16xi32>,
    %get3A_80 = arith.constant 64 : index
    %get3A_81 = tpu.vector_load %arg7[%get3A_80] {strides = array<i32>} : memref<128xi32, #tpu.memory_space<vmem>>, vector<16xi32>,
    %get3A_82 = vector.shape_cast %get3A_81 : vector<16xi32> to vector<16xi32>
    %get3A_83 = arith.constant 0 : i32
    %get3A_84 = arith.index_cast %get3A_83 : i32 to index
    %get3A_85 = arith.constant 64 : index
    %get3A_86 = tpu.vector_load %arg6[%get3A_84, %get3A_85] {strides = array<i32>} : memref<79x128xi32, #tpu.memory_space<vmem>>, vector<1x16xi32>,
    %get3A_87 = vector.shape_cast %get3A_86 : vector<1x16xi32> to vector<16xi32>
    %eq3A_88 = arith.cmpi eq, %get3A_82, %get3A_87 : vector<16xi32>
    %jit3A_89 = arith.constant 10000 : i32
    %broadcast_in_dim3A_90 = vector.broadcast %jit3A_89 : i32 to vector<16xi32>
    %select_n3A_91 = arith.select %eq3A_88, %broadcast_in_dim3A_90, %get3A_82 : vector<16xi1>, vector<16xi32>
    %swap3A_92 = arith.constant 0 : i32
    %swap3A_93 = arith.index_cast %swap3A_92 : i32 to index
    %swap3A_94 = arith.constant 64 : index
    %swap3A_95 = tpu.vector_load %arg8[%swap3A_93, %swap3A_94] {strides = array<i32>} : memref<2x128xi32, #tpu.memory_space<vmem>>, vector<1x16xi32>,
    %swap3A_96 = vector.shape_cast %swap3A_95 : vector<1x16xi32> to vector<16xi32>
    %swap3A_97 = vector.shape_cast %select_n3A_91 : vector<16xi32> to vector<1x16xi32>
    tpu.vector_store %arg8[%swap3A_93, %swap3A_94], %swap3A_97 {strides = array<i32>} : memref<2x128xi32, #tpu.memory_space<vmem>>, vector<1x16xi32>,
    %get3A_98 = arith.constant 80 : index
    %get3A_99 = tpu.vector_load %arg7[%get3A_98] {strides = array<i32>} : memref<128xi32, #tpu.memory_space<vmem>>, vector<16xi32>,
    %get3A_100 = vector.shape_cast %get3A_99 : vector<16xi32> to vector<16xi32>
    %get3A_101 = arith.constant 0 : i32
    %get3A_102 = arith.index_cast %get3A_101 : i32 to index
    %get3A_103 = arith.constant 80 : index
    %get3A_104 = tpu.vector_load %arg6[%get3A_102, %get3A_103] {strides = array<i32>} : memref<79x128xi32, #tpu.memory_space<vmem>>, vector<1x16xi32>,
    %get3A_105 = vector.shape_cast %get3A_104 : vector<1x16xi32> to vector<16xi32>
    %eq3A_106 = arith.cmpi eq, %get3A_100, %get3A_105 : vector<16xi32>
    %jit3A_107 = arith.constant 10000 : i32
    %broadcast_in_dim3A_108 = vector.broadcast %jit3A_107 : i32 to vector<16xi32>
    %select_n3A_109 = arith.select %eq3A_106, %broadcast_in_dim3A_108, %get3A_100 : vector<16xi1>, vector<16xi32>
    %swap3A_110 = arith.constant 0 : i32
    %swap3A_111 = arith.index_cast %swap3A_110 : i32 to index
    %swap3A_112 = arith.constant 80 : index
    %swap3A_113 = tpu.vector_load %arg8[%swap3A_111, %swap3A_112] {strides = array<i32>} : memref<2x128xi32, #tpu.memory_space<vmem>>, vector<1x16xi32>,
    %swap3A_114 = vector.shape_cast %swap3A_113 : vector<1x16xi32> to vector<16xi32>
    %swap3A_115 = vector.shape_cast %select_n3A_109 : vector<16xi32> to vector<1x16xi32>
    tpu.vector_store %arg8[%swap3A_111, %swap3A_112], %swap3A_115 {strides = array<i32>} : memref<2x128xi32, #tpu.memory_space<vmem>>, vector<1x16xi32>,
    %get3A_116 = arith.constant 96 : index
    %get3A_117 = tpu.vector_load %arg7[%get3A_116] {strides = array<i32>} : memref<128xi32, #tpu.memory_space<vmem>>, vector<16xi32>,
    %get3A_118 = vector.shape_cast %get3A_117 : vector<16xi32> to vector<16xi32>
    %get3A_119 = arith.constant 0 : i32
    %get3A_120 = arith.index_cast %get3A_119 : i32 to index
    %get3A_121 = arith.constant 96 : index
    %get3A_122 = tpu.vector_load %arg6[%get3A_120, %get3A_121] {strides = array<i32>} : memref<79x128xi32, #tpu.memory_space<vmem>>, vector<1x16xi32>,
    %get3A_123 = vector.shape_cast %get3A_122 : vector<1x16xi32> to vector<16xi32>
    %eq3A_124 = arith.cmpi eq, %get3A_118, %get3A_123 : vector<16xi32>
    %jit3A_125 = arith.constant 10000 : i32
    %broadcast_in_dim3A_126 = vector.broadcast %jit3A_125 : i32 to vector<16xi32>
    %select_n3A_127 = arith.select %eq3A_124, %broadcast_in_dim3A_126, %get3A_118 : vector<16xi1>, vector<16xi32>
    %swap3A_128 = arith.constant 0 : i32
    %swap3A_129 = arith.index_cast %swap3A_128 : i32 to index
    %swap3A_130 = arith.constant 96 : index
    %swap3A_131 = tpu.vector_load %arg8[%swap3A_129, %swap3A_130] {strides = array<i32>} : memref<2x128xi32, #tpu.memory_space<vmem>>, vector<1x16xi32>,
    %swap3A_132 = vector.shape_cast %swap3A_131 : vector<1x16xi32> to vector<16xi32>
    %swap3A_133 = vector.shape_cast %select_n3A_127 : vector<16xi32> to vector<1x16xi32>
    tpu.vector_store %arg8[%swap3A_129, %swap3A_130], %swap3A_133 {strides = array<i32>} : memref<2x128xi32, #tpu.memory_space<vmem>>, vector<1x16xi32>,
    %get3A_134 = arith.constant 112 : index
    %get3A_135 = tpu.vector_load %arg7[%get3A_134] {strides = array<i32>} : memref<128xi32, #tpu.memory_space<vmem>>, vector<16xi32>,
    %get3A_136 = vector.shape_cast %get3A_135 : vector<16xi32> to vector<16xi32>
    %get3A_137 = arith.constant 0 : i32
    %get3A_138 = arith.index_cast %get3A_137 : i32 to index
    %get3A_139 = arith.constant 112 : index
    %get3A_140 = tpu.vector_load %arg6[%get3A_138, %get3A_139] {strides = array<i32>} : memref<79x128xi32, #tpu.memory_space<vmem>>, vector<1x16xi32>,
    %get3A_141 = vector.shape_cast %get3A_140 : vector<1x16xi32> to vector<16xi32>
    %eq3A_142 = arith.cmpi eq, %get3A_136, %get3A_141 : vector<16xi32>
    %jit3A_143 = arith.constant 10000 : i32
    %broadcast_in_dim3A_144 = vector.broadcast %jit3A_143 : i32 to vector<16xi32>
    %select_n3A_145 = arith.select %eq3A_142, %broadcast_in_dim3A_144, %get3A_136 : vector<16xi1>, vector<16xi32>
    %swap3A_146 = arith.constant 0 : i32
    %swap3A_147 = arith.index_cast %swap3A_146 : i32 to index
    %swap3A_148 = arith.constant 112 : index
    %swap3A_149 = tpu.vector_load %arg8[%swap3A_147, %swap3A_148] {strides = array<i32>} : memref<2x128xi32, #tpu.memory_space<vmem>>, vector<1x16xi32>,
    %swap3A_150 = vector.shape_cast %swap3A_149 : vector<1x16xi32> to vector<16xi32>
    %swap3A_151 = vector.shape_cast %select_n3A_145 : vector<16xi32> to vector<1x16xi32>
    tpu.vector_store %arg8[%swap3A_147, %swap3A_148], %swap3A_151 {strides = array<i32>} : memref<2x128xi32, #tpu.memory_space<vmem>>, vector<1x16xi32>,
    %dma_start3A = arith.constant 0 : i32
    %dma_start3A_152 = arith.constant 0 : i32
    %dma_start3A_153 = arith.constant 0 : i32
    %dma_start3A_154 = arith.constant 0 : i32
    %dma_start3A_155 = tpu.memref_slice %arg10[%dma_start3A_152, %dma_start3A_153, %dma_start3A_154] : memref<2x128x128xf32, #tpu.memory_space<vmem>> -> memref<1x128x128xf32, #tpu.memory_space<vmem>>
    %dma_start3A_156 = tpu.memref_squeeze %dma_start3A_155 : memref<1x128x128xf32, #tpu.memory_space<vmem>> -> memref<128x128xf32, #tpu.memory_space<vmem>>
    %dma_start3A_157 = arith.constant 0 : i32
    %dma_start3A_158 = tpu.memref_slice %arg8[%dma_start3A, %dma_start3A_157] : memref<2x128xi32, #tpu.memory_space<vmem>> -> memref<1x128xi32, #tpu.memory_space<vmem>>
    %dma_start3A_159 = tpu.memref_squeeze %dma_start3A_158 : memref<1x128xi32, #tpu.memory_space<vmem>> -> memref<128xi32, #tpu.memory_space<vmem>>
    %dma_start3A_160 = arith.constant 0 : i32
    %dma_start3A_161 = arith.constant 0 : i32
    %dma_start3A_162 = tpu.memref_slice %arg2[%dma_start3A_160, %dma_start3A_161] : memref<10240x128xf32, #tpu.memory_space<hbm>> -> memref<10240x128xf32, #tpu.memory_space<hbm>>
    tpu.enqueue_indirect_dma source(%dma_start3A_162 : memref<10240x128xf32, #tpu.memory_space<hbm>>) target(%dma_start3A_156 : memref<128x128xf32, #tpu.memory_space<vmem>>) offsets(%dma_start3A_159 : memref<128xi32, #tpu.memory_space<vmem>>) semaphore(%arg12 : memref<!tpu.dma_semaphore, #tpu.memory_space<semaphore_mem>>)
    %scan3A_163 = arith.constant 0 : i32
    %scan3A_164 = arith.constant 0 : i32
    %scan3A_165 = arith.constant 79 : i32
    %scan3A_166 = arith.addi %scan3A_164, %scan3A_165 : i32
    %scan3A_167 = arith.constant 1 : i32
    scf.for %scan3A_174 = %scan3A_164 to %scan3A_166 step %scan3A_167  : i32 {
      %rem3A = arith.constant 2 : i32
      %rem3A_175 = arith.remsi %scan3A_174, %rem3A : i32
      %dma_wait3A = arith.constant 0 : i32
      %dma_wait3A_176 = arith.constant 0 : i32
      %dma_wait3A_177 = tpu.memref_slice %arg10[%rem3A_175, %dma_wait3A, %dma_wait3A_176] : memref<2x128x128xf32, #tpu.memory_space<vmem>> -> memref<1x128x128xf32, #tpu.memory_space<vmem>>
      %dma_wait3A_178 = tpu.memref_squeeze %dma_wait3A_177 : memref<1x128x128xf32, #tpu.memory_space<vmem>> -> memref<128x128xf32, #tpu.memory_space<vmem>>
      %dma_wait3A_179 = arith.constant 0 : i32
      %dma_wait3A_180 = tpu.memref_slice %arg8[%rem3A_175, %dma_wait3A_179] : memref<2x128xi32, #tpu.memory_space<vmem>> -> memref<1x128xi32, #tpu.memory_space<vmem>>
      %dma_wait3A_181 = tpu.memref_squeeze %dma_wait3A_180 : memref<1x128xi32, #tpu.memory_space<vmem>> -> memref<128xi32, #tpu.memory_space<vmem>>
      %dma_wait3A_182 = arith.constant 0 : i32
      %dma_wait3A_183 = arith.constant 0 : i32
      %dma_wait3A_184 = tpu.memref_slice %arg2[%dma_wait3A_182, %dma_wait3A_183] : memref<10240x128xf32, #tpu.memory_space<hbm>> -> memref<10240x128xf32, #tpu.memory_space<hbm>>
      tpu.wait_indirect_dma semaphore(%arg12 : memref<!tpu.dma_semaphore, #tpu.memory_space<semaphore_mem>>) src(%dma_wait3A_184 : memref<10240x128xf32, #tpu.memory_space<hbm>>) dst(%dma_wait3A_178 : memref<128x128xf32, #tpu.memory_space<vmem>>)
      %lt3A = arith.constant 78 : i32
      %lt3A_185 = arith.cmpi slt, %scan3A_174, %lt3A : i32
      %convert_element_type3A = arith.extui %lt3A_185 : i1 to i32
      %cond3A = arith.constant 0 : i32
      %cond3A_186 = arith.cmpi ne, %convert_element_type3A, %cond3A : i32
      scf.if %cond3A_186 {
        %add3A_251 = arith.constant 1 : i32
        %add3A_252 = arith.addi %scan3A_174, %add3A_251 : i32
        %sub3A = arith.constant 1 : i32
        %sub3A_253 = arith.subi %sub3A, %rem3A_175 : i32
        "tpu.region"() ({
          %run_scoped3A_394 = tpu.sem_alloc : memref<!tpu.dma_semaphore, #tpu.memory_space<semaphore_mem>>
          %dma_start3A_395 = arith.constant 0 : i32
          %dma_start3A_396 = tpu.memref_slice %arg3[%add3A, %add3A_252, %dma_start3A_395] : memref<32x79x128xi32, #tpu.memory_space<hbm>> -> memref<1x1x128xi32, #tpu.memory_space<hbm>>
          %dma_start3A_397 = tpu.memref_squeeze %dma_start3A_396 : memref<1x1x128xi32, #tpu.memory_space<hbm>> -> memref<128xi32, #tpu.memory_space<hbm>>
          %dma_start3A_398 = arith.constant 0 : i32
          %dma_start3A_399 = tpu.memref_slice %arg3[%add3A, %add3A_252, %dma_start3A_398] : memref<32x79x128xi32, #tpu.memory_space<hbm>> -> memref<1x1x128xi32, #tpu.memory_space<hbm>>
          %dma_start3A_400 = tpu.memref_squeeze %dma_start3A_399 : memref<1x1x128xi32, #tpu.memory_space<hbm>> -> memref<128xi32, #tpu.memory_space<hbm>>
          tpu.enqueue_dma source(%dma_start3A_400 : memref<128xi32, #tpu.memory_space<hbm>>) target(%arg7 : memref<128xi32, #tpu.memory_space<vmem>>) target_semaphore(%run_scoped3A_394 : memref<!tpu.dma_semaphore, #tpu.memory_space<semaphore_mem>>)
          %dma_wait3A_401 = arith.constant 0 : i32
          %dma_wait3A_402 = tpu.memref_slice %arg3[%add3A, %add3A_252, %dma_wait3A_401] : memref<32x79x128xi32, #tpu.memory_space<hbm>> -> memref<1x1x128xi32, #tpu.memory_space<hbm>>
          %dma_wait3A_403 = tpu.memref_squeeze %dma_wait3A_402 : memref<1x1x128xi32, #tpu.memory_space<hbm>> -> memref<128xi32, #tpu.memory_space<hbm>>
          %dma_wait3A_404 = arith.constant 0 : i32
          %dma_wait3A_405 = tpu.memref_slice %arg3[%add3A, %add3A_252, %dma_wait3A_404] : memref<32x79x128xi32, #tpu.memory_space<hbm>> -> memref<1x1x128xi32, #tpu.memory_space<hbm>>
          %dma_wait3A_406 = tpu.memref_squeeze %dma_wait3A_405 : memref<1x1x128xi32, #tpu.memory_space<hbm>> -> memref<128xi32, #tpu.memory_space<hbm>>
          tpu.wait_dma2 semaphore(%run_scoped3A_394 : memref<!tpu.dma_semaphore, #tpu.memory_space<semaphore_mem>>) src(%dma_wait3A_406 : memref<128xi32, #tpu.memory_space<hbm>>) dst(%arg7 : memref<128xi32, #tpu.memory_space<vmem>>)
          tpu.yield
        }) : () -> ()
        %get3A_254 = arith.constant 0 : index
        %get3A_255 = tpu.vector_load %arg7[%get3A_254] {strides = array<i32>} : memref<128xi32, #tpu.memory_space<vmem>>, vector<16xi32>,
        %get3A_256 = vector.shape_cast %get3A_255 : vector<16xi32> to vector<16xi32>
        %get3A_257 = arith.index_cast %add3A_252 : i32 to index
        %get3A_258 = arith.constant 0 : index
        %get3A_259 = tpu.vector_load %arg6[%get3A_257, %get3A_258] {strides = array<i32>} : memref<79x128xi32, #tpu.memory_space<vmem>>, vector<1x16xi32>,
        %get3A_260 = vector.shape_cast %get3A_259 : vector<1x16xi32> to vector<16xi32>
        %eq3A_261 = arith.cmpi eq, %get3A_256, %get3A_260 : vector<16xi32>
        %jit3A_262 = arith.constant 10000 : i32
        %broadcast_in_dim3A_263 = vector.broadcast %jit3A_262 : i32 to vector<16xi32>
        %select_n3A_264 = arith.select %eq3A_261, %broadcast_in_dim3A_263, %get3A_256 : vector<16xi1>, vector<16xi32>
        %swap3A_265 = arith.index_cast %sub3A_253 : i32 to index
        %swap3A_266 = arith.constant 0 : index
        %swap3A_267 = tpu.vector_load %arg8[%swap3A_265, %swap3A_266] {strides = array<i32>} : memref<2x128xi32, #tpu.memory_space<vmem>>, vector<1x16xi32>,
        %swap3A_268 = vector.shape_cast %swap3A_267 : vector<1x16xi32> to vector<16xi32>
        %swap3A_269 = vector.shape_cast %select_n3A_264 : vector<16xi32> to vector<1x16xi32>
        tpu.vector_store %arg8[%swap3A_265, %swap3A_266], %swap3A_269 {strides = array<i32>} : memref<2x128xi32, #tpu.memory_space<vmem>>, vector<1x16xi32>,
        %get3A_270 = arith.constant 16 : index
        %get3A_271 = tpu.vector_load %arg7[%get3A_270] {strides = array<i32>} : memref<128xi32, #tpu.memory_space<vmem>>, vector<16xi32>,
        %get3A_272 = vector.shape_cast %get3A_271 : vector<16xi32> to vector<16xi32>
        %get3A_273 = arith.index_cast %add3A_252 : i32 to index
        %get3A_274 = arith.constant 16 : index
        %get3A_275 = tpu.vector_load %arg6[%get3A_273, %get3A_274] {strides = array<i32>} : memref<79x128xi32, #tpu.memory_space<vmem>>, vector<1x16xi32>,
        %get3A_276 = vector.shape_cast %get3A_275 : vector<1x16xi32> to vector<16xi32>
        %eq3A_277 = arith.cmpi eq, %get3A_272, %get3A_276 : vector<16xi32>
        %jit3A_278 = arith.constant 10000 : i32
        %broadcast_in_dim3A_279 = vector.broadcast %jit3A_278 : i32 to vector<16xi32>
        %select_n3A_280 = arith.select %eq3A_277, %broadcast_in_dim3A_279, %get3A_272 : vector<16xi1>, vector<16xi32>
        %swap3A_281 = arith.index_cast %sub3A_253 : i32 to index
        %swap3A_282 = arith.constant 16 : index
        %swap3A_283 = tpu.vector_load %arg8[%swap3A_281, %swap3A_282] {strides = array<i32>} : memref<2x128xi32, #tpu.memory_space<vmem>>, vector<1x16xi32>,
        %swap3A_284 = vector.shape_cast %swap3A_283 : vector<1x16xi32> to vector<16xi32>
        %swap3A_285 = vector.shape_cast %select_n3A_280 : vector<16xi32> to vector<1x16xi32>
        tpu.vector_store %arg8[%swap3A_281, %swap3A_282], %swap3A_285 {strides = array<i32>} : memref<2x128xi32, #tpu.memory_space<vmem>>, vector<1x16xi32>,
        %get3A_286 = arith.constant 32 : index
        %get3A_287 = tpu.vector_load %arg7[%get3A_286] {strides = array<i32>} : memref<128xi32, #tpu.memory_space<vmem>>, vector<16xi32>,
        %get3A_288 = vector.shape_cast %get3A_287 : vector<16xi32> to vector<16xi32>
        %get3A_289 = arith.index_cast %add3A_252 : i32 to index
        %get3A_290 = arith.constant 32 : index
        %get3A_291 = tpu.vector_load %arg6[%get3A_289, %get3A_290] {strides = array<i32>} : memref<79x128xi32, #tpu.memory_space<vmem>>, vector<1x16xi32>,
        %get3A_292 = vector.shape_cast %get3A_291 : vector<1x16xi32> to vector<16xi32>
        %eq3A_293 = arith.cmpi eq, %get3A_288, %get3A_292 : vector<16xi32>
        %jit3A_294 = arith.constant 10000 : i32
        %broadcast_in_dim3A_295 = vector.broadcast %jit3A_294 : i32 to vector<16xi32>
        %select_n3A_296 = arith.select %eq3A_293, %broadcast_in_dim3A_295, %get3A_288 : vector<16xi1>, vector<16xi32>
        %swap3A_297 = arith.index_cast %sub3A_253 : i32 to index
        %swap3A_298 = arith.constant 32 : index
        %swap3A_299 = tpu.vector_load %arg8[%swap3A_297, %swap3A_298] {strides = array<i32>} : memref<2x128xi32, #tpu.memory_space<vmem>>, vector<1x16xi32>,
        %swap3A_300 = vector.shape_cast %swap3A_299 : vector<1x16xi32> to vector<16xi32>
        %swap3A_301 = vector.shape_cast %select_n3A_296 : vector<16xi32> to vector<1x16xi32>
        tpu.vector_store %arg8[%swap3A_297, %swap3A_298], %swap3A_301 {strides = array<i32>} : memref<2x128xi32, #tpu.memory_space<vmem>>, vector<1x16xi32>,
        %get3A_302 = arith.constant 48 : index
        %get3A_303 = tpu.vector_load %arg7[%get3A_302] {strides = array<i32>} : memref<128xi32, #tpu.memory_space<vmem>>, vector<16xi32>,
        %get3A_304 = vector.shape_cast %get3A_303 : vector<16xi32> to vector<16xi32>
        %get3A_305 = arith.index_cast %add3A_252 : i32 to index
        %get3A_306 = arith.constant 48 : index
        %get3A_307 = tpu.vector_load %arg6[%get3A_305, %get3A_306] {strides = array<i32>} : memref<79x128xi32, #tpu.memory_space<vmem>>, vector<1x16xi32>,
        %get3A_308 = vector.shape_cast %get3A_307 : vector<1x16xi32> to vector<16xi32>
        %eq3A_309 = arith.cmpi eq, %get3A_304, %get3A_308 : vector<16xi32>
        %jit3A_310 = arith.constant 10000 : i32
        %broadcast_in_dim3A_311 = vector.broadcast %jit3A_310 : i32 to vector<16xi32>
        %select_n3A_312 = arith.select %eq3A_309, %broadcast_in_dim3A_311, %get3A_304 : vector<16xi1>, vector<16xi32>
        %swap3A_313 = arith.index_cast %sub3A_253 : i32 to index
        %swap3A_314 = arith.constant 48 : index
        %swap3A_315 = tpu.vector_load %arg8[%swap3A_313, %swap3A_314] {strides = array<i32>} : memref<2x128xi32, #tpu.memory_space<vmem>>, vector<1x16xi32>,
        %swap3A_316 = vector.shape_cast %swap3A_315 : vector<1x16xi32> to vector<16xi32>
        %swap3A_317 = vector.shape_cast %select_n3A_312 : vector<16xi32> to vector<1x16xi32>
        tpu.vector_store %arg8[%swap3A_313, %swap3A_314], %swap3A_317 {strides = array<i32>} : memref<2x128xi32, #tpu.memory_space<vmem>>, vector<1x16xi32>,
        %get3A_318 = arith.constant 64 : index
        %get3A_319 = tpu.vector_load %arg7[%get3A_318] {strides = array<i32>} : memref<128xi32, #tpu.memory_space<vmem>>, vector<16xi32>,
        %get3A_320 = vector.shape_cast %get3A_319 : vector<16xi32> to vector<16xi32>
        %get3A_321 = arith.index_cast %add3A_252 : i32 to index
        %get3A_322 = arith.constant 64 : index
        %get3A_323 = tpu.vector_load %arg6[%get3A_321, %get3A_322] {strides = array<i32>} : memref<79x128xi32, #tpu.memory_space<vmem>>, vector<1x16xi32>,
        %get3A_324 = vector.shape_cast %get3A_323 : vector<1x16xi32> to vector<16xi32>
        %eq3A_325 = arith.cmpi eq, %get3A_320, %get3A_324 : vector<16xi32>
        %jit3A_326 = arith.constant 10000 : i32
        %broadcast_in_dim3A_327 = vector.broadcast %jit3A_326 : i32 to vector<16xi32>
        %select_n3A_328 = arith.select %eq3A_325, %broadcast_in_dim3A_327, %get3A_320 : vector<16xi1>, vector<16xi32>
        %swap3A_329 = arith.index_cast %sub3A_253 : i32 to index
        %swap3A_330 = arith.constant 64 : index
        %swap3A_331 = tpu.vector_load %arg8[%swap3A_329, %swap3A_330] {strides = array<i32>} : memref<2x128xi32, #tpu.memory_space<vmem>>, vector<1x16xi32>,
        %swap3A_332 = vector.shape_cast %swap3A_331 : vector<1x16xi32> to vector<16xi32>
        %swap3A_333 = vector.shape_cast %select_n3A_328 : vector<16xi32> to vector<1x16xi32>
        tpu.vector_store %arg8[%swap3A_329, %swap3A_330], %swap3A_333 {strides = array<i32>} : memref<2x128xi32, #tpu.memory_space<vmem>>, vector<1x16xi32>,
        %get3A_334 = arith.constant 80 : index
        %get3A_335 = tpu.vector_load %arg7[%get3A_334] {strides = array<i32>} : memref<128xi32, #tpu.memory_space<vmem>>, vector<16xi32>,
        %get3A_336 = vector.shape_cast %get3A_335 : vector<16xi32> to vector<16xi32>
        %get3A_337 = arith.index_cast %add3A_252 : i32 to index
        %get3A_338 = arith.constant 80 : index
        %get3A_339 = tpu.vector_load %arg6[%get3A_337, %get3A_338] {strides = array<i32>} : memref<79x128xi32, #tpu.memory_space<vmem>>, vector<1x16xi32>,
        %get3A_340 = vector.shape_cast %get3A_339 : vector<1x16xi32> to vector<16xi32>
        %eq3A_341 = arith.cmpi eq, %get3A_336, %get3A_340 : vector<16xi32>
        %jit3A_342 = arith.constant 10000 : i32
        %broadcast_in_dim3A_343 = vector.broadcast %jit3A_342 : i32 to vector<16xi32>
        %select_n3A_344 = arith.select %eq3A_341, %broadcast_in_dim3A_343, %get3A_336 : vector<16xi1>, vector<16xi32>
        %swap3A_345 = arith.index_cast %sub3A_253 : i32 to index
        %swap3A_346 = arith.constant 80 : index
        %swap3A_347 = tpu.vector_load %arg8[%swap3A_345, %swap3A_346] {strides = array<i32>} : memref<2x128xi32, #tpu.memory_space<vmem>>, vector<1x16xi32>,
        %swap3A_348 = vector.shape_cast %swap3A_347 : vector<1x16xi32> to vector<16xi32>
        %swap3A_349 = vector.shape_cast %select_n3A_344 : vector<16xi32> to vector<1x16xi32>
        tpu.vector_store %arg8[%swap3A_345, %swap3A_346], %swap3A_349 {strides = array<i32>} : memref<2x128xi32, #tpu.memory_space<vmem>>, vector<1x16xi32>,
        %get3A_350 = arith.constant 96 : index
        %get3A_351 = tpu.vector_load %arg7[%get3A_350] {strides = array<i32>} : memref<128xi32, #tpu.memory_space<vmem>>, vector<16xi32>,
        %get3A_352 = vector.shape_cast %get3A_351 : vector<16xi32> to vector<16xi32>
        %get3A_353 = arith.index_cast %add3A_252 : i32 to index
        %get3A_354 = arith.constant 96 : index
        %get3A_355 = tpu.vector_load %arg6[%get3A_353, %get3A_354] {strides = array<i32>} : memref<79x128xi32, #tpu.memory_space<vmem>>, vector<1x16xi32>,
        %get3A_356 = vector.shape_cast %get3A_355 : vector<1x16xi32> to vector<16xi32>
        %eq3A_357 = arith.cmpi eq, %get3A_352, %get3A_356 : vector<16xi32>
        %jit3A_358 = arith.constant 10000 : i32
        %broadcast_in_dim3A_359 = vector.broadcast %jit3A_358 : i32 to vector<16xi32>
        %select_n3A_360 = arith.select %eq3A_357, %broadcast_in_dim3A_359, %get3A_352 : vector<16xi1>, vector<16xi32>
        %swap3A_361 = arith.index_cast %sub3A_253 : i32 to index
        %swap3A_362 = arith.constant 96 : index
        %swap3A_363 = tpu.vector_load %arg8[%swap3A_361, %swap3A_362] {strides = array<i32>} : memref<2x128xi32, #tpu.memory_space<vmem>>, vector<1x16xi32>,
        %swap3A_364 = vector.shape_cast %swap3A_363 : vector<1x16xi32> to vector<16xi32>
        %swap3A_365 = vector.shape_cast %select_n3A_360 : vector<16xi32> to vector<1x16xi32>
        tpu.vector_store %arg8[%swap3A_361, %swap3A_362], %swap3A_365 {strides = array<i32>} : memref<2x128xi32, #tpu.memory_space<vmem>>, vector<1x16xi32>,
        %get3A_366 = arith.constant 112 : index
        %get3A_367 = tpu.vector_load %arg7[%get3A_366] {strides = array<i32>} : memref<128xi32, #tpu.memory_space<vmem>>, vector<16xi32>,
        %get3A_368 = vector.shape_cast %get3A_367 : vector<16xi32> to vector<16xi32>
        %get3A_369 = arith.index_cast %add3A_252 : i32 to index
        %get3A_370 = arith.constant 112 : index
        %get3A_371 = tpu.vector_load %arg6[%get3A_369, %get3A_370] {strides = array<i32>} : memref<79x128xi32, #tpu.memory_space<vmem>>, vector<1x16xi32>,
        %get3A_372 = vector.shape_cast %get3A_371 : vector<1x16xi32> to vector<16xi32>
        %eq3A_373 = arith.cmpi eq, %get3A_368, %get3A_372 : vector<16xi32>
        %jit3A_374 = arith.constant 10000 : i32
        %broadcast_in_dim3A_375 = vector.broadcast %jit3A_374 : i32 to vector<16xi32>
        %select_n3A_376 = arith.select %eq3A_373, %broadcast_in_dim3A_375, %get3A_368 : vector<16xi1>, vector<16xi32>
        %swap3A_377 = arith.index_cast %sub3A_253 : i32 to index
        %swap3A_378 = arith.constant 112 : index
        %swap3A_379 = tpu.vector_load %arg8[%swap3A_377, %swap3A_378] {strides = array<i32>} : memref<2x128xi32, #tpu.memory_space<vmem>>, vector<1x16xi32>,
        %swap3A_380 = vector.shape_cast %swap3A_379 : vector<1x16xi32> to vector<16xi32>
        %swap3A_381 = vector.shape_cast %select_n3A_376 : vector<16xi32> to vector<1x16xi32>
        tpu.vector_store %arg8[%swap3A_377, %swap3A_378], %swap3A_381 {strides = array<i32>} : memref<2x128xi32, #tpu.memory_space<vmem>>, vector<1x16xi32>,
        %sub3A_382 = arith.constant 1 : i32
        %sub3A_383 = arith.subi %sub3A_382, %rem3A_175 : i32
        %dma_start3A_384 = arith.constant 0 : i32
        %dma_start3A_385 = arith.constant 0 : i32
        %dma_start3A_386 = tpu.memref_slice %arg10[%sub3A_383, %dma_start3A_384, %dma_start3A_385] : memref<2x128x128xf32, #tpu.memory_space<vmem>> -> memref<1x128x128xf32, #tpu.memory_space<vmem>>
        %dma_start3A_387 = tpu.memref_squeeze %dma_start3A_386 : memref<1x128x128xf32, #tpu.memory_space<vmem>> -> memref<128x128xf32, #tpu.memory_space<vmem>>
        %dma_start3A_388 = arith.constant 0 : i32
        %dma_start3A_389 = tpu.memref_slice %arg8[%sub3A_383, %dma_start3A_388] : memref<2x128xi32, #tpu.memory_space<vmem>> -> memref<1x128xi32, #tpu.memory_space<vmem>>
        %dma_start3A_390 = tpu.memref_squeeze %dma_start3A_389 : memref<1x128xi32, #tpu.memory_space<vmem>> -> memref<128xi32, #tpu.memory_space<vmem>>
        %dma_start3A_391 = arith.constant 0 : i32
        %dma_start3A_392 = arith.constant 0 : i32
        %dma_start3A_393 = tpu.memref_slice %arg2[%dma_start3A_391, %dma_start3A_392] : memref<10240x128xf32, #tpu.memory_space<hbm>> -> memref<10240x128xf32, #tpu.memory_space<hbm>>
        tpu.enqueue_indirect_dma source(%dma_start3A_393 : memref<10240x128xf32, #tpu.memory_space<hbm>>) target(%dma_start3A_387 : memref<128x128xf32, #tpu.memory_space<vmem>>) offsets(%dma_start3A_390 : memref<128xi32, #tpu.memory_space<vmem>>) semaphore(%arg12 : memref<!tpu.dma_semaphore, #tpu.memory_space<semaphore_mem>>)
      } else {
      }
      %get3A_187 = arith.index_cast %scan3A_174 : i32 to index
      %get3A_188 = arith.constant 0 : index
      %get3A_189 = tpu.vector_load %arg6[%get3A_187, %get3A_188] {strides = array<i32>} : memref<79x128xi32, #tpu.memory_space<vmem>>, vector<1x16xi32>,
      %get3A_190 = vector.shape_cast %get3A_189 : vector<1x16xi32> to vector<16xi32>
      %swap3A_191 = arith.constant 0 : index
      %swap3A_192 = tpu.vector_load %arg9[%swap3A_191] {strides = array<i32>} : memref<128xi32, #tpu.memory_space<vmem>>, vector<16xi32>,
      %swap3A_193 = vector.shape_cast %swap3A_192 : vector<16xi32> to vector<16xi32>
      %swap3A_194 = vector.shape_cast %get3A_190 : vector<16xi32> to vector<16xi32>
      tpu.vector_store %arg9[%swap3A_191], %swap3A_194 {strides = array<i32>} : memref<128xi32, #tpu.memory_space<vmem>>, vector<16xi32>,
      %get3A_195 = arith.index_cast %scan3A_174 : i32 to index
      %get3A_196 = arith.constant 16 : index
      %get3A_197 = tpu.vector_load %arg6[%get3A_195, %get3A_196] {strides = array<i32>} : memref<79x128xi32, #tpu.memory_space<vmem>>, vector<1x16xi32>,
      %get3A_198 = vector.shape_cast %get3A_197 : vector<1x16xi32> to vector<16xi32>
      %swap3A_199 = arith.constant 16 : index
      %swap3A_200 = tpu.vector_load %arg9[%swap3A_199] {strides = array<i32>} : memref<128xi32, #tpu.memory_space<vmem>>, vector<16xi32>,
      %swap3A_201 = vector.shape_cast %swap3A_200 : vector<16xi32> to vector<16xi32>
      %swap3A_202 = vector.shape_cast %get3A_198 : vector<16xi32> to vector<16xi32>
      tpu.vector_store %arg9[%swap3A_199], %swap3A_202 {strides = array<i32>} : memref<128xi32, #tpu.memory_space<vmem>>, vector<16xi32>,
      %get3A_203 = arith.index_cast %scan3A_174 : i32 to index
      %get3A_204 = arith.constant 32 : index
      %get3A_205 = tpu.vector_load %arg6[%get3A_203, %get3A_204] {strides = array<i32>} : memref<79x128xi32, #tpu.memory_space<vmem>>, vector<1x16xi32>,
      %get3A_206 = vector.shape_cast %get3A_205 : vector<1x16xi32> to vector<16xi32>
      %swap3A_207 = arith.constant 32 : index
      %swap3A_208 = tpu.vector_load %arg9[%swap3A_207] {strides = array<i32>} : memref<128xi32, #tpu.memory_space<vmem>>, vector<16xi32>,
      %swap3A_209 = vector.shape_cast %swap3A_208 : vector<16xi32> to vector<16xi32>
      %swap3A_210 = vector.shape_cast %get3A_206 : vector<16xi32> to vector<16xi32>
      tpu.vector_store %arg9[%swap3A_207], %swap3A_210 {strides = array<i32>} : memref<128xi32, #tpu.memory_space<vmem>>, vector<16xi32>,
      %get3A_211 = arith.index_cast %scan3A_174 : i32 to index
      %get3A_212 = arith.constant 48 : index
      %get3A_213 = tpu.vector_load %arg6[%get3A_211, %get3A_212] {strides = array<i32>} : memref<79x128xi32, #tpu.memory_space<vmem>>, vector<1x16xi32>,
      %get3A_214 = vector.shape_cast %get3A_213 : vector<1x16xi32> to vector<16xi32>
      %swap3A_215 = arith.constant 48 : index
      %swap3A_216 = tpu.vector_load %arg9[%swap3A_215] {strides = array<i32>} : memref<128xi32, #tpu.memory_space<vmem>>, vector<16xi32>,
      %swap3A_217 = vector.shape_cast %swap3A_216 : vector<16xi32> to vector<16xi32>
      %swap3A_218 = vector.shape_cast %get3A_214 : vector<16xi32> to vector<16xi32>
      tpu.vector_store %arg9[%swap3A_215], %swap3A_218 {strides = array<i32>} : memref<128xi32, #tpu.memory_space<vmem>>, vector<16xi32>,
      %get3A_219 = arith.index_cast %scan3A_174 : i32 to index
      %get3A_220 = arith.constant 64 : index
      %get3A_221 = tpu.vector_load %arg6[%get3A_219, %get3A_220] {strides = array<i32>} : memref<79x128xi32, #tpu.memory_space<vmem>>, vector<1x16xi32>,
      %get3A_222 = vector.shape_cast %get3A_221 : vector<1x16xi32> to vector<16xi32>
      %swap3A_223 = arith.constant 64 : index
      %swap3A_224 = tpu.vector_load %arg9[%swap3A_223] {strides = array<i32>} : memref<128xi32, #tpu.memory_space<vmem>>, vector<16xi32>,
      %swap3A_225 = vector.shape_cast %swap3A_224 : vector<16xi32> to vector<16xi32>
      %swap3A_226 = vector.shape_cast %get3A_222 : vector<16xi32> to vector<16xi32>
      tpu.vector_store %arg9[%swap3A_223], %swap3A_226 {strides = array<i32>} : memref<128xi32, #tpu.memory_space<vmem>>, vector<16xi32>,
      %get3A_227 = arith.index_cast %scan3A_174 : i32 to index
      %get3A_228 = arith.constant 80 : index
      %get3A_229 = tpu.vector_load %arg6[%get3A_227, %get3A_228] {strides = array<i32>} : memref<79x128xi32, #tpu.memory_space<vmem>>, vector<1x16xi32>,
      %get3A_230 = vector.shape_cast %get3A_229 : vector<1x16xi32> to vector<16xi32>
      %swap3A_231 = arith.constant 80 : index
      %swap3A_232 = tpu.vector_load %arg9[%swap3A_231] {strides = array<i32>} : memref<128xi32, #tpu.memory_space<vmem>>, vector<16xi32>,
      %swap3A_233 = vector.shape_cast %swap3A_232 : vector<16xi32> to vector<16xi32>
      %swap3A_234 = vector.shape_cast %get3A_230 : vector<16xi32> to vector<16xi32>
      tpu.vector_store %arg9[%swap3A_231], %swap3A_234 {strides = array<i32>} : memref<128xi32, #tpu.memory_space<vmem>>, vector<16xi32>,
      %get3A_235 = arith.index_cast %scan3A_174 : i32 to index
      %get3A_236 = arith.constant 96 : index
      %get3A_237 = tpu.vector_load %arg6[%get3A_235, %get3A_236] {strides = array<i32>} : memref<79x128xi32, #tpu.memory_space<vmem>>, vector<1x16xi32>,
      %get3A_238 = vector.shape_cast %get3A_237 : vector<1x16xi32> to vector<16xi32>
      %swap3A_239 = arith.constant 96 : index
      %swap3A_240 = tpu.vector_load %arg9[%swap3A_239] {strides = array<i32>} : memref<128xi32, #tpu.memory_space<vmem>>, vector<16xi32>,
      %swap3A_241 = vector.shape_cast %swap3A_240 : vector<16xi32> to vector<16xi32>
      %swap3A_242 = vector.shape_cast %get3A_238 : vector<16xi32> to vector<16xi32>
      tpu.vector_store %arg9[%swap3A_239], %swap3A_242 {strides = array<i32>} : memref<128xi32, #tpu.memory_space<vmem>>, vector<16xi32>,
      %get3A_243 = arith.index_cast %scan3A_174 : i32 to index
      %get3A_244 = arith.constant 112 : index
      %get3A_245 = tpu.vector_load %arg6[%get3A_243, %get3A_244] {strides = array<i32>} : memref<79x128xi32, #tpu.memory_space<vmem>>, vector<1x16xi32>,
      %get3A_246 = vector.shape_cast %get3A_245 : vector<1x16xi32> to vector<16xi32>
      %swap3A_247 = arith.constant 112 : index
      %swap3A_248 = tpu.vector_load %arg9[%swap3A_247] {strides = array<i32>} : memref<128xi32, #tpu.memory_space<vmem>>, vector<16xi32>,
      %swap3A_249 = vector.shape_cast %swap3A_248 : vector<16xi32> to vector<16xi32>
      %swap3A_250 = vector.shape_cast %get3A_246 : vector<16xi32> to vector<16xi32>
      tpu.vector_store %arg9[%swap3A_247], %swap3A_250 {strides = array<i32>} : memref<128xi32, #tpu.memory_space<vmem>>, vector<16xi32>,
      "tpu.region"() ({
        %run_scoped3A_251 = tpu.sem_alloc : memref<!tpu.dma_semaphore, #tpu.memory_space<semaphore_mem>>
        %dma_start3A_252 = arith.constant 0 : i32
        %dma_start3A_253 = arith.constant 0 : i32
        %dma_start3A_254 = tpu.memref_slice %arg10[%rem3A_175, %dma_start3A_252, %dma_start3A_253] : memref<2x128x128xf32, #tpu.memory_space<vmem>> -> memref<1x128x128xf32, #tpu.memory_space<vmem>>
        %dma_start3A_255 = tpu.memref_squeeze %dma_start3A_254 : memref<1x128x128xf32, #tpu.memory_space<vmem>> -> memref<128x128xf32, #tpu.memory_space<vmem>>
        %dma_start3A_256 = arith.constant 0 : i32
        %dma_start3A_257 = arith.constant 0 : i32
        %dma_start3A_258 = tpu.memref_slice %arg11[%dma_start3A_256, %dma_start3A_257] : memref<10240x128xf32, #tpu.memory_space<vmem_shared>> -> memref<10240x128xf32, #tpu.memory_space<vmem_shared>>
        tpu.enqueue_indirect_dma source(%dma_start3A_255 : memref<128x128xf32, #tpu.memory_space<vmem>>) target(%dma_start3A_258 : memref<10240x128xf32, #tpu.memory_space<vmem_shared>>) offsets(%arg9 : memref<128xi32, #tpu.memory_space<vmem>>) semaphore(%run_scoped3A_251 : memref<!tpu.dma_semaphore, #tpu.memory_space<semaphore_mem>>) {add = true}
        %dma_wait3A_259 = arith.constant 0 : i32
        %dma_wait3A_260 = arith.constant 0 : i32
        %dma_wait3A_261 = tpu.memref_slice %arg10[%rem3A_175, %dma_wait3A_259, %dma_wait3A_260] : memref<2x128x128xf32, #tpu.memory_space<vmem>> -> memref<1x128x128xf32, #tpu.memory_space<vmem>>
        %dma_wait3A_262 = tpu.memref_squeeze %dma_wait3A_261 : memref<1x128x128xf32, #tpu.memory_space<vmem>> -> memref<128x128xf32, #tpu.memory_space<vmem>>
        %dma_wait3A_263 = arith.constant 0 : i32
        %dma_wait3A_264 = arith.constant 0 : i32
        %dma_wait3A_265 = tpu.memref_slice %arg11[%dma_wait3A_263, %dma_wait3A_264] : memref<10240x128xf32, #tpu.memory_space<vmem_shared>> -> memref<10240x128xf32, #tpu.memory_space<vmem_shared>>
        tpu.wait_indirect_dma semaphore(%run_scoped3A_251 : memref<!tpu.dma_semaphore, #tpu.memory_space<semaphore_mem>>) src(%dma_wait3A_262 : memref<128x128xf32, #tpu.memory_space<vmem>>) dst(%dma_wait3A_265 : memref<10240x128xf32, #tpu.memory_space<vmem_shared>>)
        tpu.yield
      }) : () -> ()
    }
    %scan3A_168 = arith.constant 79 : i32
    %barrier3A_169 = arith.constant 0 : index
    tpu.barrier barrier_id(%barrier3A_169)
    %mul3A_170 = arith.constant 640 : i32
    %mul3A_171 = arith.muli %arg1, %mul3A_170 : i32
    %mul3A_172 = arith.constant 640 : i32
    %mul3A_173 = arith.muli %arg1, %mul3A_172 : i32
    "tpu.region"() ({
      %run_scoped3A_174 = tpu.sem_alloc : memref<!tpu.dma_semaphore, #tpu.memory_space<semaphore_mem>>
      %dma_start3A_175 = arith.constant 0 : i32
      %dma_start3A_176 = tpu.memref_slice %arg5[%arg0, %mul3A_173, %dma_start3A_175] : memref<2x10240x128xf32, #tpu.memory_space<hbm>> -> memref<1x640x128xf32, #tpu.memory_space<hbm>>
      %dma_start3A_177 = tpu.memref_squeeze %dma_start3A_176 : memref<1x640x128xf32, #tpu.memory_space<hbm>> -> memref<640x128xf32, #tpu.memory_space<hbm>>
      %dma_start3A_178 = arith.constant 0 : i32
      %dma_start3A_179 = tpu.memref_slice %arg11[%mul3A_171, %dma_start3A_178] : memref<10240x128xf32, #tpu.memory_space<vmem_shared>> -> memref<640x128xf32, #tpu.memory_space<vmem_shared>>
      tpu.enqueue_dma source(%dma_start3A_179 : memref<640x128xf32, #tpu.memory_space<vmem_shared>>) target(%dma_start3A_177 : memref<640x128xf32, #tpu.memory_space<hbm>>) target_semaphore(%run_scoped3A_174 : memref<!tpu.dma_semaphore, #tpu.memory_space<semaphore_mem>>)
      %dma_wait3A = arith.constant 0 : i32
      %dma_wait3A_180 = tpu.memref_slice %arg5[%arg0, %mul3A_173, %dma_wait3A] : memref<2x10240x128xf32, #tpu.memory_space<hbm>> -> memref<1x640x128xf32, #tpu.memory_space<hbm>>
      %dma_wait3A_181 = tpu.memref_squeeze %dma_wait3A_180 : memref<1x640x128xf32, #tpu.memory_space<hbm>> -> memref<640x128xf32, #tpu.memory_space<hbm>>
      %dma_wait3A_182 = arith.constant 0 : i32
      %dma_wait3A_183 = tpu.memref_slice %arg11[%mul3A_171, %dma_wait3A_182] : memref<10240x128xf32, #tpu.memory_space<vmem_shared>> -> memref<640x128xf32, #tpu.memory_space<vmem_shared>>
      tpu.wait_dma2 semaphore(%run_scoped3A_174 : memref<!tpu.dma_semaphore, #tpu.memory_space<semaphore_mem>>) src(%dma_wait3A_183 : memref<640x128xf32, #tpu.memory_space<vmem_shared>>) dst(%dma_wait3A_181 : memref<640x128xf32, #tpu.memory_space<hbm>>)
      tpu.yield
    }) : () -> ()
    return
  }
}

#map = affine_map<(d0, d1) -> (0, 0, 0)>
#map1 = affine_map<(d0, d1) -> (0, 0)>
module attributes {stable_mosaic.version = 14 : i64} {
  func.func @deg_k(%arg0: i32, %arg1: i32, %arg2: memref<32x79x128xi32, #tpu.memory_space<hbm>>, %arg3: memref<32x79x128xi32, #tpu.memory_space<hbm>>, %arg4: memref<2x10240xf32, #tpu.memory_space<hbm>>, %arg5: memref<640xf32, #tpu.memory_space<vmem>>, %arg6: memref<128xf32, #tpu.memory_space<vmem>>, %arg7: memref<128xi32, #tpu.memory_space<vmem>>, %arg8: memref<128xi32, #tpu.memory_space<vmem>>, %arg9: memref<128xi32, #tpu.memory_space<vmem>>, %arg10: memref<10240xf32, #tpu.memory_space<vmem_shared>>) attributes {dimension_semantics = [#tpu.dimension_semantics<core_parallel>, #tpu.dimension_semantics<subcore_parallel>], iteration_bounds = array<i64: 2, 16>, scalar_prefetch = 0 : i64, scratch_operands = 6 : i64, tpu.core_type = #tpu.core_type<sc_vector_subcore>, window_params = [{transform_indices = #map}, {transform_indices = #map}, {transform_indices = #map1}]} {
    %mul3A = arith.constant 16 : i32
    %mul3A_0 = arith.muli %arg0, %mul3A : i32
    %add3A = arith.addi %mul3A_0, %arg1 : i32
    %broadcast_in_dim3A = arith.constant 0.000000e+00 : f32
    %broadcast_in_dim3A_1 = vector.broadcast %broadcast_in_dim3A : f32 to vector<16xf32>
    %broadcast_in_dim3A_2 = arith.constant 1.000000e+00 : f32
    %broadcast_in_dim3A_3 = vector.broadcast %broadcast_in_dim3A_2 : f32 to vector<16xf32>
    %scan3A = arith.constant 0 : i32
    %scan3A_4 = arith.constant 0 : i32
    %scan3A_5 = arith.constant 40 : i32
    %scan3A_6 = arith.addi %scan3A_4, %scan3A_5 : i32
    %scan3A_7 = arith.constant 1 : i32
    scf.for %scan3A_28 = %scan3A_4 to %scan3A_6 step %scan3A_7  : i32 {
      %mul3A_29 = arith.constant 16 : i32
      %mul3A_30 = arith.muli %scan3A_28, %mul3A_29 : i32
      %swap3A = arith.index_cast %mul3A_30 : i32 to index
      %swap3A_31 = tpu.vector_load %arg5[%swap3A] {strides = array<i32>} : memref<640xf32, #tpu.memory_space<vmem>>, vector<16xf32>,
      %swap3A_32 = vector.shape_cast %swap3A_31 : vector<16xf32> to vector<16xf32>
      %swap3A_33 = vector.shape_cast %broadcast_in_dim3A_1 : vector<16xf32> to vector<16xf32>
      tpu.vector_store %arg5[%swap3A], %swap3A_33 {strides = array<i32>} : memref<640xf32, #tpu.memory_space<vmem>>, vector<16xf32>,
    }
    %scan3A_8 = arith.constant 40 : i32
    %scan3A_9 = arith.constant 0 : i32
    %scan3A_10 = arith.constant 0 : i32
    %scan3A_11 = arith.constant 8 : i32
    %scan3A_12 = arith.addi %scan3A_10, %scan3A_11 : i32
    %scan3A_13 = arith.constant 1 : i32
    scf.for %scan3A_28 = %scan3A_10 to %scan3A_12 step %scan3A_13  : i32 {
      %mul3A_29 = arith.constant 16 : i32
      %mul3A_30 = arith.muli %scan3A_28, %mul3A_29 : i32
      %swap3A = arith.index_cast %mul3A_30 : i32 to index
      %swap3A_31 = tpu.vector_load %arg6[%swap3A] {strides = array<i32>} : memref<128xf32, #tpu.memory_space<vmem>>, vector<16xf32>,
      %swap3A_32 = vector.shape_cast %swap3A_31 : vector<16xf32> to vector<16xf32>
      %swap3A_33 = vector.shape_cast %broadcast_in_dim3A_3 : vector<16xf32> to vector<16xf32>
      tpu.vector_store %arg6[%swap3A], %swap3A_33 {strides = array<i32>} : memref<128xf32, #tpu.memory_space<vmem>>, vector<16xf32>,
    }
    %scan3A_14 = arith.constant 8 : i32
    %mul3A_15 = arith.constant 640 : i32
    %mul3A_16 = arith.muli %arg1, %mul3A_15 : i32
    "tpu.region"() ({
      %run_scoped3A = tpu.sem_alloc : memref<!tpu.dma_semaphore, #tpu.memory_space<semaphore_mem>>
      %dma_start3A = tpu.memref_slice %arg10[%mul3A_16] : memref<10240xf32, #tpu.memory_space<vmem_shared>> -> memref<640xf32, #tpu.memory_space<vmem_shared>>
      %dma_start3A_28 = tpu.memref_slice %arg10[%mul3A_16] : memref<10240xf32, #tpu.memory_space<vmem_shared>> -> memref<640xf32, #tpu.memory_space<vmem_shared>>
      tpu.enqueue_dma source(%arg5 : memref<640xf32, #tpu.memory_space<vmem>>) target(%dma_start3A_28 : memref<640xf32, #tpu.memory_space<vmem_shared>>) target_semaphore(%run_scoped3A : memref<!tpu.dma_semaphore, #tpu.memory_space<semaphore_mem>>)
      %dma_wait3A = tpu.memref_slice %arg10[%mul3A_16] : memref<10240xf32, #tpu.memory_space<vmem_shared>> -> memref<640xf32, #tpu.memory_space<vmem_shared>>
      %dma_wait3A_29 = tpu.memref_slice %arg10[%mul3A_16] : memref<10240xf32, #tpu.memory_space<vmem_shared>> -> memref<640xf32, #tpu.memory_space<vmem_shared>>
      tpu.wait_dma2 semaphore(%run_scoped3A : memref<!tpu.dma_semaphore, #tpu.memory_space<semaphore_mem>>) src(%arg5 : memref<640xf32, #tpu.memory_space<vmem>>) dst(%dma_wait3A_29 : memref<640xf32, #tpu.memory_space<vmem_shared>>)
      tpu.yield
    }) : () -> ()
    %barrier3A = arith.constant 0 : index
    tpu.barrier barrier_id(%barrier3A)
    %scan3A_17 = arith.constant 0 : i32
    %scan3A_18 = arith.constant 0 : i32
    %scan3A_19 = arith.constant 79 : i32
    %scan3A_20 = arith.addi %scan3A_18, %scan3A_19 : i32
    %scan3A_21 = arith.constant 1 : i32
    scf.for %scan3A_28 = %scan3A_18 to %scan3A_20 step %scan3A_21  : i32 {
      "tpu.region"() ({
        %run_scoped3A = tpu.sem_alloc : memref<!tpu.dma_semaphore, #tpu.memory_space<semaphore_mem>>
        %dma_start3A = arith.constant 0 : i32
        %dma_start3A_136 = tpu.memref_slice %arg2[%add3A, %scan3A_28, %dma_start3A] : memref<32x79x128xi32, #tpu.memory_space<hbm>> -> memref<1x1x128xi32, #tpu.memory_space<hbm>>
        %dma_start3A_137 = tpu.memref_squeeze %dma_start3A_136 : memref<1x1x128xi32, #tpu.memory_space<hbm>> -> memref<128xi32, #tpu.memory_space<hbm>>
        %dma_start3A_138 = arith.constant 0 : i32
        %dma_start3A_139 = tpu.memref_slice %arg2[%add3A, %scan3A_28, %dma_start3A_138] : memref<32x79x128xi32, #tpu.memory_space<hbm>> -> memref<1x1x128xi32, #tpu.memory_space<hbm>>
        %dma_start3A_140 = tpu.memref_squeeze %dma_start3A_139 : memref<1x1x128xi32, #tpu.memory_space<hbm>> -> memref<128xi32, #tpu.memory_space<hbm>>
        tpu.enqueue_dma source(%dma_start3A_140 : memref<128xi32, #tpu.memory_space<hbm>>) target(%arg7 : memref<128xi32, #tpu.memory_space<vmem>>) target_semaphore(%run_scoped3A : memref<!tpu.dma_semaphore, #tpu.memory_space<semaphore_mem>>)
        %dma_wait3A = arith.constant 0 : i32
        %dma_wait3A_141 = tpu.memref_slice %arg2[%add3A, %scan3A_28, %dma_wait3A] : memref<32x79x128xi32, #tpu.memory_space<hbm>> -> memref<1x1x128xi32, #tpu.memory_space<hbm>>
        %dma_wait3A_142 = tpu.memref_squeeze %dma_wait3A_141 : memref<1x1x128xi32, #tpu.memory_space<hbm>> -> memref<128xi32, #tpu.memory_space<hbm>>
        %dma_wait3A_143 = arith.constant 0 : i32
        %dma_wait3A_144 = tpu.memref_slice %arg2[%add3A, %scan3A_28, %dma_wait3A_143] : memref<32x79x128xi32, #tpu.memory_space<hbm>> -> memref<1x1x128xi32, #tpu.memory_space<hbm>>
        %dma_wait3A_145 = tpu.memref_squeeze %dma_wait3A_144 : memref<1x1x128xi32, #tpu.memory_space<hbm>> -> memref<128xi32, #tpu.memory_space<hbm>>
        tpu.wait_dma2 semaphore(%run_scoped3A : memref<!tpu.dma_semaphore, #tpu.memory_space<semaphore_mem>>) src(%dma_wait3A_145 : memref<128xi32, #tpu.memory_space<hbm>>) dst(%arg7 : memref<128xi32, #tpu.memory_space<vmem>>)
        tpu.yield
      }) : () -> ()
      "tpu.region"() ({
        %run_scoped3A = tpu.sem_alloc : memref<!tpu.dma_semaphore, #tpu.memory_space<semaphore_mem>>
        %dma_start3A = arith.constant 0 : i32
        %dma_start3A_136 = tpu.memref_slice %arg3[%add3A, %scan3A_28, %dma_start3A] : memref<32x79x128xi32, #tpu.memory_space<hbm>> -> memref<1x1x128xi32, #tpu.memory_space<hbm>>
        %dma_start3A_137 = tpu.memref_squeeze %dma_start3A_136 : memref<1x1x128xi32, #tpu.memory_space<hbm>> -> memref<128xi32, #tpu.memory_space<hbm>>
        %dma_start3A_138 = arith.constant 0 : i32
        %dma_start3A_139 = tpu.memref_slice %arg3[%add3A, %scan3A_28, %dma_start3A_138] : memref<32x79x128xi32, #tpu.memory_space<hbm>> -> memref<1x1x128xi32, #tpu.memory_space<hbm>>
        %dma_start3A_140 = tpu.memref_squeeze %dma_start3A_139 : memref<1x1x128xi32, #tpu.memory_space<hbm>> -> memref<128xi32, #tpu.memory_space<hbm>>
        tpu.enqueue_dma source(%dma_start3A_140 : memref<128xi32, #tpu.memory_space<hbm>>) target(%arg8 : memref<128xi32, #tpu.memory_space<vmem>>) target_semaphore(%run_scoped3A : memref<!tpu.dma_semaphore, #tpu.memory_space<semaphore_mem>>)
        %dma_wait3A = arith.constant 0 : i32
        %dma_wait3A_141 = tpu.memref_slice %arg3[%add3A, %scan3A_28, %dma_wait3A] : memref<32x79x128xi32, #tpu.memory_space<hbm>> -> memref<1x1x128xi32, #tpu.memory_space<hbm>>
        %dma_wait3A_142 = tpu.memref_squeeze %dma_wait3A_141 : memref<1x1x128xi32, #tpu.memory_space<hbm>> -> memref<128xi32, #tpu.memory_space<hbm>>
        %dma_wait3A_143 = arith.constant 0 : i32
        %dma_wait3A_144 = tpu.memref_slice %arg3[%add3A, %scan3A_28, %dma_wait3A_143] : memref<32x79x128xi32, #tpu.memory_space<hbm>> -> memref<1x1x128xi32, #tpu.memory_space<hbm>>
        %dma_wait3A_145 = tpu.memref_squeeze %dma_wait3A_144 : memref<1x1x128xi32, #tpu.memory_space<hbm>> -> memref<128xi32, #tpu.memory_space<hbm>>
        tpu.wait_dma2 semaphore(%run_scoped3A : memref<!tpu.dma_semaphore, #tpu.memory_space<semaphore_mem>>) src(%dma_wait3A_145 : memref<128xi32, #tpu.memory_space<hbm>>) dst(%arg8 : memref<128xi32, #tpu.memory_space<vmem>>)
        tpu.yield
      }) : () -> ()
      %get3A = arith.constant 0 : index
      %get3A_29 = tpu.vector_load %arg7[%get3A] {strides = array<i32>} : memref<128xi32, #tpu.memory_space<vmem>>, vector<16xi32>,
      %get3A_30 = vector.shape_cast %get3A_29 : vector<16xi32> to vector<16xi32>
      %get3A_31 = arith.constant 0 : index
      %get3A_32 = tpu.vector_load %arg8[%get3A_31] {strides = array<i32>} : memref<128xi32, #tpu.memory_space<vmem>>, vector<16xi32>,
      %get3A_33 = vector.shape_cast %get3A_32 : vector<16xi32> to vector<16xi32>
      %eq3A = arith.cmpi eq, %get3A_30, %get3A_33 : vector<16xi32>
      %jit3A = arith.constant 10001 : i32
      %broadcast_in_dim3A_34 = vector.broadcast %jit3A : i32 to vector<16xi32>
      %select_n3A = arith.select %eq3A, %broadcast_in_dim3A_34, %get3A_33 : vector<16xi1>, vector<16xi32>
      %swap3A = arith.constant 0 : index
      %swap3A_35 = tpu.vector_load %arg9[%swap3A] {strides = array<i32>} : memref<128xi32, #tpu.memory_space<vmem>>, vector<16xi32>,
      %swap3A_36 = vector.shape_cast %swap3A_35 : vector<16xi32> to vector<16xi32>
      %swap3A_37 = vector.shape_cast %select_n3A : vector<16xi32> to vector<16xi32>
      tpu.vector_store %arg9[%swap3A], %swap3A_37 {strides = array<i32>} : memref<128xi32, #tpu.memory_space<vmem>>, vector<16xi32>,
      %get3A_38 = arith.constant 16 : index
      %get3A_39 = tpu.vector_load %arg7[%get3A_38] {strides = array<i32>} : memref<128xi32, #tpu.memory_space<vmem>>, vector<16xi32>,
      %get3A_40 = vector.shape_cast %get3A_39 : vector<16xi32> to vector<16xi32>
      %get3A_41 = arith.constant 16 : index
      %get3A_42 = tpu.vector_load %arg8[%get3A_41] {strides = array<i32>} : memref<128xi32, #tpu.memory_space<vmem>>, vector<16xi32>,
      %get3A_43 = vector.shape_cast %get3A_42 : vector<16xi32> to vector<16xi32>
      %eq3A_44 = arith.cmpi eq, %get3A_40, %get3A_43 : vector<16xi32>
      %jit3A_45 = arith.constant 10001 : i32
      %broadcast_in_dim3A_46 = vector.broadcast %jit3A_45 : i32 to vector<16xi32>
      %select_n3A_47 = arith.select %eq3A_44, %broadcast_in_dim3A_46, %get3A_43 : vector<16xi1>, vector<16xi32>
      %swap3A_48 = arith.constant 16 : index
      %swap3A_49 = tpu.vector_load %arg9[%swap3A_48] {strides = array<i32>} : memref<128xi32, #tpu.memory_space<vmem>>, vector<16xi32>,
      %swap3A_50 = vector.shape_cast %swap3A_49 : vector<16xi32> to vector<16xi32>
      %swap3A_51 = vector.shape_cast %select_n3A_47 : vector<16xi32> to vector<16xi32>
      tpu.vector_store %arg9[%swap3A_48], %swap3A_51 {strides = array<i32>} : memref<128xi32, #tpu.memory_space<vmem>>, vector<16xi32>,
      %get3A_52 = arith.constant 32 : index
      %get3A_53 = tpu.vector_load %arg7[%get3A_52] {strides = array<i32>} : memref<128xi32, #tpu.memory_space<vmem>>, vector<16xi32>,
      %get3A_54 = vector.shape_cast %get3A_53 : vector<16xi32> to vector<16xi32>
      %get3A_55 = arith.constant 32 : index
      %get3A_56 = tpu.vector_load %arg8[%get3A_55] {strides = array<i32>} : memref<128xi32, #tpu.memory_space<vmem>>, vector<16xi32>,
      %get3A_57 = vector.shape_cast %get3A_56 : vector<16xi32> to vector<16xi32>
      %eq3A_58 = arith.cmpi eq, %get3A_54, %get3A_57 : vector<16xi32>
      %jit3A_59 = arith.constant 10001 : i32
      %broadcast_in_dim3A_60 = vector.broadcast %jit3A_59 : i32 to vector<16xi32>
      %select_n3A_61 = arith.select %eq3A_58, %broadcast_in_dim3A_60, %get3A_57 : vector<16xi1>, vector<16xi32>
      %swap3A_62 = arith.constant 32 : index
      %swap3A_63 = tpu.vector_load %arg9[%swap3A_62] {strides = array<i32>} : memref<128xi32, #tpu.memory_space<vmem>>, vector<16xi32>,
      %swap3A_64 = vector.shape_cast %swap3A_63 : vector<16xi32> to vector<16xi32>
      %swap3A_65 = vector.shape_cast %select_n3A_61 : vector<16xi32> to vector<16xi32>
      tpu.vector_store %arg9[%swap3A_62], %swap3A_65 {strides = array<i32>} : memref<128xi32, #tpu.memory_space<vmem>>, vector<16xi32>,
      %get3A_66 = arith.constant 48 : index
      %get3A_67 = tpu.vector_load %arg7[%get3A_66] {strides = array<i32>} : memref<128xi32, #tpu.memory_space<vmem>>, vector<16xi32>,
      %get3A_68 = vector.shape_cast %get3A_67 : vector<16xi32> to vector<16xi32>
      %get3A_69 = arith.constant 48 : index
      %get3A_70 = tpu.vector_load %arg8[%get3A_69] {strides = array<i32>} : memref<128xi32, #tpu.memory_space<vmem>>, vector<16xi32>,
      %get3A_71 = vector.shape_cast %get3A_70 : vector<16xi32> to vector<16xi32>
      %eq3A_72 = arith.cmpi eq, %get3A_68, %get3A_71 : vector<16xi32>
      %jit3A_73 = arith.constant 10001 : i32
      %broadcast_in_dim3A_74 = vector.broadcast %jit3A_73 : i32 to vector<16xi32>
      %select_n3A_75 = arith.select %eq3A_72, %broadcast_in_dim3A_74, %get3A_71 : vector<16xi1>, vector<16xi32>
      %swap3A_76 = arith.constant 48 : index
      %swap3A_77 = tpu.vector_load %arg9[%swap3A_76] {strides = array<i32>} : memref<128xi32, #tpu.memory_space<vmem>>, vector<16xi32>,
      %swap3A_78 = vector.shape_cast %swap3A_77 : vector<16xi32> to vector<16xi32>
      %swap3A_79 = vector.shape_cast %select_n3A_75 : vector<16xi32> to vector<16xi32>
      tpu.vector_store %arg9[%swap3A_76], %swap3A_79 {strides = array<i32>} : memref<128xi32, #tpu.memory_space<vmem>>, vector<16xi32>,
      %get3A_80 = arith.constant 64 : index
      %get3A_81 = tpu.vector_load %arg7[%get3A_80] {strides = array<i32>} : memref<128xi32, #tpu.memory_space<vmem>>, vector<16xi32>,
      %get3A_82 = vector.shape_cast %get3A_81 : vector<16xi32> to vector<16xi32>
      %get3A_83 = arith.constant 64 : index
      %get3A_84 = tpu.vector_load %arg8[%get3A_83] {strides = array<i32>} : memref<128xi32, #tpu.memory_space<vmem>>, vector<16xi32>,
      %get3A_85 = vector.shape_cast %get3A_84 : vector<16xi32> to vector<16xi32>
      %eq3A_86 = arith.cmpi eq, %get3A_82, %get3A_85 : vector<16xi32>
      %jit3A_87 = arith.constant 10001 : i32
      %broadcast_in_dim3A_88 = vector.broadcast %jit3A_87 : i32 to vector<16xi32>
      %select_n3A_89 = arith.select %eq3A_86, %broadcast_in_dim3A_88, %get3A_85 : vector<16xi1>, vector<16xi32>
      %swap3A_90 = arith.constant 64 : index
      %swap3A_91 = tpu.vector_load %arg9[%swap3A_90] {strides = array<i32>} : memref<128xi32, #tpu.memory_space<vmem>>, vector<16xi32>,
      %swap3A_92 = vector.shape_cast %swap3A_91 : vector<16xi32> to vector<16xi32>
      %swap3A_93 = vector.shape_cast %select_n3A_89 : vector<16xi32> to vector<16xi32>
      tpu.vector_store %arg9[%swap3A_90], %swap3A_93 {strides = array<i32>} : memref<128xi32, #tpu.memory_space<vmem>>, vector<16xi32>,
      %get3A_94 = arith.constant 80 : index
      %get3A_95 = tpu.vector_load %arg7[%get3A_94] {strides = array<i32>} : memref<128xi32, #tpu.memory_space<vmem>>, vector<16xi32>,
      %get3A_96 = vector.shape_cast %get3A_95 : vector<16xi32> to vector<16xi32>
      %get3A_97 = arith.constant 80 : index
      %get3A_98 = tpu.vector_load %arg8[%get3A_97] {strides = array<i32>} : memref<128xi32, #tpu.memory_space<vmem>>, vector<16xi32>,
      %get3A_99 = vector.shape_cast %get3A_98 : vector<16xi32> to vector<16xi32>
      %eq3A_100 = arith.cmpi eq, %get3A_96, %get3A_99 : vector<16xi32>
      %jit3A_101 = arith.constant 10001 : i32
      %broadcast_in_dim3A_102 = vector.broadcast %jit3A_101 : i32 to vector<16xi32>
      %select_n3A_103 = arith.select %eq3A_100, %broadcast_in_dim3A_102, %get3A_99 : vector<16xi1>, vector<16xi32>
      %swap3A_104 = arith.constant 80 : index
      %swap3A_105 = tpu.vector_load %arg9[%swap3A_104] {strides = array<i32>} : memref<128xi32, #tpu.memory_space<vmem>>, vector<16xi32>,
      %swap3A_106 = vector.shape_cast %swap3A_105 : vector<16xi32> to vector<16xi32>
      %swap3A_107 = vector.shape_cast %select_n3A_103 : vector<16xi32> to vector<16xi32>
      tpu.vector_store %arg9[%swap3A_104], %swap3A_107 {strides = array<i32>} : memref<128xi32, #tpu.memory_space<vmem>>, vector<16xi32>,
      %get3A_108 = arith.constant 96 : index
      %get3A_109 = tpu.vector_load %arg7[%get3A_108] {strides = array<i32>} : memref<128xi32, #tpu.memory_space<vmem>>, vector<16xi32>,
      %get3A_110 = vector.shape_cast %get3A_109 : vector<16xi32> to vector<16xi32>
      %get3A_111 = arith.constant 96 : index
      %get3A_112 = tpu.vector_load %arg8[%get3A_111] {strides = array<i32>} : memref<128xi32, #tpu.memory_space<vmem>>, vector<16xi32>,
      %get3A_113 = vector.shape_cast %get3A_112 : vector<16xi32> to vector<16xi32>
      %eq3A_114 = arith.cmpi eq, %get3A_110, %get3A_113 : vector<16xi32>
      %jit3A_115 = arith.constant 10001 : i32
      %broadcast_in_dim3A_116 = vector.broadcast %jit3A_115 : i32 to vector<16xi32>
      %select_n3A_117 = arith.select %eq3A_114, %broadcast_in_dim3A_116, %get3A_113 : vector<16xi1>, vector<16xi32>
      %swap3A_118 = arith.constant 96 : index
      %swap3A_119 = tpu.vector_load %arg9[%swap3A_118] {strides = array<i32>} : memref<128xi32, #tpu.memory_space<vmem>>, vector<16xi32>,
      %swap3A_120 = vector.shape_cast %swap3A_119 : vector<16xi32> to vector<16xi32>
      %swap3A_121 = vector.shape_cast %select_n3A_117 : vector<16xi32> to vector<16xi32>
      tpu.vector_store %arg9[%swap3A_118], %swap3A_121 {strides = array<i32>} : memref<128xi32, #tpu.memory_space<vmem>>, vector<16xi32>,
      %get3A_122 = arith.constant 112 : index
      %get3A_123 = tpu.vector_load %arg7[%get3A_122] {strides = array<i32>} : memref<128xi32, #tpu.memory_space<vmem>>, vector<16xi32>,
      %get3A_124 = vector.shape_cast %get3A_123 : vector<16xi32> to vector<16xi32>
      %get3A_125 = arith.constant 112 : index
      %get3A_126 = tpu.vector_load %arg8[%get3A_125] {strides = array<i32>} : memref<128xi32, #tpu.memory_space<vmem>>, vector<16xi32>,
      %get3A_127 = vector.shape_cast %get3A_126 : vector<16xi32> to vector<16xi32>
      %eq3A_128 = arith.cmpi eq, %get3A_124, %get3A_127 : vector<16xi32>
      %jit3A_129 = arith.constant 10001 : i32
      %broadcast_in_dim3A_130 = vector.broadcast %jit3A_129 : i32 to vector<16xi32>
      %select_n3A_131 = arith.select %eq3A_128, %broadcast_in_dim3A_130, %get3A_127 : vector<16xi1>, vector<16xi32>
      %swap3A_132 = arith.constant 112 : index
      %swap3A_133 = tpu.vector_load %arg9[%swap3A_132] {strides = array<i32>} : memref<128xi32, #tpu.memory_space<vmem>>, vector<16xi32>,
      %swap3A_134 = vector.shape_cast %swap3A_133 : vector<16xi32> to vector<16xi32>
      %swap3A_135 = vector.shape_cast %select_n3A_131 : vector<16xi32> to vector<16xi32>
      tpu.vector_store %arg9[%swap3A_132], %swap3A_135 {strides = array<i32>} : memref<128xi32, #tpu.memory_space<vmem>>, vector<16xi32>,
      "tpu.region"() ({
        %run_scoped3A = tpu.sem_alloc : memref<!tpu.dma_semaphore, #tpu.memory_space<semaphore_mem>>
        %dma_start3A = arith.constant 0 : i32
        %dma_start3A_136 = tpu.memref_slice %arg10[%dma_start3A] : memref<10240xf32, #tpu.memory_space<vmem_shared>> -> memref<10240xf32, #tpu.memory_space<vmem_shared>>
        tpu.enqueue_indirect_dma source(%arg6 : memref<128xf32, #tpu.memory_space<vmem>>) target(%dma_start3A_136 : memref<10240xf32, #tpu.memory_space<vmem_shared>>) offsets(%arg9 : memref<128xi32, #tpu.memory_space<vmem>>) semaphore(%run_scoped3A : memref<!tpu.dma_semaphore, #tpu.memory_space<semaphore_mem>>) {add = true}
        %dma_wait3A = arith.constant 0 : i32
        %dma_wait3A_137 = tpu.memref_slice %arg10[%dma_wait3A] : memref<10240xf32, #tpu.memory_space<vmem_shared>> -> memref<10240xf32, #tpu.memory_space<vmem_shared>>
        tpu.wait_indirect_dma semaphore(%run_scoped3A : memref<!tpu.dma_semaphore, #tpu.memory_space<semaphore_mem>>) src(%arg6 : memref<128xf32, #tpu.memory_space<vmem>>) dst(%dma_wait3A_137 : memref<10240xf32, #tpu.memory_space<vmem_shared>>)
        tpu.yield
      }) : () -> ()
    }
    %scan3A_22 = arith.constant 79 : i32
    %barrier3A_23 = arith.constant 0 : index
    tpu.barrier barrier_id(%barrier3A_23)
    %mul3A_24 = arith.constant 640 : i32
    %mul3A_25 = arith.muli %arg1, %mul3A_24 : i32
    %mul3A_26 = arith.constant 640 : i32
    %mul3A_27 = arith.muli %arg1, %mul3A_26 : i32
    "tpu.region"() ({
      %run_scoped3A = tpu.sem_alloc : memref<!tpu.dma_semaphore, #tpu.memory_space<semaphore_mem>>
      %dma_start3A = tpu.memref_slice %arg4[%arg0, %mul3A_27] : memref<2x10240xf32, #tpu.memory_space<hbm>> -> memref<1x640xf32, #tpu.memory_space<hbm>>
      %dma_start3A_28 = tpu.memref_squeeze %dma_start3A : memref<1x640xf32, #tpu.memory_space<hbm>> -> memref<640xf32, #tpu.memory_space<hbm>>
      %dma_start3A_29 = tpu.memref_slice %arg10[%mul3A_25] : memref<10240xf32, #tpu.memory_space<vmem_shared>> -> memref<640xf32, #tpu.memory_space<vmem_shared>>
      tpu.enqueue_dma source(%dma_start3A_29 : memref<640xf32, #tpu.memory_space<vmem_shared>>) target(%dma_start3A_28 : memref<640xf32, #tpu.memory_space<hbm>>) target_semaphore(%run_scoped3A : memref<!tpu.dma_semaphore, #tpu.memory_space<semaphore_mem>>)
      %dma_wait3A = tpu.memref_slice %arg4[%arg0, %mul3A_27] : memref<2x10240xf32, #tpu.memory_space<hbm>> -> memref<1x640xf32, #tpu.memory_space<hbm>>
      %dma_wait3A_30 = tpu.memref_squeeze %dma_wait3A : memref<1x640xf32, #tpu.memory_space<hbm>> -> memref<640xf32, #tpu.memory_space<hbm>>
      %dma_wait3A_31 = tpu.memref_slice %arg10[%mul3A_25] : memref<10240xf32, #tpu.memory_space<vmem_shared>> -> memref<640xf32, #tpu.memory_space<vmem_shared>>
      tpu.wait_dma2 semaphore(%run_scoped3A : memref<!tpu.dma_semaphore, #tpu.memory_space<semaphore_mem>>) src(%dma_wait3A_31 : memref<640xf32, #tpu.memory_space<vmem_shared>>) dst(%dma_wait3A_30 : memref<640xf32, #tpu.memory_space<hbm>>)
      tpu.yield
    }) : () -> ()
    return
  }
}

#map = affine_map<(d0, d1) -> (0, 0)>
#map1 = affine_map<(d0, d1) -> (0, 0, 0)>
module attributes {stable_mosaic.version = 14 : i64} {
  func.func @agg_k(%arg0: i32, %arg1: i32, %arg2: memref<10240x128xf32, #tpu.memory_space<hbm>>, %arg3: memref<32x79x128xi32, #tpu.memory_space<hbm>>, %arg4: memref<32x79x128xi32, #tpu.memory_space<hbm>>, %arg5: memref<2x10240x128xf32, #tpu.memory_space<hbm>>, %arg6: memref<79x128xi32, #tpu.memory_space<vmem>>, %arg7: memref<128xi32, #tpu.memory_space<vmem>>, %arg8: memref<2x128xi32, #tpu.memory_space<vmem>>, %arg9: memref<128xi32, #tpu.memory_space<vmem>>, %arg10: memref<2x128x128xf32, #tpu.memory_space<vmem>>, %arg11: memref<10240x128xf32, #tpu.memory_space<vmem_shared>>, %arg12: memref<!tpu.dma_semaphore, #tpu.memory_space<semaphore_mem>>) attributes {dimension_semantics = [#tpu.dimension_semantics<core_parallel>, #tpu.dimension_semantics<subcore_parallel>], iteration_bounds = array<i64: 2, 16>, scalar_prefetch = 0 : i64, scratch_operands = 7 : i64, tpu.core_type = #tpu.core_type<sc_vector_subcore>, window_params = [{transform_indices = #map}, {transform_indices = #map1}, {transform_indices = #map1}, {transform_indices = #map1}]} {
    %mul3A = arith.constant 16 : i32
    %mul3A_0 = arith.muli %arg0, %mul3A : i32
    %add3A = arith.addi %mul3A_0, %arg1 : i32
    "tpu.region"() ({
      %run_scoped3A_174 = tpu.sem_alloc : memref<!tpu.dma_semaphore, #tpu.memory_space<semaphore_mem>>
      %dma_start3A_175 = arith.constant 0 : i32
      %dma_start3A_176 = arith.constant 0 : i32
      %dma_start3A_177 = tpu.memref_slice %arg4[%add3A, %dma_start3A_175, %dma_start3A_176] : memref<32x79x128xi32, #tpu.memory_space<hbm>> -> memref<1x79x128xi32, #tpu.memory_space<hbm>>
      %dma_start3A_178 = tpu.memref_squeeze %dma_start3A_177 : memref<1x79x128xi32, #tpu.memory_space<hbm>> -> memref<79x128xi32, #tpu.memory_space<hbm>>
      %dma_start3A_179 = arith.constant 0 : i32
      %dma_start3A_180 = arith.constant 0 : i32
      %dma_start3A_181 = tpu.memref_slice %arg4[%add3A, %dma_start3A_179, %dma_start3A_180] : memref<32x79x128xi32, #tpu.memory_space<hbm>> -> memref<1x79x128xi32, #tpu.memory_space<hbm>>
      %dma_start3A_182 = tpu.memref_squeeze %dma_start3A_181 : memref<1x79x128xi32, #tpu.memory_space<hbm>> -> memref<79x128xi32, #tpu.memory_space<hbm>>
      tpu.enqueue_dma source(%dma_start3A_182 : memref<79x128xi32, #tpu.memory_space<hbm>>) target(%arg6 : memref<79x128xi32, #tpu.memory_space<vmem>>) target_semaphore(%run_scoped3A_174 : memref<!tpu.dma_semaphore, #tpu.memory_space<semaphore_mem>>)
      %dma_wait3A = arith.constant 0 : i32
      %dma_wait3A_183 = arith.constant 0 : i32
      %dma_wait3A_184 = tpu.memref_slice %arg4[%add3A, %dma_wait3A, %dma_wait3A_183] : memref<32x79x128xi32, #tpu.memory_space<hbm>> -> memref<1x79x128xi32, #tpu.memory_space<hbm>>
      %dma_wait3A_185 = tpu.memref_squeeze %dma_wait3A_184 : memref<1x79x128xi32, #tpu.memory_space<hbm>> -> memref<79x128xi32, #tpu.memory_space<hbm>>
      %dma_wait3A_186 = arith.constant 0 : i32
      %dma_wait3A_187 = arith.constant 0 : i32
      %dma_wait3A_188 = tpu.memref_slice %arg4[%add3A, %dma_wait3A_186, %dma_wait3A_187] : memref<32x79x128xi32, #tpu.memory_space<hbm>> -> memref<1x79x128xi32, #tpu.memory_space<hbm>>
      %dma_wait3A_189 = tpu.memref_squeeze %dma_wait3A_188 : memref<1x79x128xi32, #tpu.memory_space<hbm>> -> memref<79x128xi32, #tpu.memory_space<hbm>>
      tpu.wait_dma2 semaphore(%run_scoped3A_174 : memref<!tpu.dma_semaphore, #tpu.memory_space<semaphore_mem>>) src(%dma_wait3A_189 : memref<79x128xi32, #tpu.memory_space<hbm>>) dst(%arg6 : memref<79x128xi32, #tpu.memory_space<vmem>>)
      tpu.yield
    }) : () -> ()
    %broadcast_in_dim3A = arith.constant 0.000000e+00 : f32
    %broadcast_in_dim3A_1 = vector.broadcast %broadcast_in_dim3A : f32 to vector<16xf32>
    %scan3A = arith.constant 0 : i32
    %scan3A_2 = arith.constant 0 : i32
    %scan3A_3 = arith.constant 128 : i32
    %scan3A_4 = arith.addi %scan3A_2, %scan3A_3 : i32
    %scan3A_5 = arith.constant 1 : i32
    scf.for %scan3A_174 = %scan3A_2 to %scan3A_4 step %scan3A_5  : i32 {
      %swap3A_175 = arith.constant 0 : i32
      %swap3A_176 = arith.index_cast %swap3A_175 : i32 to index
      %swap3A_177 = arith.index_cast %scan3A_174 : i32 to index
      %swap3A_178 = arith.constant 0 : index
      %swap3A_179 = tpu.vector_load %arg10[%swap3A_176, %swap3A_177, %swap3A_178] {strides = array<i32>} : memref<2x128x128xf32, #tpu.memory_space<vmem>>, vector<1x1x16xf32>,
      %swap3A_180 = vector.shape_cast %swap3A_179 : vector<1x1x16xf32> to vector<16xf32>
      %swap3A_181 = vector.shape_cast %broadcast_in_dim3A_1 : vector<16xf32> to vector<1x1x16xf32>
      tpu.vector_store %arg10[%swap3A_176, %swap3A_177, %swap3A_178], %swap3A_181 {strides = array<i32>} : memref<2x128x128xf32, #tpu.memory_space<vmem>>, vector<1x1x16xf32>,
      %swap3A_182 = arith.constant 0 : i32
      %swap3A_183 = arith.index_cast %swap3A_182 : i32 to index
      %swap3A_184 = arith.index_cast %scan3A_174 : i32 to index
      %swap3A_185 = arith.constant 16 : index
      %swap3A_186 = tpu.vector_load %arg10[%swap3A_183, %swap3A_184, %swap3A_185] {strides = array<i32>} : memref<2x128x128xf32, #tpu.memory_space<vmem>>, vector<1x1x16xf32>,
      %swap3A_187 = vector.shape_cast %swap3A_186 : vector<1x1x16xf32> to vector<16xf32>
      %swap3A_188 = vector.shape_cast %broadcast_in_dim3A_1 : vector<16xf32> to vector<1x1x16xf32>
      tpu.vector_store %arg10[%swap3A_183, %swap3A_184, %swap3A_185], %swap3A_188 {strides = array<i32>} : memref<2x128x128xf32, #tpu.memory_space<vmem>>, vector<1x1x16xf32>,
      %swap3A_189 = arith.constant 0 : i32
      %swap3A_190 = arith.index_cast %swap3A_189 : i32 to index
      %swap3A_191 = arith.index_cast %scan3A_174 : i32 to index
      %swap3A_192 = arith.constant 32 : index
      %swap3A_193 = tpu.vector_load %arg10[%swap3A_190, %swap3A_191, %swap3A_192] {strides = array<i32>} : memref<2x128x128xf32, #tpu.memory_space<vmem>>, vector<1x1x16xf32>,
      %swap3A_194 = vector.shape_cast %swap3A_193 : vector<1x1x16xf32> to vector<16xf32>
      %swap3A_195 = vector.shape_cast %broadcast_in_dim3A_1 : vector<16xf32> to vector<1x1x16xf32>
      tpu.vector_store %arg10[%swap3A_190, %swap3A_191, %swap3A_192], %swap3A_195 {strides = array<i32>} : memref<2x128x128xf32, #tpu.memory_space<vmem>>, vector<1x1x16xf32>,
      %swap3A_196 = arith.constant 0 : i32
      %swap3A_197 = arith.index_cast %swap3A_196 : i32 to index
      %swap3A_198 = arith.index_cast %scan3A_174 : i32 to index
      %swap3A_199 = arith.constant 48 : index
      %swap3A_200 = tpu.vector_load %arg10[%swap3A_197, %swap3A_198, %swap3A_199] {strides = array<i32>} : memref<2x128x128xf32, #tpu.memory_space<vmem>>, vector<1x1x16xf32>,
      %swap3A_201 = vector.shape_cast %swap3A_200 : vector<1x1x16xf32> to vector<16xf32>
      %swap3A_202 = vector.shape_cast %broadcast_in_dim3A_1 : vector<16xf32> to vector<1x1x16xf32>
      tpu.vector_store %arg10[%swap3A_197, %swap3A_198, %swap3A_199], %swap3A_202 {strides = array<i32>} : memref<2x128x128xf32, #tpu.memory_space<vmem>>, vector<1x1x16xf32>,
      %swap3A_203 = arith.constant 0 : i32
      %swap3A_204 = arith.index_cast %swap3A_203 : i32 to index
      %swap3A_205 = arith.index_cast %scan3A_174 : i32 to index
      %swap3A_206 = arith.constant 64 : index
      %swap3A_207 = tpu.vector_load %arg10[%swap3A_204, %swap3A_205, %swap3A_206] {strides = array<i32>} : memref<2x128x128xf32, #tpu.memory_space<vmem>>, vector<1x1x16xf32>,
      %swap3A_208 = vector.shape_cast %swap3A_207 : vector<1x1x16xf32> to vector<16xf32>
      %swap3A_209 = vector.shape_cast %broadcast_in_dim3A_1 : vector<16xf32> to vector<1x1x16xf32>
      tpu.vector_store %arg10[%swap3A_204, %swap3A_205, %swap3A_206], %swap3A_209 {strides = array<i32>} : memref<2x128x128xf32, #tpu.memory_space<vmem>>, vector<1x1x16xf32>,
      %swap3A_210 = arith.constant 0 : i32
      %swap3A_211 = arith.index_cast %swap3A_210 : i32 to index
      %swap3A_212 = arith.index_cast %scan3A_174 : i32 to index
      %swap3A_213 = arith.constant 80 : index
      %swap3A_214 = tpu.vector_load %arg10[%swap3A_211, %swap3A_212, %swap3A_213] {strides = array<i32>} : memref<2x128x128xf32, #tpu.memory_space<vmem>>, vector<1x1x16xf32>,
      %swap3A_215 = vector.shape_cast %swap3A_214 : vector<1x1x16xf32> to vector<16xf32>
      %swap3A_216 = vector.shape_cast %broadcast_in_dim3A_1 : vector<16xf32> to vector<1x1x16xf32>
      tpu.vector_store %arg10[%swap3A_211, %swap3A_212, %swap3A_213], %swap3A_216 {strides = array<i32>} : memref<2x128x128xf32, #tpu.memory_space<vmem>>, vector<1x1x16xf32>,
      %swap3A_217 = arith.constant 0 : i32
      %swap3A_218 = arith.index_cast %swap3A_217 : i32 to index
      %swap3A_219 = arith.index_cast %scan3A_174 : i32 to index
      %swap3A_220 = arith.constant 96 : index
      %swap3A_221 = tpu.vector_load %arg10[%swap3A_218, %swap3A_219, %swap3A_220] {strides = array<i32>} : memref<2x128x128xf32, #tpu.memory_space<vmem>>, vector<1x1x16xf32>,
      %swap3A_222 = vector.shape_cast %swap3A_221 : vector<1x1x16xf32> to vector<16xf32>
      %swap3A_223 = vector.shape_cast %broadcast_in_dim3A_1 : vector<16xf32> to vector<1x1x16xf32>
      tpu.vector_store %arg10[%swap3A_218, %swap3A_219, %swap3A_220], %swap3A_223 {strides = array<i32>} : memref<2x128x128xf32, #tpu.memory_space<vmem>>, vector<1x1x16xf32>,
      %swap3A_224 = arith.constant 0 : i32
      %swap3A_225 = arith.index_cast %swap3A_224 : i32 to index
      %swap3A_226 = arith.index_cast %scan3A_174 : i32 to index
      %swap3A_227 = arith.constant 112 : index
      %swap3A_228 = tpu.vector_load %arg10[%swap3A_225, %swap3A_226, %swap3A_227] {strides = array<i32>} : memref<2x128x128xf32, #tpu.memory_space<vmem>>, vector<1x1x16xf32>,
      %swap3A_229 = vector.shape_cast %swap3A_228 : vector<1x1x16xf32> to vector<16xf32>
      %swap3A_230 = vector.shape_cast %broadcast_in_dim3A_1 : vector<16xf32> to vector<1x1x16xf32>
      tpu.vector_store %arg10[%swap3A_225, %swap3A_226, %swap3A_227], %swap3A_230 {strides = array<i32>} : memref<2x128x128xf32, #tpu.memory_space<vmem>>, vector<1x1x16xf32>,
    }
    %scan3A_6 = arith.constant 128 : i32
    %scan3A_7 = arith.constant 0 : i32
    %scan3A_8 = arith.constant 0 : i32
    %scan3A_9 = arith.constant 5 : i32
    %scan3A_10 = arith.addi %scan3A_8, %scan3A_9 : i32
    %scan3A_11 = arith.constant 1 : i32
    scf.for %scan3A_174 = %scan3A_8 to %scan3A_10 step %scan3A_11  : i32 {
      %mul3A_175 = arith.constant 640 : i32
      %mul3A_176 = arith.muli %arg1, %mul3A_175 : i32
      %mul3A_177 = arith.constant 128 : i32
      %mul3A_178 = arith.muli %scan3A_174, %mul3A_177 : i32
      %add3A_179 = arith.addi %mul3A_176, %mul3A_178 : i32
      %run_scoped3A_180 = arith.constant 0 : i32
      "tpu.region"() ({
        %run_scoped3A_181 = tpu.sem_alloc : memref<!tpu.dma_semaphore, #tpu.memory_space<semaphore_mem>>
        %dma_start3A_182 = arith.constant 0 : i32
        %dma_start3A_183 = arith.constant 0 : i32
        %dma_start3A_184 = tpu.memref_slice %arg10[%run_scoped3A_180, %dma_start3A_182, %dma_start3A_183] : memref<2x128x128xf32, #tpu.memory_space<vmem>> -> memref<1x128x128xf32, #tpu.memory_space<vmem>>
        %dma_start3A_185 = tpu.memref_squeeze %dma_start3A_184 : memref<1x128x128xf32, #tpu.memory_space<vmem>> -> memref<128x128xf32, #tpu.memory_space<vmem>>
        %dma_start3A_186 = arith.constant 0 : i32
        %dma_start3A_187 = tpu.memref_slice %arg11[%add3A_179, %dma_start3A_186] : memref<10240x128xf32, #tpu.memory_space<vmem_shared>> -> memref<128x128xf32, #tpu.memory_space<vmem_shared>>
        %dma_start3A_188 = arith.constant 0 : i32
        %dma_start3A_189 = tpu.memref_slice %arg11[%add3A_179, %dma_start3A_188] : memref<10240x128xf32, #tpu.memory_space<vmem_shared>> -> memref<128x128xf32, #tpu.memory_space<vmem_shared>>
        %dma_start3A_190 = arith.constant 0 : i32
        %dma_start3A_191 = arith.constant 0 : i32
        %dma_start3A_192 = tpu.memref_slice %arg10[%run_scoped3A_180, %dma_start3A_190, %dma_start3A_191] : memref<2x128x128xf32, #tpu.memory_space<vmem>> -> memref<1x128x128xf32, #tpu.memory_space<vmem>>
        %dma_start3A_193 = tpu.memref_squeeze %dma_start3A_192 : memref<1x128x128xf32, #tpu.memory_space<vmem>> -> memref<128x128xf32, #tpu.memory_space<vmem>>
        tpu.enqueue_dma source(%dma_start3A_193 : memref<128x128xf32, #tpu.memory_space<vmem>>) target(%dma_start3A_189 : memref<128x128xf32, #tpu.memory_space<vmem_shared>>) target_semaphore(%run_scoped3A_181 : memref<!tpu.dma_semaphore, #tpu.memory_space<semaphore_mem>>)
        %dma_wait3A = arith.constant 0 : i32
        %dma_wait3A_194 = arith.constant 0 : i32
        %dma_wait3A_195 = tpu.memref_slice %arg10[%run_scoped3A_180, %dma_wait3A, %dma_wait3A_194] : memref<2x128x128xf32, #tpu.memory_space<vmem>> -> memref<1x128x128xf32, #tpu.memory_space<vmem>>
        %dma_wait3A_196 = tpu.memref_squeeze %dma_wait3A_195 : memref<1x128x128xf32, #tpu.memory_space<vmem>> -> memref<128x128xf32, #tpu.memory_space<vmem>>
        %dma_wait3A_197 = arith.constant 0 : i32
        %dma_wait3A_198 = tpu.memref_slice %arg11[%add3A_179, %dma_wait3A_197] : memref<10240x128xf32, #tpu.memory_space<vmem_shared>> -> memref<128x128xf32, #tpu.memory_space<vmem_shared>>
        %dma_wait3A_199 = arith.constant 0 : i32
        %dma_wait3A_200 = tpu.memref_slice %arg11[%add3A_179, %dma_wait3A_199] : memref<10240x128xf32, #tpu.memory_space<vmem_shared>> -> memref<128x128xf32, #tpu.memory_space<vmem_shared>>
        %dma_wait3A_201 = arith.constant 0 : i32
        %dma_wait3A_202 = arith.constant 0 : i32
        %dma_wait3A_203 = tpu.memref_slice %arg10[%run_scoped3A_180, %dma_wait3A_201, %dma_wait3A_202] : memref<2x128x128xf32, #tpu.memory_space<vmem>> -> memref<1x128x128xf32, #tpu.memory_space<vmem>>
        %dma_wait3A_204 = tpu.memref_squeeze %dma_wait3A_203 : memref<1x128x128xf32, #tpu.memory_space<vmem>> -> memref<128x128xf32, #tpu.memory_space<vmem>>
        tpu.wait_dma2 semaphore(%run_scoped3A_181 : memref<!tpu.dma_semaphore, #tpu.memory_space<semaphore_mem>>) src(%dma_wait3A_204 : memref<128x128xf32, #tpu.memory_space<vmem>>) dst(%dma_wait3A_200 : memref<128x128xf32, #tpu.memory_space<vmem_shared>>)
        tpu.yield
      }) : () -> ()
    }
    %scan3A_12 = arith.constant 5 : i32
    %barrier3A = arith.constant 0 : index
    tpu.barrier barrier_id(%barrier3A)
    %run_scoped3A = arith.constant 0 : i32
    "tpu.region"() ({
      %run_scoped3A_174 = tpu.sem_alloc : memref<!tpu.dma_semaphore, #tpu.memory_space<semaphore_mem>>
      %dma_start3A_175 = arith.constant 0 : i32
      %dma_start3A_176 = tpu.memref_slice %arg3[%add3A, %run_scoped3A, %dma_start3A_175] : memref<32x79x128xi32, #tpu.memory_space<hbm>> -> memref<1x1x128xi32, #tpu.memory_space<hbm>>
      %dma_start3A_177 = tpu.memref_squeeze %dma_start3A_176 : memref<1x1x128xi32, #tpu.memory_space<hbm>> -> memref<128xi32, #tpu.memory_space<hbm>>
      %dma_start3A_178 = arith.constant 0 : i32
      %dma_start3A_179 = tpu.memref_slice %arg3[%add3A, %run_scoped3A, %dma_start3A_178] : memref<32x79x128xi32, #tpu.memory_space<hbm>> -> memref<1x1x128xi32, #tpu.memory_space<hbm>>
      %dma_start3A_180 = tpu.memref_squeeze %dma_start3A_179 : memref<1x1x128xi32, #tpu.memory_space<hbm>> -> memref<128xi32, #tpu.memory_space<hbm>>
      tpu.enqueue_dma source(%dma_start3A_180 : memref<128xi32, #tpu.memory_space<hbm>>) target(%arg7 : memref<128xi32, #tpu.memory_space<vmem>>) target_semaphore(%run_scoped3A_174 : memref<!tpu.dma_semaphore, #tpu.memory_space<semaphore_mem>>)
      %dma_wait3A = arith.constant 0 : i32
      %dma_wait3A_181 = tpu.memref_slice %arg3[%add3A, %run_scoped3A, %dma_wait3A] : memref<32x79x128xi32, #tpu.memory_space<hbm>> -> memref<1x1x128xi32, #tpu.memory_space<hbm>>
      %dma_wait3A_182 = tpu.memref_squeeze %dma_wait3A_181 : memref<1x1x128xi32, #tpu.memory_space<hbm>> -> memref<128xi32, #tpu.memory_space<hbm>>
      %dma_wait3A_183 = arith.constant 0 : i32
      %dma_wait3A_184 = tpu.memref_slice %arg3[%add3A, %run_scoped3A, %dma_wait3A_183] : memref<32x79x128xi32, #tpu.memory_space<hbm>> -> memref<1x1x128xi32, #tpu.memory_space<hbm>>
      %dma_wait3A_185 = tpu.memref_squeeze %dma_wait3A_184 : memref<1x1x128xi32, #tpu.memory_space<hbm>> -> memref<128xi32, #tpu.memory_space<hbm>>
      tpu.wait_dma2 semaphore(%run_scoped3A_174 : memref<!tpu.dma_semaphore, #tpu.memory_space<semaphore_mem>>) src(%dma_wait3A_185 : memref<128xi32, #tpu.memory_space<hbm>>) dst(%arg7 : memref<128xi32, #tpu.memory_space<vmem>>)
      tpu.yield
    }) : () -> ()
    %get3A = arith.constant 0 : index
    %get3A_13 = tpu.vector_load %arg7[%get3A] {strides = array<i32>} : memref<128xi32, #tpu.memory_space<vmem>>, vector<16xi32>,
    %get3A_14 = vector.shape_cast %get3A_13 : vector<16xi32> to vector<16xi32>
    %get3A_15 = arith.constant 0 : i32
    %get3A_16 = arith.index_cast %get3A_15 : i32 to index
    %get3A_17 = arith.constant 0 : index
    %get3A_18 = tpu.vector_load %arg6[%get3A_16, %get3A_17] {strides = array<i32>} : memref<79x128xi32, #tpu.memory_space<vmem>>, vector<1x16xi32>,
    %get3A_19 = vector.shape_cast %get3A_18 : vector<1x16xi32> to vector<16xi32>
    %eq3A = arith.cmpi eq, %get3A_14, %get3A_19 : vector<16xi32>
    %jit3A = arith.constant 10000 : i32
    %broadcast_in_dim3A_20 = vector.broadcast %jit3A : i32 to vector<16xi32>
    %select_n3A = arith.select %eq3A, %broadcast_in_dim3A_20, %get3A_14 : vector<16xi1>, vector<16xi32>
    %swap3A = arith.constant 0 : i32
    %swap3A_21 = arith.index_cast %swap3A : i32 to index
    %swap3A_22 = arith.constant 0 : index
    %swap3A_23 = tpu.vector_load %arg8[%swap3A_21, %swap3A_22] {strides = array<i32>} : memref<2x128xi32, #tpu.memory_space<vmem>>, vector<1x16xi32>,
    %swap3A_24 = vector.shape_cast %swap3A_23 : vector<1x16xi32> to vector<16xi32>
    %swap3A_25 = vector.shape_cast %select_n3A : vector<16xi32> to vector<1x16xi32>
    tpu.vector_store %arg8[%swap3A_21, %swap3A_22], %swap3A_25 {strides = array<i32>} : memref<2x128xi32, #tpu.memory_space<vmem>>, vector<1x16xi32>,
    %get3A_26 = arith.constant 16 : index
    %get3A_27 = tpu.vector_load %arg7[%get3A_26] {strides = array<i32>} : memref<128xi32, #tpu.memory_space<vmem>>, vector<16xi32>,
    %get3A_28 = vector.shape_cast %get3A_27 : vector<16xi32> to vector<16xi32>
    %get3A_29 = arith.constant 0 : i32
    %get3A_30 = arith.index_cast %get3A_29 : i32 to index
    %get3A_31 = arith.constant 16 : index
    %get3A_32 = tpu.vector_load %arg6[%get3A_30, %get3A_31] {strides = array<i32>} : memref<79x128xi32, #tpu.memory_space<vmem>>, vector<1x16xi32>,
    %get3A_33 = vector.shape_cast %get3A_32 : vector<1x16xi32> to vector<16xi32>
    %eq3A_34 = arith.cmpi eq, %get3A_28, %get3A_33 : vector<16xi32>
    %jit3A_35 = arith.constant 10000 : i32
    %broadcast_in_dim3A_36 = vector.broadcast %jit3A_35 : i32 to vector<16xi32>
    %select_n3A_37 = arith.select %eq3A_34, %broadcast_in_dim3A_36, %get3A_28 : vector<16xi1>, vector<16xi32>
    %swap3A_38 = arith.constant 0 : i32
    %swap3A_39 = arith.index_cast %swap3A_38 : i32 to index
    %swap3A_40 = arith.constant 16 : index
    %swap3A_41 = tpu.vector_load %arg8[%swap3A_39, %swap3A_40] {strides = array<i32>} : memref<2x128xi32, #tpu.memory_space<vmem>>, vector<1x16xi32>,
    %swap3A_42 = vector.shape_cast %swap3A_41 : vector<1x16xi32> to vector<16xi32>
    %swap3A_43 = vector.shape_cast %select_n3A_37 : vector<16xi32> to vector<1x16xi32>
    tpu.vector_store %arg8[%swap3A_39, %swap3A_40], %swap3A_43 {strides = array<i32>} : memref<2x128xi32, #tpu.memory_space<vmem>>, vector<1x16xi32>,
    %get3A_44 = arith.constant 32 : index
    %get3A_45 = tpu.vector_load %arg7[%get3A_44] {strides = array<i32>} : memref<128xi32, #tpu.memory_space<vmem>>, vector<16xi32>,
    %get3A_46 = vector.shape_cast %get3A_45 : vector<16xi32> to vector<16xi32>
    %get3A_47 = arith.constant 0 : i32
    %get3A_48 = arith.index_cast %get3A_47 : i32 to index
    %get3A_49 = arith.constant 32 : index
    %get3A_50 = tpu.vector_load %arg6[%get3A_48, %get3A_49] {strides = array<i32>} : memref<79x128xi32, #tpu.memory_space<vmem>>, vector<1x16xi32>,
    %get3A_51 = vector.shape_cast %get3A_50 : vector<1x16xi32> to vector<16xi32>
    %eq3A_52 = arith.cmpi eq, %get3A_46, %get3A_51 : vector<16xi32>
    %jit3A_53 = arith.constant 10000 : i32
    %broadcast_in_dim3A_54 = vector.broadcast %jit3A_53 : i32 to vector<16xi32>
    %select_n3A_55 = arith.select %eq3A_52, %broadcast_in_dim3A_54, %get3A_46 : vector<16xi1>, vector<16xi32>
    %swap3A_56 = arith.constant 0 : i32
    %swap3A_57 = arith.index_cast %swap3A_56 : i32 to index
    %swap3A_58 = arith.constant 32 : index
    %swap3A_59 = tpu.vector_load %arg8[%swap3A_57, %swap3A_58] {strides = array<i32>} : memref<2x128xi32, #tpu.memory_space<vmem>>, vector<1x16xi32>,
    %swap3A_60 = vector.shape_cast %swap3A_59 : vector<1x16xi32> to vector<16xi32>
    %swap3A_61 = vector.shape_cast %select_n3A_55 : vector<16xi32> to vector<1x16xi32>
    tpu.vector_store %arg8[%swap3A_57, %swap3A_58], %swap3A_61 {strides = array<i32>} : memref<2x128xi32, #tpu.memory_space<vmem>>, vector<1x16xi32>,
    %get3A_62 = arith.constant 48 : index
    %get3A_63 = tpu.vector_load %arg7[%get3A_62] {strides = array<i32>} : memref<128xi32, #tpu.memory_space<vmem>>, vector<16xi32>,
    %get3A_64 = vector.shape_cast %get3A_63 : vector<16xi32> to vector<16xi32>
    %get3A_65 = arith.constant 0 : i32
    %get3A_66 = arith.index_cast %get3A_65 : i32 to index
    %get3A_67 = arith.constant 48 : index
    %get3A_68 = tpu.vector_load %arg6[%get3A_66, %get3A_67] {strides = array<i32>} : memref<79x128xi32, #tpu.memory_space<vmem>>, vector<1x16xi32>,
    %get3A_69 = vector.shape_cast %get3A_68 : vector<1x16xi32> to vector<16xi32>
    %eq3A_70 = arith.cmpi eq, %get3A_64, %get3A_69 : vector<16xi32>
    %jit3A_71 = arith.constant 10000 : i32
    %broadcast_in_dim3A_72 = vector.broadcast %jit3A_71 : i32 to vector<16xi32>
    %select_n3A_73 = arith.select %eq3A_70, %broadcast_in_dim3A_72, %get3A_64 : vector<16xi1>, vector<16xi32>
    %swap3A_74 = arith.constant 0 : i32
    %swap3A_75 = arith.index_cast %swap3A_74 : i32 to index
    %swap3A_76 = arith.constant 48 : index
    %swap3A_77 = tpu.vector_load %arg8[%swap3A_75, %swap3A_76] {strides = array<i32>} : memref<2x128xi32, #tpu.memory_space<vmem>>, vector<1x16xi32>,
    %swap3A_78 = vector.shape_cast %swap3A_77 : vector<1x16xi32> to vector<16xi32>
    %swap3A_79 = vector.shape_cast %select_n3A_73 : vector<16xi32> to vector<1x16xi32>
    tpu.vector_store %arg8[%swap3A_75, %swap3A_76], %swap3A_79 {strides = array<i32>} : memref<2x128xi32, #tpu.memory_space<vmem>>, vector<1x16xi32>,
    %get3A_80 = arith.constant 64 : index
    %get3A_81 = tpu.vector_load %arg7[%get3A_80] {strides = array<i32>} : memref<128xi32, #tpu.memory_space<vmem>>, vector<16xi32>,
    %get3A_82 = vector.shape_cast %get3A_81 : vector<16xi32> to vector<16xi32>
    %get3A_83 = arith.constant 0 : i32
    %get3A_84 = arith.index_cast %get3A_83 : i32 to index
    %get3A_85 = arith.constant 64 : index
    %get3A_86 = tpu.vector_load %arg6[%get3A_84, %get3A_85] {strides = array<i32>} : memref<79x128xi32, #tpu.memory_space<vmem>>, vector<1x16xi32>,
    %get3A_87 = vector.shape_cast %get3A_86 : vector<1x16xi32> to vector<16xi32>
    %eq3A_88 = arith.cmpi eq, %get3A_82, %get3A_87 : vector<16xi32>
    %jit3A_89 = arith.constant 10000 : i32
    %broadcast_in_dim3A_90 = vector.broadcast %jit3A_89 : i32 to vector<16xi32>
    %select_n3A_91 = arith.select %eq3A_88, %broadcast_in_dim3A_90, %get3A_82 : vector<16xi1>, vector<16xi32>
    %swap3A_92 = arith.constant 0 : i32
    %swap3A_93 = arith.index_cast %swap3A_92 : i32 to index
    %swap3A_94 = arith.constant 64 : index
    %swap3A_95 = tpu.vector_load %arg8[%swap3A_93, %swap3A_94] {strides = array<i32>} : memref<2x128xi32, #tpu.memory_space<vmem>>, vector<1x16xi32>,
    %swap3A_96 = vector.shape_cast %swap3A_95 : vector<1x16xi32> to vector<16xi32>
    %swap3A_97 = vector.shape_cast %select_n3A_91 : vector<16xi32> to vector<1x16xi32>
    tpu.vector_store %arg8[%swap3A_93, %swap3A_94], %swap3A_97 {strides = array<i32>} : memref<2x128xi32, #tpu.memory_space<vmem>>, vector<1x16xi32>,
    %get3A_98 = arith.constant 80 : index
    %get3A_99 = tpu.vector_load %arg7[%get3A_98] {strides = array<i32>} : memref<128xi32, #tpu.memory_space<vmem>>, vector<16xi32>,
    %get3A_100 = vector.shape_cast %get3A_99 : vector<16xi32> to vector<16xi32>
    %get3A_101 = arith.constant 0 : i32
    %get3A_102 = arith.index_cast %get3A_101 : i32 to index
    %get3A_103 = arith.constant 80 : index
    %get3A_104 = tpu.vector_load %arg6[%get3A_102, %get3A_103] {strides = array<i32>} : memref<79x128xi32, #tpu.memory_space<vmem>>, vector<1x16xi32>,
    %get3A_105 = vector.shape_cast %get3A_104 : vector<1x16xi32> to vector<16xi32>
    %eq3A_106 = arith.cmpi eq, %get3A_100, %get3A_105 : vector<16xi32>
    %jit3A_107 = arith.constant 10000 : i32
    %broadcast_in_dim3A_108 = vector.broadcast %jit3A_107 : i32 to vector<16xi32>
    %select_n3A_109 = arith.select %eq3A_106, %broadcast_in_dim3A_108, %get3A_100 : vector<16xi1>, vector<16xi32>
    %swap3A_110 = arith.constant 0 : i32
    %swap3A_111 = arith.index_cast %swap3A_110 : i32 to index
    %swap3A_112 = arith.constant 80 : index
    %swap3A_113 = tpu.vector_load %arg8[%swap3A_111, %swap3A_112] {strides = array<i32>} : memref<2x128xi32, #tpu.memory_space<vmem>>, vector<1x16xi32>,
    %swap3A_114 = vector.shape_cast %swap3A_113 : vector<1x16xi32> to vector<16xi32>
    %swap3A_115 = vector.shape_cast %select_n3A_109 : vector<16xi32> to vector<1x16xi32>
    tpu.vector_store %arg8[%swap3A_111, %swap3A_112], %swap3A_115 {strides = array<i32>} : memref<2x128xi32, #tpu.memory_space<vmem>>, vector<1x16xi32>,
    %get3A_116 = arith.constant 96 : index
    %get3A_117 = tpu.vector_load %arg7[%get3A_116] {strides = array<i32>} : memref<128xi32, #tpu.memory_space<vmem>>, vector<16xi32>,
    %get3A_118 = vector.shape_cast %get3A_117 : vector<16xi32> to vector<16xi32>
    %get3A_119 = arith.constant 0 : i32
    %get3A_120 = arith.index_cast %get3A_119 : i32 to index
    %get3A_121 = arith.constant 96 : index
    %get3A_122 = tpu.vector_load %arg6[%get3A_120, %get3A_121] {strides = array<i32>} : memref<79x128xi32, #tpu.memory_space<vmem>>, vector<1x16xi32>,
    %get3A_123 = vector.shape_cast %get3A_122 : vector<1x16xi32> to vector<16xi32>
    %eq3A_124 = arith.cmpi eq, %get3A_118, %get3A_123 : vector<16xi32>
    %jit3A_125 = arith.constant 10000 : i32
    %broadcast_in_dim3A_126 = vector.broadcast %jit3A_125 : i32 to vector<16xi32>
    %select_n3A_127 = arith.select %eq3A_124, %broadcast_in_dim3A_126, %get3A_118 : vector<16xi1>, vector<16xi32>
    %swap3A_128 = arith.constant 0 : i32
    %swap3A_129 = arith.index_cast %swap3A_128 : i32 to index
    %swap3A_130 = arith.constant 96 : index
    %swap3A_131 = tpu.vector_load %arg8[%swap3A_129, %swap3A_130] {strides = array<i32>} : memref<2x128xi32, #tpu.memory_space<vmem>>, vector<1x16xi32>,
    %swap3A_132 = vector.shape_cast %swap3A_131 : vector<1x16xi32> to vector<16xi32>
    %swap3A_133 = vector.shape_cast %select_n3A_127 : vector<16xi32> to vector<1x16xi32>
    tpu.vector_store %arg8[%swap3A_129, %swap3A_130], %swap3A_133 {strides = array<i32>} : memref<2x128xi32, #tpu.memory_space<vmem>>, vector<1x16xi32>,
    %get3A_134 = arith.constant 112 : index
    %get3A_135 = tpu.vector_load %arg7[%get3A_134] {strides = array<i32>} : memref<128xi32, #tpu.memory_space<vmem>>, vector<16xi32>,
    %get3A_136 = vector.shape_cast %get3A_135 : vector<16xi32> to vector<16xi32>
    %get3A_137 = arith.constant 0 : i32
    %get3A_138 = arith.index_cast %get3A_137 : i32 to index
    %get3A_139 = arith.constant 112 : index
    %get3A_140 = tpu.vector_load %arg6[%get3A_138, %get3A_139] {strides = array<i32>} : memref<79x128xi32, #tpu.memory_space<vmem>>, vector<1x16xi32>,
    %get3A_141 = vector.shape_cast %get3A_140 : vector<1x16xi32> to vector<16xi32>
    %eq3A_142 = arith.cmpi eq, %get3A_136, %get3A_141 : vector<16xi32>
    %jit3A_143 = arith.constant 10000 : i32
    %broadcast_in_dim3A_144 = vector.broadcast %jit3A_143 : i32 to vector<16xi32>
    %select_n3A_145 = arith.select %eq3A_142, %broadcast_in_dim3A_144, %get3A_136 : vector<16xi1>, vector<16xi32>
    %swap3A_146 = arith.constant 0 : i32
    %swap3A_147 = arith.index_cast %swap3A_146 : i32 to index
    %swap3A_148 = arith.constant 112 : index
    %swap3A_149 = tpu.vector_load %arg8[%swap3A_147, %swap3A_148] {strides = array<i32>} : memref<2x128xi32, #tpu.memory_space<vmem>>, vector<1x16xi32>,
    %swap3A_150 = vector.shape_cast %swap3A_149 : vector<1x16xi32> to vector<16xi32>
    %swap3A_151 = vector.shape_cast %select_n3A_145 : vector<16xi32> to vector<1x16xi32>
    tpu.vector_store %arg8[%swap3A_147, %swap3A_148], %swap3A_151 {strides = array<i32>} : memref<2x128xi32, #tpu.memory_space<vmem>>, vector<1x16xi32>,
    %dma_start3A = arith.constant 0 : i32
    %dma_start3A_152 = arith.constant 0 : i32
    %dma_start3A_153 = arith.constant 0 : i32
    %dma_start3A_154 = arith.constant 0 : i32
    %dma_start3A_155 = tpu.memref_slice %arg10[%dma_start3A_152, %dma_start3A_153, %dma_start3A_154] : memref<2x128x128xf32, #tpu.memory_space<vmem>> -> memref<1x128x128xf32, #tpu.memory_space<vmem>>
    %dma_start3A_156 = tpu.memref_squeeze %dma_start3A_155 : memref<1x128x128xf32, #tpu.memory_space<vmem>> -> memref<128x128xf32, #tpu.memory_space<vmem>>
    %dma_start3A_157 = arith.constant 0 : i32
    %dma_start3A_158 = tpu.memref_slice %arg8[%dma_start3A, %dma_start3A_157] : memref<2x128xi32, #tpu.memory_space<vmem>> -> memref<1x128xi32, #tpu.memory_space<vmem>>
    %dma_start3A_159 = tpu.memref_squeeze %dma_start3A_158 : memref<1x128xi32, #tpu.memory_space<vmem>> -> memref<128xi32, #tpu.memory_space<vmem>>
    %dma_start3A_160 = arith.constant 0 : i32
    %dma_start3A_161 = arith.constant 0 : i32
    %dma_start3A_162 = tpu.memref_slice %arg2[%dma_start3A_160, %dma_start3A_161] : memref<10240x128xf32, #tpu.memory_space<hbm>> -> memref<10240x128xf32, #tpu.memory_space<hbm>>
    tpu.enqueue_indirect_dma source(%dma_start3A_162 : memref<10240x128xf32, #tpu.memory_space<hbm>>) target(%dma_start3A_156 : memref<128x128xf32, #tpu.memory_space<vmem>>) offsets(%dma_start3A_159 : memref<128xi32, #tpu.memory_space<vmem>>) semaphore(%arg12 : memref<!tpu.dma_semaphore, #tpu.memory_space<semaphore_mem>>)
    %scan3A_163 = arith.constant 0 : i32
    %scan3A_164 = arith.constant 0 : i32
    %scan3A_165 = arith.constant 79 : i32
    %scan3A_166 = arith.addi %scan3A_164, %scan3A_165 : i32
    %scan3A_167 = arith.constant 1 : i32
    scf.for %scan3A_174 = %scan3A_164 to %scan3A_166 step %scan3A_167  : i32 {
      %rem3A = arith.constant 2 : i32
      %rem3A_175 = arith.remsi %scan3A_174, %rem3A : i32
      %dma_wait3A = arith.constant 0 : i32
      %dma_wait3A_176 = arith.constant 0 : i32
      %dma_wait3A_177 = tpu.memref_slice %arg10[%rem3A_175, %dma_wait3A, %dma_wait3A_176] : memref<2x128x128xf32, #tpu.memory_space<vmem>> -> memref<1x128x128xf32, #tpu.memory_space<vmem>>
      %dma_wait3A_178 = tpu.memref_squeeze %dma_wait3A_177 : memref<1x128x128xf32, #tpu.memory_space<vmem>> -> memref<128x128xf32, #tpu.memory_space<vmem>>
      %dma_wait3A_179 = arith.constant 0 : i32
      %dma_wait3A_180 = tpu.memref_slice %arg8[%rem3A_175, %dma_wait3A_179] : memref<2x128xi32, #tpu.memory_space<vmem>> -> memref<1x128xi32, #tpu.memory_space<vmem>>
      %dma_wait3A_181 = tpu.memref_squeeze %dma_wait3A_180 : memref<1x128xi32, #tpu.memory_space<vmem>> -> memref<128xi32, #tpu.memory_space<vmem>>
      %dma_wait3A_182 = arith.constant 0 : i32
      %dma_wait3A_183 = arith.constant 0 : i32
      %dma_wait3A_184 = tpu.memref_slice %arg2[%dma_wait3A_182, %dma_wait3A_183] : memref<10240x128xf32, #tpu.memory_space<hbm>> -> memref<10240x128xf32, #tpu.memory_space<hbm>>
      tpu.wait_indirect_dma semaphore(%arg12 : memref<!tpu.dma_semaphore, #tpu.memory_space<semaphore_mem>>) src(%dma_wait3A_184 : memref<10240x128xf32, #tpu.memory_space<hbm>>) dst(%dma_wait3A_178 : memref<128x128xf32, #tpu.memory_space<vmem>>)
      %lt3A = arith.constant 78 : i32
      %lt3A_185 = arith.cmpi slt, %scan3A_174, %lt3A : i32
      %convert_element_type3A = arith.extui %lt3A_185 : i1 to i32
      %cond3A = arith.constant 0 : i32
      %cond3A_186 = arith.cmpi ne, %convert_element_type3A, %cond3A : i32
      scf.if %cond3A_186 {
        %add3A_251 = arith.constant 1 : i32
        %add3A_252 = arith.addi %scan3A_174, %add3A_251 : i32
        %sub3A = arith.constant 1 : i32
        %sub3A_253 = arith.subi %sub3A, %rem3A_175 : i32
        "tpu.region"() ({
          %run_scoped3A_394 = tpu.sem_alloc : memref<!tpu.dma_semaphore, #tpu.memory_space<semaphore_mem>>
          %dma_start3A_395 = arith.constant 0 : i32
          %dma_start3A_396 = tpu.memref_slice %arg3[%add3A, %add3A_252, %dma_start3A_395] : memref<32x79x128xi32, #tpu.memory_space<hbm>> -> memref<1x1x128xi32, #tpu.memory_space<hbm>>
          %dma_start3A_397 = tpu.memref_squeeze %dma_start3A_396 : memref<1x1x128xi32, #tpu.memory_space<hbm>> -> memref<128xi32, #tpu.memory_space<hbm>>
          %dma_start3A_398 = arith.constant 0 : i32
          %dma_start3A_399 = tpu.memref_slice %arg3[%add3A, %add3A_252, %dma_start3A_398] : memref<32x79x128xi32, #tpu.memory_space<hbm>> -> memref<1x1x128xi32, #tpu.memory_space<hbm>>
          %dma_start3A_400 = tpu.memref_squeeze %dma_start3A_399 : memref<1x1x128xi32, #tpu.memory_space<hbm>> -> memref<128xi32, #tpu.memory_space<hbm>>
          tpu.enqueue_dma source(%dma_start3A_400 : memref<128xi32, #tpu.memory_space<hbm>>) target(%arg7 : memref<128xi32, #tpu.memory_space<vmem>>) target_semaphore(%run_scoped3A_394 : memref<!tpu.dma_semaphore, #tpu.memory_space<semaphore_mem>>)
          %dma_wait3A_401 = arith.constant 0 : i32
          %dma_wait3A_402 = tpu.memref_slice %arg3[%add3A, %add3A_252, %dma_wait3A_401] : memref<32x79x128xi32, #tpu.memory_space<hbm>> -> memref<1x1x128xi32, #tpu.memory_space<hbm>>
          %dma_wait3A_403 = tpu.memref_squeeze %dma_wait3A_402 : memref<1x1x128xi32, #tpu.memory_space<hbm>> -> memref<128xi32, #tpu.memory_space<hbm>>
          %dma_wait3A_404 = arith.constant 0 : i32
          %dma_wait3A_405 = tpu.memref_slice %arg3[%add3A, %add3A_252, %dma_wait3A_404] : memref<32x79x128xi32, #tpu.memory_space<hbm>> -> memref<1x1x128xi32, #tpu.memory_space<hbm>>
          %dma_wait3A_406 = tpu.memref_squeeze %dma_wait3A_405 : memref<1x1x128xi32, #tpu.memory_space<hbm>> -> memref<128xi32, #tpu.memory_space<hbm>>
          tpu.wait_dma2 semaphore(%run_scoped3A_394 : memref<!tpu.dma_semaphore, #tpu.memory_space<semaphore_mem>>) src(%dma_wait3A_406 : memref<128xi32, #tpu.memory_space<hbm>>) dst(%arg7 : memref<128xi32, #tpu.memory_space<vmem>>)
          tpu.yield
        }) : () -> ()
        %get3A_254 = arith.constant 0 : index
        %get3A_255 = tpu.vector_load %arg7[%get3A_254] {strides = array<i32>} : memref<128xi32, #tpu.memory_space<vmem>>, vector<16xi32>,
        %get3A_256 = vector.shape_cast %get3A_255 : vector<16xi32> to vector<16xi32>
        %get3A_257 = arith.index_cast %add3A_252 : i32 to index
        %get3A_258 = arith.constant 0 : index
        %get3A_259 = tpu.vector_load %arg6[%get3A_257, %get3A_258] {strides = array<i32>} : memref<79x128xi32, #tpu.memory_space<vmem>>, vector<1x16xi32>,
        %get3A_260 = vector.shape_cast %get3A_259 : vector<1x16xi32> to vector<16xi32>
        %eq3A_261 = arith.cmpi eq, %get3A_256, %get3A_260 : vector<16xi32>
        %jit3A_262 = arith.constant 10000 : i32
        %broadcast_in_dim3A_263 = vector.broadcast %jit3A_262 : i32 to vector<16xi32>
        %select_n3A_264 = arith.select %eq3A_261, %broadcast_in_dim3A_263, %get3A_256 : vector<16xi1>, vector<16xi32>
        %swap3A_265 = arith.index_cast %sub3A_253 : i32 to index
        %swap3A_266 = arith.constant 0 : index
        %swap3A_267 = tpu.vector_load %arg8[%swap3A_265, %swap3A_266] {strides = array<i32>} : memref<2x128xi32, #tpu.memory_space<vmem>>, vector<1x16xi32>,
        %swap3A_268 = vector.shape_cast %swap3A_267 : vector<1x16xi32> to vector<16xi32>
        %swap3A_269 = vector.shape_cast %select_n3A_264 : vector<16xi32> to vector<1x16xi32>
        tpu.vector_store %arg8[%swap3A_265, %swap3A_266], %swap3A_269 {strides = array<i32>} : memref<2x128xi32, #tpu.memory_space<vmem>>, vector<1x16xi32>,
        %get3A_270 = arith.constant 16 : index
        %get3A_271 = tpu.vector_load %arg7[%get3A_270] {strides = array<i32>} : memref<128xi32, #tpu.memory_space<vmem>>, vector<16xi32>,
        %get3A_272 = vector.shape_cast %get3A_271 : vector<16xi32> to vector<16xi32>
        %get3A_273 = arith.index_cast %add3A_252 : i32 to index
        %get3A_274 = arith.constant 16 : index
        %get3A_275 = tpu.vector_load %arg6[%get3A_273, %get3A_274] {strides = array<i32>} : memref<79x128xi32, #tpu.memory_space<vmem>>, vector<1x16xi32>,
        %get3A_276 = vector.shape_cast %get3A_275 : vector<1x16xi32> to vector<16xi32>
        %eq3A_277 = arith.cmpi eq, %get3A_272, %get3A_276 : vector<16xi32>
        %jit3A_278 = arith.constant 10000 : i32
        %broadcast_in_dim3A_279 = vector.broadcast %jit3A_278 : i32 to vector<16xi32>
        %select_n3A_280 = arith.select %eq3A_277, %broadcast_in_dim3A_279, %get3A_272 : vector<16xi1>, vector<16xi32>
        %swap3A_281 = arith.index_cast %sub3A_253 : i32 to index
        %swap3A_282 = arith.constant 16 : index
        %swap3A_283 = tpu.vector_load %arg8[%swap3A_281, %swap3A_282] {strides = array<i32>} : memref<2x128xi32, #tpu.memory_space<vmem>>, vector<1x16xi32>,
        %swap3A_284 = vector.shape_cast %swap3A_283 : vector<1x16xi32> to vector<16xi32>
        %swap3A_285 = vector.shape_cast %select_n3A_280 : vector<16xi32> to vector<1x16xi32>
        tpu.vector_store %arg8[%swap3A_281, %swap3A_282], %swap3A_285 {strides = array<i32>} : memref<2x128xi32, #tpu.memory_space<vmem>>, vector<1x16xi32>,
        %get3A_286 = arith.constant 32 : index
        %get3A_287 = tpu.vector_load %arg7[%get3A_286] {strides = array<i32>} : memref<128xi32, #tpu.memory_space<vmem>>, vector<16xi32>,
        %get3A_288 = vector.shape_cast %get3A_287 : vector<16xi32> to vector<16xi32>
        %get3A_289 = arith.index_cast %add3A_252 : i32 to index
        %get3A_290 = arith.constant 32 : index
        %get3A_291 = tpu.vector_load %arg6[%get3A_289, %get3A_290] {strides = array<i32>} : memref<79x128xi32, #tpu.memory_space<vmem>>, vector<1x16xi32>,
        %get3A_292 = vector.shape_cast %get3A_291 : vector<1x16xi32> to vector<16xi32>
        %eq3A_293 = arith.cmpi eq, %get3A_288, %get3A_292 : vector<16xi32>
        %jit3A_294 = arith.constant 10000 : i32
        %broadcast_in_dim3A_295 = vector.broadcast %jit3A_294 : i32 to vector<16xi32>
        %select_n3A_296 = arith.select %eq3A_293, %broadcast_in_dim3A_295, %get3A_288 : vector<16xi1>, vector<16xi32>
        %swap3A_297 = arith.index_cast %sub3A_253 : i32 to index
        %swap3A_298 = arith.constant 32 : index
        %swap3A_299 = tpu.vector_load %arg8[%swap3A_297, %swap3A_298] {strides = array<i32>} : memref<2x128xi32, #tpu.memory_space<vmem>>, vector<1x16xi32>,
        %swap3A_300 = vector.shape_cast %swap3A_299 : vector<1x16xi32> to vector<16xi32>
        %swap3A_301 = vector.shape_cast %select_n3A_296 : vector<16xi32> to vector<1x16xi32>
        tpu.vector_store %arg8[%swap3A_297, %swap3A_298], %swap3A_301 {strides = array<i32>} : memref<2x128xi32, #tpu.memory_space<vmem>>, vector<1x16xi32>,
        %get3A_302 = arith.constant 48 : index
        %get3A_303 = tpu.vector_load %arg7[%get3A_302] {strides = array<i32>} : memref<128xi32, #tpu.memory_space<vmem>>, vector<16xi32>,
        %get3A_304 = vector.shape_cast %get3A_303 : vector<16xi32> to vector<16xi32>
        %get3A_305 = arith.index_cast %add3A_252 : i32 to index
        %get3A_306 = arith.constant 48 : index
        %get3A_307 = tpu.vector_load %arg6[%get3A_305, %get3A_306] {strides = array<i32>} : memref<79x128xi32, #tpu.memory_space<vmem>>, vector<1x16xi32>,
        %get3A_308 = vector.shape_cast %get3A_307 : vector<1x16xi32> to vector<16xi32>
        %eq3A_309 = arith.cmpi eq, %get3A_304, %get3A_308 : vector<16xi32>
        %jit3A_310 = arith.constant 10000 : i32
        %broadcast_in_dim3A_311 = vector.broadcast %jit3A_310 : i32 to vector<16xi32>
        %select_n3A_312 = arith.select %eq3A_309, %broadcast_in_dim3A_311, %get3A_304 : vector<16xi1>, vector<16xi32>
        %swap3A_313 = arith.index_cast %sub3A_253 : i32 to index
        %swap3A_314 = arith.constant 48 : index
        %swap3A_315 = tpu.vector_load %arg8[%swap3A_313, %swap3A_314] {strides = array<i32>} : memref<2x128xi32, #tpu.memory_space<vmem>>, vector<1x16xi32>,
        %swap3A_316 = vector.shape_cast %swap3A_315 : vector<1x16xi32> to vector<16xi32>
        %swap3A_317 = vector.shape_cast %select_n3A_312 : vector<16xi32> to vector<1x16xi32>
        tpu.vector_store %arg8[%swap3A_313, %swap3A_314], %swap3A_317 {strides = array<i32>} : memref<2x128xi32, #tpu.memory_space<vmem>>, vector<1x16xi32>,
        %get3A_318 = arith.constant 64 : index
        %get3A_319 = tpu.vector_load %arg7[%get3A_318] {strides = array<i32>} : memref<128xi32, #tpu.memory_space<vmem>>, vector<16xi32>,
        %get3A_320 = vector.shape_cast %get3A_319 : vector<16xi32> to vector<16xi32>
        %get3A_321 = arith.index_cast %add3A_252 : i32 to index
        %get3A_322 = arith.constant 64 : index
        %get3A_323 = tpu.vector_load %arg6[%get3A_321, %get3A_322] {strides = array<i32>} : memref<79x128xi32, #tpu.memory_space<vmem>>, vector<1x16xi32>,
        %get3A_324 = vector.shape_cast %get3A_323 : vector<1x16xi32> to vector<16xi32>
        %eq3A_325 = arith.cmpi eq, %get3A_320, %get3A_324 : vector<16xi32>
        %jit3A_326 = arith.constant 10000 : i32
        %broadcast_in_dim3A_327 = vector.broadcast %jit3A_326 : i32 to vector<16xi32>
        %select_n3A_328 = arith.select %eq3A_325, %broadcast_in_dim3A_327, %get3A_320 : vector<16xi1>, vector<16xi32>
        %swap3A_329 = arith.index_cast %sub3A_253 : i32 to index
        %swap3A_330 = arith.constant 64 : index
        %swap3A_331 = tpu.vector_load %arg8[%swap3A_329, %swap3A_330] {strides = array<i32>} : memref<2x128xi32, #tpu.memory_space<vmem>>, vector<1x16xi32>,
        %swap3A_332 = vector.shape_cast %swap3A_331 : vector<1x16xi32> to vector<16xi32>
        %swap3A_333 = vector.shape_cast %select_n3A_328 : vector<16xi32> to vector<1x16xi32>
        tpu.vector_store %arg8[%swap3A_329, %swap3A_330], %swap3A_333 {strides = array<i32>} : memref<2x128xi32, #tpu.memory_space<vmem>>, vector<1x16xi32>,
        %get3A_334 = arith.constant 80 : index
        %get3A_335 = tpu.vector_load %arg7[%get3A_334] {strides = array<i32>} : memref<128xi32, #tpu.memory_space<vmem>>, vector<16xi32>,
        %get3A_336 = vector.shape_cast %get3A_335 : vector<16xi32> to vector<16xi32>
        %get3A_337 = arith.index_cast %add3A_252 : i32 to index
        %get3A_338 = arith.constant 80 : index
        %get3A_339 = tpu.vector_load %arg6[%get3A_337, %get3A_338] {strides = array<i32>} : memref<79x128xi32, #tpu.memory_space<vmem>>, vector<1x16xi32>,
        %get3A_340 = vector.shape_cast %get3A_339 : vector<1x16xi32> to vector<16xi32>
        %eq3A_341 = arith.cmpi eq, %get3A_336, %get3A_340 : vector<16xi32>
        %jit3A_342 = arith.constant 10000 : i32
        %broadcast_in_dim3A_343 = vector.broadcast %jit3A_342 : i32 to vector<16xi32>
        %select_n3A_344 = arith.select %eq3A_341, %broadcast_in_dim3A_343, %get3A_336 : vector<16xi1>, vector<16xi32>
        %swap3A_345 = arith.index_cast %sub3A_253 : i32 to index
        %swap3A_346 = arith.constant 80 : index
        %swap3A_347 = tpu.vector_load %arg8[%swap3A_345, %swap3A_346] {strides = array<i32>} : memref<2x128xi32, #tpu.memory_space<vmem>>, vector<1x16xi32>,
        %swap3A_348 = vector.shape_cast %swap3A_347 : vector<1x16xi32> to vector<16xi32>
        %swap3A_349 = vector.shape_cast %select_n3A_344 : vector<16xi32> to vector<1x16xi32>
        tpu.vector_store %arg8[%swap3A_345, %swap3A_346], %swap3A_349 {strides = array<i32>} : memref<2x128xi32, #tpu.memory_space<vmem>>, vector<1x16xi32>,
        %get3A_350 = arith.constant 96 : index
        %get3A_351 = tpu.vector_load %arg7[%get3A_350] {strides = array<i32>} : memref<128xi32, #tpu.memory_space<vmem>>, vector<16xi32>,
        %get3A_352 = vector.shape_cast %get3A_351 : vector<16xi32> to vector<16xi32>
        %get3A_353 = arith.index_cast %add3A_252 : i32 to index
        %get3A_354 = arith.constant 96 : index
        %get3A_355 = tpu.vector_load %arg6[%get3A_353, %get3A_354] {strides = array<i32>} : memref<79x128xi32, #tpu.memory_space<vmem>>, vector<1x16xi32>,
        %get3A_356 = vector.shape_cast %get3A_355 : vector<1x16xi32> to vector<16xi32>
        %eq3A_357 = arith.cmpi eq, %get3A_352, %get3A_356 : vector<16xi32>
        %jit3A_358 = arith.constant 10000 : i32
        %broadcast_in_dim3A_359 = vector.broadcast %jit3A_358 : i32 to vector<16xi32>
        %select_n3A_360 = arith.select %eq3A_357, %broadcast_in_dim3A_359, %get3A_352 : vector<16xi1>, vector<16xi32>
        %swap3A_361 = arith.index_cast %sub3A_253 : i32 to index
        %swap3A_362 = arith.constant 96 : index
        %swap3A_363 = tpu.vector_load %arg8[%swap3A_361, %swap3A_362] {strides = array<i32>} : memref<2x128xi32, #tpu.memory_space<vmem>>, vector<1x16xi32>,
        %swap3A_364 = vector.shape_cast %swap3A_363 : vector<1x16xi32> to vector<16xi32>
        %swap3A_365 = vector.shape_cast %select_n3A_360 : vector<16xi32> to vector<1x16xi32>
        tpu.vector_store %arg8[%swap3A_361, %swap3A_362], %swap3A_365 {strides = array<i32>} : memref<2x128xi32, #tpu.memory_space<vmem>>, vector<1x16xi32>,
        %get3A_366 = arith.constant 112 : index
        %get3A_367 = tpu.vector_load %arg7[%get3A_366] {strides = array<i32>} : memref<128xi32, #tpu.memory_space<vmem>>, vector<16xi32>,
        %get3A_368 = vector.shape_cast %get3A_367 : vector<16xi32> to vector<16xi32>
        %get3A_369 = arith.index_cast %add3A_252 : i32 to index
        %get3A_370 = arith.constant 112 : index
        %get3A_371 = tpu.vector_load %arg6[%get3A_369, %get3A_370] {strides = array<i32>} : memref<79x128xi32, #tpu.memory_space<vmem>>, vector<1x16xi32>,
        %get3A_372 = vector.shape_cast %get3A_371 : vector<1x16xi32> to vector<16xi32>
        %eq3A_373 = arith.cmpi eq, %get3A_368, %get3A_372 : vector<16xi32>
        %jit3A_374 = arith.constant 10000 : i32
        %broadcast_in_dim3A_375 = vector.broadcast %jit3A_374 : i32 to vector<16xi32>
        %select_n3A_376 = arith.select %eq3A_373, %broadcast_in_dim3A_375, %get3A_368 : vector<16xi1>, vector<16xi32>
        %swap3A_377 = arith.index_cast %sub3A_253 : i32 to index
        %swap3A_378 = arith.constant 112 : index
        %swap3A_379 = tpu.vector_load %arg8[%swap3A_377, %swap3A_378] {strides = array<i32>} : memref<2x128xi32, #tpu.memory_space<vmem>>, vector<1x16xi32>,
        %swap3A_380 = vector.shape_cast %swap3A_379 : vector<1x16xi32> to vector<16xi32>
        %swap3A_381 = vector.shape_cast %select_n3A_376 : vector<16xi32> to vector<1x16xi32>
        tpu.vector_store %arg8[%swap3A_377, %swap3A_378], %swap3A_381 {strides = array<i32>} : memref<2x128xi32, #tpu.memory_space<vmem>>, vector<1x16xi32>,
        %sub3A_382 = arith.constant 1 : i32
        %sub3A_383 = arith.subi %sub3A_382, %rem3A_175 : i32
        %dma_start3A_384 = arith.constant 0 : i32
        %dma_start3A_385 = arith.constant 0 : i32
        %dma_start3A_386 = tpu.memref_slice %arg10[%sub3A_383, %dma_start3A_384, %dma_start3A_385] : memref<2x128x128xf32, #tpu.memory_space<vmem>> -> memref<1x128x128xf32, #tpu.memory_space<vmem>>
        %dma_start3A_387 = tpu.memref_squeeze %dma_start3A_386 : memref<1x128x128xf32, #tpu.memory_space<vmem>> -> memref<128x128xf32, #tpu.memory_space<vmem>>
        %dma_start3A_388 = arith.constant 0 : i32
        %dma_start3A_389 = tpu.memref_slice %arg8[%sub3A_383, %dma_start3A_388] : memref<2x128xi32, #tpu.memory_space<vmem>> -> memref<1x128xi32, #tpu.memory_space<vmem>>
        %dma_start3A_390 = tpu.memref_squeeze %dma_start3A_389 : memref<1x128xi32, #tpu.memory_space<vmem>> -> memref<128xi32, #tpu.memory_space<vmem>>
        %dma_start3A_391 = arith.constant 0 : i32
        %dma_start3A_392 = arith.constant 0 : i32
        %dma_start3A_393 = tpu.memref_slice %arg2[%dma_start3A_391, %dma_start3A_392] : memref<10240x128xf32, #tpu.memory_space<hbm>> -> memref<10240x128xf32, #tpu.memory_space<hbm>>
        tpu.enqueue_indirect_dma source(%dma_start3A_393 : memref<10240x128xf32, #tpu.memory_space<hbm>>) target(%dma_start3A_387 : memref<128x128xf32, #tpu.memory_space<vmem>>) offsets(%dma_start3A_390 : memref<128xi32, #tpu.memory_space<vmem>>) semaphore(%arg12 : memref<!tpu.dma_semaphore, #tpu.memory_space<semaphore_mem>>)
      } else {
      }
      %get3A_187 = arith.index_cast %scan3A_174 : i32 to index
      %get3A_188 = arith.constant 0 : index
      %get3A_189 = tpu.vector_load %arg6[%get3A_187, %get3A_188] {strides = array<i32>} : memref<79x128xi32, #tpu.memory_space<vmem>>, vector<1x16xi32>,
      %get3A_190 = vector.shape_cast %get3A_189 : vector<1x16xi32> to vector<16xi32>
      %swap3A_191 = arith.constant 0 : index
      %swap3A_192 = tpu.vector_load %arg9[%swap3A_191] {strides = array<i32>} : memref<128xi32, #tpu.memory_space<vmem>>, vector<16xi32>,
      %swap3A_193 = vector.shape_cast %swap3A_192 : vector<16xi32> to vector<16xi32>
      %swap3A_194 = vector.shape_cast %get3A_190 : vector<16xi32> to vector<16xi32>
      tpu.vector_store %arg9[%swap3A_191], %swap3A_194 {strides = array<i32>} : memref<128xi32, #tpu.memory_space<vmem>>, vector<16xi32>,
      %get3A_195 = arith.index_cast %scan3A_174 : i32 to index
      %get3A_196 = arith.constant 16 : index
      %get3A_197 = tpu.vector_load %arg6[%get3A_195, %get3A_196] {strides = array<i32>} : memref<79x128xi32, #tpu.memory_space<vmem>>, vector<1x16xi32>,
      %get3A_198 = vector.shape_cast %get3A_197 : vector<1x16xi32> to vector<16xi32>
      %swap3A_199 = arith.constant 16 : index
      %swap3A_200 = tpu.vector_load %arg9[%swap3A_199] {strides = array<i32>} : memref<128xi32, #tpu.memory_space<vmem>>, vector<16xi32>,
      %swap3A_201 = vector.shape_cast %swap3A_200 : vector<16xi32> to vector<16xi32>
      %swap3A_202 = vector.shape_cast %get3A_198 : vector<16xi32> to vector<16xi32>
      tpu.vector_store %arg9[%swap3A_199], %swap3A_202 {strides = array<i32>} : memref<128xi32, #tpu.memory_space<vmem>>, vector<16xi32>,
      %get3A_203 = arith.index_cast %scan3A_174 : i32 to index
      %get3A_204 = arith.constant 32 : index
      %get3A_205 = tpu.vector_load %arg6[%get3A_203, %get3A_204] {strides = array<i32>} : memref<79x128xi32, #tpu.memory_space<vmem>>, vector<1x16xi32>,
      %get3A_206 = vector.shape_cast %get3A_205 : vector<1x16xi32> to vector<16xi32>
      %swap3A_207 = arith.constant 32 : index
      %swap3A_208 = tpu.vector_load %arg9[%swap3A_207] {strides = array<i32>} : memref<128xi32, #tpu.memory_space<vmem>>, vector<16xi32>,
      %swap3A_209 = vector.shape_cast %swap3A_208 : vector<16xi32> to vector<16xi32>
      %swap3A_210 = vector.shape_cast %get3A_206 : vector<16xi32> to vector<16xi32>
      tpu.vector_store %arg9[%swap3A_207], %swap3A_210 {strides = array<i32>} : memref<128xi32, #tpu.memory_space<vmem>>, vector<16xi32>,
      %get3A_211 = arith.index_cast %scan3A_174 : i32 to index
      %get3A_212 = arith.constant 48 : index
      %get3A_213 = tpu.vector_load %arg6[%get3A_211, %get3A_212] {strides = array<i32>} : memref<79x128xi32, #tpu.memory_space<vmem>>, vector<1x16xi32>,
      %get3A_214 = vector.shape_cast %get3A_213 : vector<1x16xi32> to vector<16xi32>
      %swap3A_215 = arith.constant 48 : index
      %swap3A_216 = tpu.vector_load %arg9[%swap3A_215] {strides = array<i32>} : memref<128xi32, #tpu.memory_space<vmem>>, vector<16xi32>,
      %swap3A_217 = vector.shape_cast %swap3A_216 : vector<16xi32> to vector<16xi32>
      %swap3A_218 = vector.shape_cast %get3A_214 : vector<16xi32> to vector<16xi32>
      tpu.vector_store %arg9[%swap3A_215], %swap3A_218 {strides = array<i32>} : memref<128xi32, #tpu.memory_space<vmem>>, vector<16xi32>,
      %get3A_219 = arith.index_cast %scan3A_174 : i32 to index
      %get3A_220 = arith.constant 64 : index
      %get3A_221 = tpu.vector_load %arg6[%get3A_219, %get3A_220] {strides = array<i32>} : memref<79x128xi32, #tpu.memory_space<vmem>>, vector<1x16xi32>,
      %get3A_222 = vector.shape_cast %get3A_221 : vector<1x16xi32> to vector<16xi32>
      %swap3A_223 = arith.constant 64 : index
      %swap3A_224 = tpu.vector_load %arg9[%swap3A_223] {strides = array<i32>} : memref<128xi32, #tpu.memory_space<vmem>>, vector<16xi32>,
      %swap3A_225 = vector.shape_cast %swap3A_224 : vector<16xi32> to vector<16xi32>
      %swap3A_226 = vector.shape_cast %get3A_222 : vector<16xi32> to vector<16xi32>
      tpu.vector_store %arg9[%swap3A_223], %swap3A_226 {strides = array<i32>} : memref<128xi32, #tpu.memory_space<vmem>>, vector<16xi32>,
      %get3A_227 = arith.index_cast %scan3A_174 : i32 to index
      %get3A_228 = arith.constant 80 : index
      %get3A_229 = tpu.vector_load %arg6[%get3A_227, %get3A_228] {strides = array<i32>} : memref<79x128xi32, #tpu.memory_space<vmem>>, vector<1x16xi32>,
      %get3A_230 = vector.shape_cast %get3A_229 : vector<1x16xi32> to vector<16xi32>
      %swap3A_231 = arith.constant 80 : index
      %swap3A_232 = tpu.vector_load %arg9[%swap3A_231] {strides = array<i32>} : memref<128xi32, #tpu.memory_space<vmem>>, vector<16xi32>,
      %swap3A_233 = vector.shape_cast %swap3A_232 : vector<16xi32> to vector<16xi32>
      %swap3A_234 = vector.shape_cast %get3A_230 : vector<16xi32> to vector<16xi32>
      tpu.vector_store %arg9[%swap3A_231], %swap3A_234 {strides = array<i32>} : memref<128xi32, #tpu.memory_space<vmem>>, vector<16xi32>,
      %get3A_235 = arith.index_cast %scan3A_174 : i32 to index
      %get3A_236 = arith.constant 96 : index
      %get3A_237 = tpu.vector_load %arg6[%get3A_235, %get3A_236] {strides = array<i32>} : memref<79x128xi32, #tpu.memory_space<vmem>>, vector<1x16xi32>,
      %get3A_238 = vector.shape_cast %get3A_237 : vector<1x16xi32> to vector<16xi32>
      %swap3A_239 = arith.constant 96 : index
      %swap3A_240 = tpu.vector_load %arg9[%swap3A_239] {strides = array<i32>} : memref<128xi32, #tpu.memory_space<vmem>>, vector<16xi32>,
      %swap3A_241 = vector.shape_cast %swap3A_240 : vector<16xi32> to vector<16xi32>
      %swap3A_242 = vector.shape_cast %get3A_238 : vector<16xi32> to vector<16xi32>
      tpu.vector_store %arg9[%swap3A_239], %swap3A_242 {strides = array<i32>} : memref<128xi32, #tpu.memory_space<vmem>>, vector<16xi32>,
      %get3A_243 = arith.index_cast %scan3A_174 : i32 to index
      %get3A_244 = arith.constant 112 : index
      %get3A_245 = tpu.vector_load %arg6[%get3A_243, %get3A_244] {strides = array<i32>} : memref<79x128xi32, #tpu.memory_space<vmem>>, vector<1x16xi32>,
      %get3A_246 = vector.shape_cast %get3A_245 : vector<1x16xi32> to vector<16xi32>
      %swap3A_247 = arith.constant 112 : index
      %swap3A_248 = tpu.vector_load %arg9[%swap3A_247] {strides = array<i32>} : memref<128xi32, #tpu.memory_space<vmem>>, vector<16xi32>,
      %swap3A_249 = vector.shape_cast %swap3A_248 : vector<16xi32> to vector<16xi32>
      %swap3A_250 = vector.shape_cast %get3A_246 : vector<16xi32> to vector<16xi32>
      tpu.vector_store %arg9[%swap3A_247], %swap3A_250 {strides = array<i32>} : memref<128xi32, #tpu.memory_space<vmem>>, vector<16xi32>,
      "tpu.region"() ({
        %run_scoped3A_251 = tpu.sem_alloc : memref<!tpu.dma_semaphore, #tpu.memory_space<semaphore_mem>>
        %dma_start3A_252 = arith.constant 0 : i32
        %dma_start3A_253 = arith.constant 0 : i32
        %dma_start3A_254 = tpu.memref_slice %arg10[%rem3A_175, %dma_start3A_252, %dma_start3A_253] : memref<2x128x128xf32, #tpu.memory_space<vmem>> -> memref<1x128x128xf32, #tpu.memory_space<vmem>>
        %dma_start3A_255 = tpu.memref_squeeze %dma_start3A_254 : memref<1x128x128xf32, #tpu.memory_space<vmem>> -> memref<128x128xf32, #tpu.memory_space<vmem>>
        %dma_start3A_256 = arith.constant 0 : i32
        %dma_start3A_257 = arith.constant 0 : i32
        %dma_start3A_258 = tpu.memref_slice %arg11[%dma_start3A_256, %dma_start3A_257] : memref<10240x128xf32, #tpu.memory_space<vmem_shared>> -> memref<10240x128xf32, #tpu.memory_space<vmem_shared>>
        tpu.enqueue_indirect_dma source(%dma_start3A_255 : memref<128x128xf32, #tpu.memory_space<vmem>>) target(%dma_start3A_258 : memref<10240x128xf32, #tpu.memory_space<vmem_shared>>) offsets(%arg9 : memref<128xi32, #tpu.memory_space<vmem>>) semaphore(%run_scoped3A_251 : memref<!tpu.dma_semaphore, #tpu.memory_space<semaphore_mem>>) {add = true}
        %dma_wait3A_259 = arith.constant 0 : i32
        %dma_wait3A_260 = arith.constant 0 : i32
        %dma_wait3A_261 = tpu.memref_slice %arg10[%rem3A_175, %dma_wait3A_259, %dma_wait3A_260] : memref<2x128x128xf32, #tpu.memory_space<vmem>> -> memref<1x128x128xf32, #tpu.memory_space<vmem>>
        %dma_wait3A_262 = tpu.memref_squeeze %dma_wait3A_261 : memref<1x128x128xf32, #tpu.memory_space<vmem>> -> memref<128x128xf32, #tpu.memory_space<vmem>>
        %dma_wait3A_263 = arith.constant 0 : i32
        %dma_wait3A_264 = arith.constant 0 : i32
        %dma_wait3A_265 = tpu.memref_slice %arg11[%dma_wait3A_263, %dma_wait3A_264] : memref<10240x128xf32, #tpu.memory_space<vmem_shared>> -> memref<10240x128xf32, #tpu.memory_space<vmem_shared>>
        tpu.wait_indirect_dma semaphore(%run_scoped3A_251 : memref<!tpu.dma_semaphore, #tpu.memory_space<semaphore_mem>>) src(%dma_wait3A_262 : memref<128x128xf32, #tpu.memory_space<vmem>>) dst(%dma_wait3A_265 : memref<10240x128xf32, #tpu.memory_space<vmem_shared>>)
        tpu.yield
      }) : () -> ()
    }
    %scan3A_168 = arith.constant 79 : i32
    %barrier3A_169 = arith.constant 0 : index
    tpu.barrier barrier_id(%barrier3A_169)
    %mul3A_170 = arith.constant 640 : i32
    %mul3A_171 = arith.muli %arg1, %mul3A_170 : i32
    %mul3A_172 = arith.constant 640 : i32
    %mul3A_173 = arith.muli %arg1, %mul3A_172 : i32
    "tpu.region"() ({
      %run_scoped3A_174 = tpu.sem_alloc : memref<!tpu.dma_semaphore, #tpu.memory_space<semaphore_mem>>
      %dma_start3A_175 = arith.constant 0 : i32
      %dma_start3A_176 = tpu.memref_slice %arg5[%arg0, %mul3A_173, %dma_start3A_175] : memref<2x10240x128xf32, #tpu.memory_space<hbm>> -> memref<1x640x128xf32, #tpu.memory_space<hbm>>
      %dma_start3A_177 = tpu.memref_squeeze %dma_start3A_176 : memref<1x640x128xf32, #tpu.memory_space<hbm>> -> memref<640x128xf32, #tpu.memory_space<hbm>>
      %dma_start3A_178 = arith.constant 0 : i32
      %dma_start3A_179 = tpu.memref_slice %arg11[%mul3A_171, %dma_start3A_178] : memref<10240x128xf32, #tpu.memory_space<vmem_shared>> -> memref<640x128xf32, #tpu.memory_space<vmem_shared>>
      tpu.enqueue_dma source(%dma_start3A_179 : memref<640x128xf32, #tpu.memory_space<vmem_shared>>) target(%dma_start3A_177 : memref<640x128xf32, #tpu.memory_space<hbm>>) target_semaphore(%run_scoped3A_174 : memref<!tpu.dma_semaphore, #tpu.memory_space<semaphore_mem>>)
      %dma_wait3A = arith.constant 0 : i32
      %dma_wait3A_180 = tpu.memref_slice %arg5[%arg0, %mul3A_173, %dma_wait3A] : memref<2x10240x128xf32, #tpu.memory_space<hbm>> -> memref<1x640x128xf32, #tpu.memory_space<hbm>>
      %dma_wait3A_181 = tpu.memref_squeeze %dma_wait3A_180 : memref<1x640x128xf32, #tpu.memory_space<hbm>> -> memref<640x128xf32, #tpu.memory_space<hbm>>
      %dma_wait3A_182 = arith.constant 0 : i32
      %dma_wait3A_183 = tpu.memref_slice %arg11[%mul3A_171, %dma_wait3A_182] : memref<10240x128xf32, #tpu.memory_space<vmem_shared>> -> memref<640x128xf32, #tpu.memory_space<vmem_shared>>
      tpu.wait_dma2 semaphore(%run_scoped3A_174 : memref<!tpu.dma_semaphore, #tpu.memory_space<semaphore_mem>>) src(%dma_wait3A_183 : memref<640x128xf32, #tpu.memory_space<vmem_shared>>) dst(%dma_wait3A_181 : memref<640x128xf32, #tpu.memory_space<hbm>>)
      tpu.yield
    }) : () -> ()
    return
  }
}

module attributes {stable_mosaic.version = 14 : i64} {
  func.func @body(%arg0: i32, %arg1: memref<1024x128xf32, #tpu.memory_space<vmem>>, %arg2: memref<128x128xf32, #tpu.memory_space<vmem>>, %arg3: memref<1024x128xf32, #tpu.memory_space<vmem>>) attributes {dimension_semantics = [#tpu.dimension_semantics<arbitrary>], iteration_bounds = array<i64: 10>, scalar_prefetch = 0 : i64, scratch_operands = 0 : i64, tpu.core_type = #tpu.core_type<tc>, window_params = [{transform_indices = @transform_0, window_bounds = array<i64: 1024, 128>}, {pipeline_mode = #tpu.pipeline_mode<synchronous>, transform_indices = @transform_1, window_bounds = array<i64: 128, 128>}, {transform_indices = @transform_2, window_bounds = array<i64: 1024, 128>}]} {
    %get3A = arith.constant 0 : index
    %get3A_0 = arith.constant 0 : index
    %get3A_1 = vector.load %arg1[%get3A, %get3A_0] : memref<1024x128xf32, #tpu.memory_space<vmem>>, vector<1024x128xf32>
    %get3A_2 = arith.constant 0 : index
    %get3A_3 = arith.constant 0 : index
    %get3A_4 = vector.load %arg2[%get3A_2, %get3A_3] : memref<128x128xf32, #tpu.memory_space<vmem>>, vector<128x128xf32>
    %dot_general3A = arith.constant dense<0.000000e+00> : vector<1024x128xf32>
    %dot_general3A_5 = tpu.matmul %get3A_1, %get3A_4, %dot_general3A {dimension_numbers = #tpu.dot_dimension_numbers<[1], [0], [0], [1], [0, 0, 1, 1], [], []>, transpose_lhs_hint = false} : vector<1024x128xf32>, vector<128x128xf32>, vector<1024x128xf32> -> vector<1024x128xf32>
    %swap3A = arith.constant 0 : index
    %swap3A_6 = arith.constant 0 : index
    %swap3A_7 = vector.load %arg3[%swap3A, %swap3A_6] : memref<1024x128xf32, #tpu.memory_space<vmem>>, vector<1024x128xf32>
    tpu.vector_store %arg3[%swap3A, %swap3A_6], %dot_general3A_5 {strides = array<i32>} : memref<1024x128xf32, #tpu.memory_space<vmem>>, vector<1024x128xf32>,
    return
  }
  func.func @transform_0(%arg0: i32) -> (i32, i32) {
    %c0_i32 = arith.constant 0 : i32
    %c0_i32_0 = arith.constant 0 : i32
    return %arg0, %c0_i32 : i32, i32
  }
  func.func @transform_1(%arg0: i32) -> (i32, i32) {
    %c0_i32 = arith.constant 0 : i32
    %c0_i32_0 = arith.constant 0 : i32
    %c0_i32_1 = arith.constant 0 : i32
    return %c0_i32, %c0_i32_0 : i32, i32
  }
  func.func @transform_2(%arg0: i32) -> (i32, i32) {
    %c0_i32 = arith.constant 0 : i32
    %c0_i32_0 = arith.constant 0 : i32
    return %arg0, %c0_i32 : i32, i32
  }
}

module attributes {stable_mosaic.version = 14 : i64} {
  func.func @body(%arg0: i32, %arg1: memref<1024x128xf32, #tpu.memory_space<vmem>>, %arg2: memref<2x1024x1xf32, #tpu.memory_space<vmem>>, %arg3: memref<1024x128xf32, #tpu.memory_space<vmem>>) attributes {dimension_semantics = [#tpu.dimension_semantics<arbitrary>], iteration_bounds = array<i64: 10>, scalar_prefetch = 0 : i64, scratch_operands = 0 : i64, tpu.core_type = #tpu.core_type<tc>, window_params = [{transform_indices = @transform_0, window_bounds = array<i64: 1024, 128>}, {transform_indices = @transform_1, window_bounds = array<i64: 2, 1024, 1>}, {transform_indices = @transform_2, window_bounds = array<i64: 1024, 128>}]} {
    %get3A = arith.constant 0 : index
    %get3A_0 = arith.constant 0 : index
    %get3A_1 = arith.constant 0 : index
    %get3A_2 = vector.load %arg2[%get3A, %get3A_0, %get3A_1] : memref<2x1024x1xf32, #tpu.memory_space<vmem>>, vector<2x1024x1xf32>
    %slice3A = vector.extract_strided_slice %get3A_2 {offsets = [0, 0, 0], sizes = [1, 1024, 1], strides = [1, 1, 1]} : vector<2x1024x1xf32> to vector<1x1024x1xf32>
    %squeeze3A = vector.shape_cast %slice3A : vector<1x1024x1xf32> to vector<1024x1xf32>
    %slice3A_3 = vector.extract_strided_slice %get3A_2 {offsets = [1, 0, 0], sizes = [1, 1024, 1], strides = [1, 1, 1]} : vector<2x1024x1xf32> to vector<1x1024x1xf32>
    %squeeze3A_4 = vector.shape_cast %slice3A_3 : vector<1x1024x1xf32> to vector<1024x1xf32>
    %add3A = arith.addf %squeeze3A, %squeeze3A_4 : vector<1024x1xf32>
    %iota3A = tpu.iota {dimensions = array<i32: 0>} : vector<1024x1xi32>
    %mul3A = arith.constant 1024 : i32
    %mul3A_5 = arith.muli %arg0, %mul3A : i32
    %add3A_6 = vector.broadcast %mul3A_5 : i32 to vector<1024x1xi32>
    %add3A_7 = arith.addi %iota3A, %add3A_6 : vector<1024x1xi32>
    %lt3A = arith.constant 10000 : i32
    %lt3A_8 = vector.broadcast %lt3A : i32 to vector<1024x1xi32>
    %lt3A_9 = arith.cmpi slt, %add3A_7, %lt3A_8 : vector<1024x1xi32>
    %jit3A = arith.constant 1.000000e+00 : f32
    %jit3A_10 = arith.constant 0.000000e+00 : f32
    %broadcast_in_dim3A = vector.broadcast %jit3A : f32 to vector<1024x1xf32>
    %broadcast_in_dim3A_11 = vector.broadcast %jit3A_10 : f32 to vector<1024x1xf32>
    %select_n3A = arith.select %lt3A_9, %broadcast_in_dim3A, %broadcast_in_dim3A_11 : vector<1024x1xi1>, vector<1024x1xf32>
    %add3A_12 = arith.addf %add3A, %select_n3A : vector<1024x1xf32>
    %gt3A = arith.constant 0.000000e+00 : f32
    %gt3A_13 = vector.broadcast %gt3A : f32 to vector<1024x1xf32>
    %gt3A_14 = arith.cmpf ogt, %add3A_12, %gt3A_13 : vector<1024x1xf32>
    %max3A = arith.constant 9.99999996E-13 : f32
    %max3A_15 = vector.broadcast %max3A : f32 to vector<1024x1xf32>
    %max3A_16 = arith.maximumf %add3A_12, %max3A_15 : vector<1024x1xf32>
    %rsqrt3A = math.rsqrt %max3A_16 : vector<1024x1xf32>
    %jit3A_17 = arith.constant 0.000000e+00 : f32
    %broadcast_in_dim3A_18 = vector.broadcast %jit3A_17 : f32 to vector<1024x1xf32>
    %select_n3A_19 = arith.select %gt3A_14, %rsqrt3A, %broadcast_in_dim3A_18 : vector<1024x1xi1>, vector<1024x1xf32>
    %get3A_20 = arith.constant 0 : index
    %get3A_21 = arith.constant 0 : index
    %get3A_22 = vector.load %arg1[%get3A_20, %get3A_21] : memref<1024x128xf32, #tpu.memory_space<vmem>>, vector<1024x128xf32>
    %mul3A_23 = vector.broadcast %select_n3A_19 : vector<1024x1xf32> to vector<1024x128xf32>
    %mul3A_24 = arith.mulf %get3A_22, %mul3A_23 : vector<1024x128xf32>
    %swap3A = arith.constant 0 : index
    %swap3A_25 = arith.constant 0 : index
    %swap3A_26 = vector.load %arg3[%swap3A, %swap3A_25] : memref<1024x128xf32, #tpu.memory_space<vmem>>, vector<1024x128xf32>
    tpu.vector_store %arg3[%swap3A, %swap3A_25], %mul3A_24 {strides = array<i32>} : memref<1024x128xf32, #tpu.memory_space<vmem>>, vector<1024x128xf32>,
    return
  }
  func.func @transform_0(%arg0: i32) -> (i32, i32) {
    %c0_i32 = arith.constant 0 : i32
    %c0_i32_0 = arith.constant 0 : i32
    return %arg0, %c0_i32 : i32, i32
  }
  func.func @transform_1(%arg0: i32) -> (i32, i32, i32) {
    %c0_i32 = arith.constant 0 : i32
    %c0_i32_0 = arith.constant 0 : i32
    %c0_i32_1 = arith.constant 0 : i32
    return %c0_i32, %arg0, %c0_i32_0 : i32, i32, i32
  }
  func.func @transform_2(%arg0: i32) -> (i32, i32) {
    %c0_i32 = arith.constant 0 : i32
    %c0_i32_0 = arith.constant 0 : i32
    return %arg0, %c0_i32 : i32, i32
  }
}

module attributes {stable_mosaic.version = 14 : i64} {
  func.func @body(%arg0: i32, %arg1: memref<2x1024x128xf32, #tpu.memory_space<vmem>>, %arg2: memref<1024x128xf32, #tpu.memory_space<vmem>>, %arg3: memref<2x1024x1xf32, #tpu.memory_space<vmem>>, %arg4: memref<1x128xf32, #tpu.memory_space<vmem>>, %arg5: memref<128x128xf32, #tpu.memory_space<vmem>>, %arg6: memref<1024x128xf32, #tpu.memory_space<vmem>>) attributes {dimension_semantics = [#tpu.dimension_semantics<arbitrary>], iteration_bounds = array<i64: 10>, scalar_prefetch = 0 : i64, scratch_operands = 0 : i64, tpu.core_type = #tpu.core_type<tc>, window_params = [{transform_indices = @transform_0, window_bounds = array<i64: 2, 1024, 128>}, {transform_indices = @transform_1, window_bounds = array<i64: 1024, 128>}, {transform_indices = @transform_2, window_bounds = array<i64: 2, 1024, 1>}, {pipeline_mode = #tpu.pipeline_mode<synchronous>, transform_indices = @transform_3, window_bounds = array<i64: 1, 128>}, {pipeline_mode = #tpu.pipeline_mode<synchronous>, transform_indices = @transform_4, window_bounds = array<i64: 128, 128>}, {transform_indices = @transform_5, window_bounds = array<i64: 1024, 128>}]} {
    %get3A = arith.constant 0 : index
    %get3A_0 = arith.constant 0 : index
    %get3A_1 = arith.constant 0 : index
    %get3A_2 = vector.load %arg3[%get3A, %get3A_0, %get3A_1] : memref<2x1024x1xf32, #tpu.memory_space<vmem>>, vector<2x1024x1xf32>
    %slice3A = vector.extract_strided_slice %get3A_2 {offsets = [0, 0, 0], sizes = [1, 1024, 1], strides = [1, 1, 1]} : vector<2x1024x1xf32> to vector<1x1024x1xf32>
    %squeeze3A = vector.shape_cast %slice3A : vector<1x1024x1xf32> to vector<1024x1xf32>
    %slice3A_3 = vector.extract_strided_slice %get3A_2 {offsets = [1, 0, 0], sizes = [1, 1024, 1], strides = [1, 1, 1]} : vector<2x1024x1xf32> to vector<1x1024x1xf32>
    %squeeze3A_4 = vector.shape_cast %slice3A_3 : vector<1x1024x1xf32> to vector<1024x1xf32>
    %add3A = arith.addf %squeeze3A, %squeeze3A_4 : vector<1024x1xf32>
    %iota3A = tpu.iota {dimensions = array<i32: 0>} : vector<1024x1xi32>
    %mul3A = arith.constant 1024 : i32
    %mul3A_5 = arith.muli %arg0, %mul3A : i32
    %add3A_6 = vector.broadcast %mul3A_5 : i32 to vector<1024x1xi32>
    %add3A_7 = arith.addi %iota3A, %add3A_6 : vector<1024x1xi32>
    %lt3A = arith.constant 10000 : i32
    %lt3A_8 = vector.broadcast %lt3A : i32 to vector<1024x1xi32>
    %lt3A_9 = arith.cmpi slt, %add3A_7, %lt3A_8 : vector<1024x1xi32>
    %jit3A = arith.constant 1.000000e+00 : f32
    %jit3A_10 = arith.constant 0.000000e+00 : f32
    %broadcast_in_dim3A = vector.broadcast %jit3A : f32 to vector<1024x1xf32>
    %broadcast_in_dim3A_11 = vector.broadcast %jit3A_10 : f32 to vector<1024x1xf32>
    %select_n3A = arith.select %lt3A_9, %broadcast_in_dim3A, %broadcast_in_dim3A_11 : vector<1024x1xi1>, vector<1024x1xf32>
    %add3A_12 = arith.addf %add3A, %select_n3A : vector<1024x1xf32>
    %gt3A = arith.constant 0.000000e+00 : f32
    %gt3A_13 = vector.broadcast %gt3A : f32 to vector<1024x1xf32>
    %gt3A_14 = arith.cmpf ogt, %add3A_12, %gt3A_13 : vector<1024x1xf32>
    %max3A = arith.constant 9.99999996E-13 : f32
    %max3A_15 = vector.broadcast %max3A : f32 to vector<1024x1xf32>
    %max3A_16 = arith.maximumf %add3A_12, %max3A_15 : vector<1024x1xf32>
    %rsqrt3A = math.rsqrt %max3A_16 : vector<1024x1xf32>
    %jit3A_17 = arith.constant 0.000000e+00 : f32
    %broadcast_in_dim3A_18 = vector.broadcast %jit3A_17 : f32 to vector<1024x1xf32>
    %select_n3A_19 = arith.select %gt3A_14, %rsqrt3A, %broadcast_in_dim3A_18 : vector<1024x1xi1>, vector<1024x1xf32>
    %get3A_20 = arith.constant 0 : index
    %get3A_21 = arith.constant 0 : index
    %get3A_22 = arith.constant 0 : index
    %get3A_23 = vector.load %arg1[%get3A_20, %get3A_21, %get3A_22] : memref<2x1024x128xf32, #tpu.memory_space<vmem>>, vector<1x1024x128xf32>
    %get3A_24 = vector.shape_cast %get3A_23 : vector<1x1024x128xf32> to vector<1024x128xf32>
    %get3A_25 = arith.constant 1 : index
    %get3A_26 = arith.constant 0 : index
    %get3A_27 = arith.constant 0 : index
    %get3A_28 = vector.load %arg1[%get3A_25, %get3A_26, %get3A_27] : memref<2x1024x128xf32, #tpu.memory_space<vmem>>, vector<1x1024x128xf32>
    %get3A_29 = vector.shape_cast %get3A_28 : vector<1x1024x128xf32> to vector<1024x128xf32>
    %add3A_30 = arith.addf %get3A_24, %get3A_29 : vector<1024x128xf32>
    %get3A_31 = arith.constant 0 : index
    %get3A_32 = arith.constant 0 : index
    %get3A_33 = vector.load %arg2[%get3A_31, %get3A_32] : memref<1024x128xf32, #tpu.memory_space<vmem>>, vector<1024x128xf32>
    %add3A_34 = arith.addf %add3A_30, %get3A_33 : vector<1024x128xf32>
    %mul3A_35 = vector.broadcast %select_n3A_19 : vector<1024x1xf32> to vector<1024x128xf32>
    %mul3A_36 = arith.mulf %mul3A_35, %add3A_34 : vector<1024x128xf32>
    %get3A_37 = arith.constant 0 : index
    %get3A_38 = arith.constant 0 : index
    %get3A_39 = vector.load %arg4[%get3A_37, %get3A_38] : memref<1x128xf32, #tpu.memory_space<vmem>>, vector<1x128xf32>
    %add3A_40 = vector.broadcast %get3A_39 : vector<1x128xf32> to vector<1024x128xf32>
    %add3A_41 = arith.addf %mul3A_36, %add3A_40 : vector<1024x128xf32>
    %max3A_42 = arith.constant 0.000000e+00 : f32
    %max3A_43 = vector.broadcast %max3A_42 : f32 to vector<1024x128xf32>
    %max3A_44 = arith.maximumf %add3A_41, %max3A_43 : vector<1024x128xf32>
    %get3A_45 = arith.constant 0 : index
    %get3A_46 = arith.constant 0 : index
    %get3A_47 = vector.load %arg5[%get3A_45, %get3A_46] : memref<128x128xf32, #tpu.memory_space<vmem>>, vector<128x128xf32>
    %dot_general3A = arith.constant dense<0.000000e+00> : vector<1024x128xf32>
    %dot_general3A_48 = tpu.matmul %max3A_44, %get3A_47, %dot_general3A {dimension_numbers = #tpu.dot_dimension_numbers<[1], [0], [0], [1], [0, 0, 1, 1], [], []>, transpose_lhs_hint = false} : vector<1024x128xf32>, vector<128x128xf32>, vector<1024x128xf32> -> vector<1024x128xf32>
    %mul3A_49 = vector.broadcast %select_n3A_19 : vector<1024x1xf32> to vector<1024x128xf32>
    %mul3A_50 = arith.mulf %dot_general3A_48, %mul3A_49 : vector<1024x128xf32>
    %swap3A = arith.constant 0 : index
    %swap3A_51 = arith.constant 0 : index
    %swap3A_52 = vector.load %arg6[%swap3A, %swap3A_51] : memref<1024x128xf32, #tpu.memory_space<vmem>>, vector<1024x128xf32>
    tpu.vector_store %arg6[%swap3A, %swap3A_51], %mul3A_50 {strides = array<i32>} : memref<1024x128xf32, #tpu.memory_space<vmem>>, vector<1024x128xf32>,
    return
  }
  func.func @transform_0(%arg0: i32) -> (i32, i32, i32) {
    %c0_i32 = arith.constant 0 : i32
    %c0_i32_0 = arith.constant 0 : i32
    %c0_i32_1 = arith.constant 0 : i32
    return %c0_i32, %arg0, %c0_i32_0 : i32, i32, i32
  }
  func.func @transform_1(%arg0: i32) -> (i32, i32) {
    %c0_i32 = arith.constant 0 : i32
    %c0_i32_0 = arith.constant 0 : i32
    return %arg0, %c0_i32 : i32, i32
  }
  func.func @transform_2(%arg0: i32) -> (i32, i32, i32) {
    %c0_i32 = arith.constant 0 : i32
    %c0_i32_0 = arith.constant 0 : i32
    %c0_i32_1 = arith.constant 0 : i32
    return %c0_i32, %arg0, %c0_i32_0 : i32, i32, i32
  }
  func.func @transform_3(%arg0: i32) -> (i32, i32) {
    %c0_i32 = arith.constant 0 : i32
    %c0_i32_0 = arith.constant 0 : i32
    %c0_i32_1 = arith.constant 0 : i32
    return %c0_i32, %c0_i32_0 : i32, i32
  }
  func.func @transform_4(%arg0: i32) -> (i32, i32) {
    %c0_i32 = arith.constant 0 : i32
    %c0_i32_0 = arith.constant 0 : i32
    %c0_i32_1 = arith.constant 0 : i32
    return %c0_i32, %c0_i32_0 : i32, i32
  }
  func.func @transform_5(%arg0: i32) -> (i32, i32) {
    %c0_i32 = arith.constant 0 : i32
    %c0_i32_0 = arith.constant 0 : i32
    return %arg0, %c0_i32 : i32, i32
  }
}

module attributes {stable_mosaic.version = 14 : i64} {
  func.func @body(%arg0: i32, %arg1: memref<2x1024x128xf32, #tpu.memory_space<vmem>>, %arg2: memref<1024x128xf32, #tpu.memory_space<vmem>>, %arg3: memref<2x1024x1xf32, #tpu.memory_space<vmem>>, %arg4: memref<1x128xf32, #tpu.memory_space<vmem>>, %arg5: memref<1024x128xf32, #tpu.memory_space<vmem>>) attributes {dimension_semantics = [#tpu.dimension_semantics<arbitrary>], iteration_bounds = array<i64: 10>, scalar_prefetch = 0 : i64, scratch_operands = 0 : i64, tpu.core_type = #tpu.core_type<tc>, window_params = [{transform_indices = @transform_0, window_bounds = array<i64: 2, 1024, 128>}, {transform_indices = @transform_1, window_bounds = array<i64: 1024, 128>}, {transform_indices = @transform_2, window_bounds = array<i64: 2, 1024, 1>}, {pipeline_mode = #tpu.pipeline_mode<synchronous>, transform_indices = @transform_3, window_bounds = array<i64: 1, 128>}, {transform_indices = @transform_4, window_bounds = array<i64: 1024, 128>}]} {
    %get3A = arith.constant 0 : index
    %get3A_0 = arith.constant 0 : index
    %get3A_1 = arith.constant 0 : index
    %get3A_2 = vector.load %arg3[%get3A, %get3A_0, %get3A_1] : memref<2x1024x1xf32, #tpu.memory_space<vmem>>, vector<2x1024x1xf32>
    %slice3A = vector.extract_strided_slice %get3A_2 {offsets = [0, 0, 0], sizes = [1, 1024, 1], strides = [1, 1, 1]} : vector<2x1024x1xf32> to vector<1x1024x1xf32>
    %squeeze3A = vector.shape_cast %slice3A : vector<1x1024x1xf32> to vector<1024x1xf32>
    %slice3A_3 = vector.extract_strided_slice %get3A_2 {offsets = [1, 0, 0], sizes = [1, 1024, 1], strides = [1, 1, 1]} : vector<2x1024x1xf32> to vector<1x1024x1xf32>
    %squeeze3A_4 = vector.shape_cast %slice3A_3 : vector<1x1024x1xf32> to vector<1024x1xf32>
    %add3A = arith.addf %squeeze3A, %squeeze3A_4 : vector<1024x1xf32>
    %iota3A = tpu.iota {dimensions = array<i32: 0>} : vector<1024x1xi32>
    %mul3A = arith.constant 1024 : i32
    %mul3A_5 = arith.muli %arg0, %mul3A : i32
    %add3A_6 = vector.broadcast %mul3A_5 : i32 to vector<1024x1xi32>
    %add3A_7 = arith.addi %iota3A, %add3A_6 : vector<1024x1xi32>
    %lt3A = arith.constant 10000 : i32
    %lt3A_8 = vector.broadcast %lt3A : i32 to vector<1024x1xi32>
    %lt3A_9 = arith.cmpi slt, %add3A_7, %lt3A_8 : vector<1024x1xi32>
    %jit3A = arith.constant 1.000000e+00 : f32
    %jit3A_10 = arith.constant 0.000000e+00 : f32
    %broadcast_in_dim3A = vector.broadcast %jit3A : f32 to vector<1024x1xf32>
    %broadcast_in_dim3A_11 = vector.broadcast %jit3A_10 : f32 to vector<1024x1xf32>
    %select_n3A = arith.select %lt3A_9, %broadcast_in_dim3A, %broadcast_in_dim3A_11 : vector<1024x1xi1>, vector<1024x1xf32>
    %add3A_12 = arith.addf %add3A, %select_n3A : vector<1024x1xf32>
    %gt3A = arith.constant 0.000000e+00 : f32
    %gt3A_13 = vector.broadcast %gt3A : f32 to vector<1024x1xf32>
    %gt3A_14 = arith.cmpf ogt, %add3A_12, %gt3A_13 : vector<1024x1xf32>
    %max3A = arith.constant 9.99999996E-13 : f32
    %max3A_15 = vector.broadcast %max3A : f32 to vector<1024x1xf32>
    %max3A_16 = arith.maximumf %add3A_12, %max3A_15 : vector<1024x1xf32>
    %rsqrt3A = math.rsqrt %max3A_16 : vector<1024x1xf32>
    %jit3A_17 = arith.constant 0.000000e+00 : f32
    %broadcast_in_dim3A_18 = vector.broadcast %jit3A_17 : f32 to vector<1024x1xf32>
    %select_n3A_19 = arith.select %gt3A_14, %rsqrt3A, %broadcast_in_dim3A_18 : vector<1024x1xi1>, vector<1024x1xf32>
    %get3A_20 = arith.constant 0 : index
    %get3A_21 = arith.constant 0 : index
    %get3A_22 = arith.constant 0 : index
    %get3A_23 = vector.load %arg1[%get3A_20, %get3A_21, %get3A_22] : memref<2x1024x128xf32, #tpu.memory_space<vmem>>, vector<1x1024x128xf32>
    %get3A_24 = vector.shape_cast %get3A_23 : vector<1x1024x128xf32> to vector<1024x128xf32>
    %get3A_25 = arith.constant 1 : index
    %get3A_26 = arith.constant 0 : index
    %get3A_27 = arith.constant 0 : index
    %get3A_28 = vector.load %arg1[%get3A_25, %get3A_26, %get3A_27] : memref<2x1024x128xf32, #tpu.memory_space<vmem>>, vector<1x1024x128xf32>
    %get3A_29 = vector.shape_cast %get3A_28 : vector<1x1024x128xf32> to vector<1024x128xf32>
    %add3A_30 = arith.addf %get3A_24, %get3A_29 : vector<1024x128xf32>
    %get3A_31 = arith.constant 0 : index
    %get3A_32 = arith.constant 0 : index
    %get3A_33 = vector.load %arg2[%get3A_31, %get3A_32] : memref<1024x128xf32, #tpu.memory_space<vmem>>, vector<1024x128xf32>
    %add3A_34 = arith.addf %add3A_30, %get3A_33 : vector<1024x128xf32>
    %mul3A_35 = vector.broadcast %select_n3A_19 : vector<1024x1xf32> to vector<1024x128xf32>
    %mul3A_36 = arith.mulf %mul3A_35, %add3A_34 : vector<1024x128xf32>
    %get3A_37 = arith.constant 0 : index
    %get3A_38 = arith.constant 0 : index
    %get3A_39 = vector.load %arg4[%get3A_37, %get3A_38] : memref<1x128xf32, #tpu.memory_space<vmem>>, vector<1x128xf32>
    %add3A_40 = vector.broadcast %get3A_39 : vector<1x128xf32> to vector<1024x128xf32>
    %add3A_41 = arith.addf %mul3A_36, %add3A_40 : vector<1024x128xf32>
    %swap3A = arith.constant 0 : index
    %swap3A_42 = arith.constant 0 : index
    %swap3A_43 = vector.load %arg5[%swap3A, %swap3A_42] : memref<1024x128xf32, #tpu.memory_space<vmem>>, vector<1024x128xf32>
    tpu.vector_store %arg5[%swap3A, %swap3A_42], %add3A_41 {strides = array<i32>} : memref<1024x128xf32, #tpu.memory_space<vmem>>, vector<1024x128xf32>,
    return
  }
  func.func @transform_0(%arg0: i32) -> (i32, i32, i32) {
    %c0_i32 = arith.constant 0 : i32
    %c0_i32_0 = arith.constant 0 : i32
    %c0_i32_1 = arith.constant 0 : i32
    return %c0_i32, %arg0, %c0_i32_0 : i32, i32, i32
  }
  func.func @transform_1(%arg0: i32) -> (i32, i32) {
    %c0_i32 = arith.constant 0 : i32
    %c0_i32_0 = arith.constant 0 : i32
    return %arg0, %c0_i32 : i32, i32
  }
  func.func @transform_2(%arg0: i32) -> (i32, i32, i32) {
    %c0_i32 = arith.constant 0 : i32
    %c0_i32_0 = arith.constant 0 : i32
    %c0_i32_1 = arith.constant 0 : i32
    return %c0_i32, %arg0, %c0_i32_0 : i32, i32, i32
  }
  func.func @transform_3(%arg0: i32) -> (i32, i32) {
    %c0_i32 = arith.constant 0 : i32
    %c0_i32_0 = arith.constant 0 : i32
    %c0_i32_1 = arith.constant 0 : i32
    return %c0_i32, %c0_i32_0 : i32, i32
  }
  func.func @transform_4(%arg0: i32) -> (i32, i32) {
    %c0_i32 = arith.constant 0 : i32
    %c0_i32_0 = arith.constant 0 : i32
    return %arg0, %c0_i32 : i32, i32
  }
}

</mosaic_0001>

<sc_bundles>
// kernel: kernel.12.cloned.1.call-start
scs
__scs_entry_jumppad:
0x0: {  	(pc) =	sbr.rel $0x88, $3  }
0x1: {  	(tag) =	ssettag $0x0;
	lr =	simm.s32 $0x1  }
0x2: {  	[smem:$0x3F9B] =	sst lr;
	_ =	strace $0xD0000000  }
0x3: {  	_ = 	snop  }
0x4: {  	_ = 	snop  }
0x5: {  	_ = 	snop  }
0x6: {  	_ = 	snop  }
0x7: {  	_ = 	snop  }
__scs_overlays_trampoline_lowered:
0x8: {  	[smem:$0x3FAA] =	sst s0  }
0x9: {  	[smem:$0x3FAB] =	sst s1  }
0xa: {  	[smem:$0x3FAC] =	sst s2  }
0xb: {  	[smem:$0x3FAD] =	sst s3  }
0xc: {  	[smem:$0x3FAE] =	sst s4  }
0xd: {  	[smem:$0x3FAF] =	sst s5  }
0xe: {  	[smem:$0x3FB0] =	sst s6  }
0xf: {  	[smem:$0x3FB1] =	sst s7  }
0x10: {  	[smem:$0x3FB2] =	sst s8  }
0x11: {  	[smem:$0x3FB3] =	sst s9;
	s0 =	simm.s32 @!p0 $0x0  }
0x12: {  	s1 =	sld [smem:$0x3F99];
	s0 =	simm.s32 @p0 $0x1  }
0x13: {  	[smem:$0x3FB4] =	sst s0;
	s0 =	simm.s32 @!p1 $0x0  }
0x14: {  	s2 =	sld [smem:$0x3F98];
	s0 =	simm.s32 @p1 $0x1  }
0x15: {  	[smem:$0x3FB5] =	sst s0;
	s0 =	simm.s32 @!p2 $0x0  }
0x16: {  	s3 =	sld [smem:$0x3FDB];
	s0 =	simm.s32 @p2 $0x1  }
0x17: {  	s4 =	simm.s32 $0x1BF5;
	[smem:$0x3FB7] =	sst s0  }
0x18: {  	s0 =	sld [smem:$0x3F9A];
	_ =	swait.ge [sflag:s4], $0x0  }
0x19: {  	s7 =	sld [smem:$0x3F9B]  }
0x1a: {  	s8 =	sadd.s32 $0xFFFFE003, lr  }
0x1b: {  	s9 =	sadd.s32 $0xFFFFFEF7, lr;
	s5 =	simm.s32 $0xFFFFFFFF;
	p2 =	slt.u32 s8, $0xFFFFF086  }
0x1c: {  	p1 =	slt.u32 s9, $0xF7A;
	s5 =	simm.s32 @!p2 $0x0  }
0x1d: {  	s5 =	simm.s32 @p1 $0x1;
	p0 =	seq.s32 s7, s2  }
0x1e: {  	s7 =	smul.u32 @!p0 $0xF7A, s2;
	p2 =	seq.s32 @!p0 s5, $0x0  }
0x1f: {  	s9 =	smul.u32 $0xF7A, s1;
	s8 =	simm.s32 @!p0 $0x1BF5;
	p2 =	por !p2, p0  }
0x20: {  	[sflag:s8] =	ssyncset.s32 @!p0 $0xFFFFF086;
	s6 =	sadd.s32 @!p0 s3, s7;
	s7 =	simm.s32 @!p0 $0x108  }
0x21: {  	s3 =	sadd.s32 s3, s9;
	s6 =	sadd.s32 @!p0 $0x88, s6;
	s7 =	simm.s32 @p2 $0x1082  }
0x22: {  	[simem:s7], [sflag:s8] =	dma.local @!p0 [hbm:s6], $0xF7A  }
0x23: {  	s9 =	sor.u32 $0xD0000000, s2;
	s6 =	simm.s32 $0x108;
	_ =	swait.ge @!p0 [sflag:s8], $0x0  }
0x24: {  	s3 =	sadd.s32 $0x88, s3;
	s6 =	simm.s32 @!p1 $0x1082;
	[sflag:s4] =	ssyncset.s32 $0xFFFFF086  }
0x25: {  	[simem:s6], [sflag:s4] =	dma.local [hbm:s3], $0xF7A  }
0x26: {  	[smem:$0x3F9B] =	sst s1;
	(tag) =	ssettag s2;
	_ =	strace s9  }
0x27: {  	s1 =	sld [smem:$0x3FAB]  }
0x28: {  	s2 =	sld [smem:$0x3FAC]  }
0x29: {  	s4 =	sld [smem:$0x3FAE]  }
0x2a: {  	p0 =	seq.s32 s5, $0x0;
	s5 =	sld [smem:$0x3FAF]  }
0x2b: {  	s6 =	sld [smem:$0x3FB0]  }
0x2c: {  	s7 =	sld [smem:$0x3FB1]  }
0x2d: {  	s3 =	simm.s32 $0x108;
	s8 =	sld [smem:$0x3FB2]  }
0x2e: {  	s3 =	simm.s32 @!p0 $0x1082;
	s9 =	sld [smem:$0x3FB3]  }
0x2f: {  	lr =	sadd.s32 s0, s3;
	s0 =	sld [smem:$0x3FAA]  }
0x30: {  	s3 =	sld [smem:$0x3FAD]  }
0x31: {  	[smem:$0x3FB6] =	sst s10  }
0x32: {  	s10 =	sld [smem:$0x3FB4];
	_ =	sdelay $0x3  }
0x33: {  	p0 =	seq.s32 s10, $0x1;
	s10 =	sld [smem:$0x3FB6];
	_ =	sdelay $0x3  }
0x34: {  	[smem:$0x3FB6] =	sst s10  }
0x35: {  	s10 =	sld [smem:$0x3FB5];
	_ =	sdelay $0x3  }
0x36: {  	p1 =	seq.s32 s10, $0x1;
	s10 =	sld [smem:$0x3FB6];
	_ =	sdelay $0x3  }
0x37: {  	[smem:$0x3FB6] =	sst s10  }
0x38: {  	s10 =	sld [smem:$0x3FB7]  }
0x39: {  	_ = 	snop;
	(pc) =	sbr.ind lr, $3  }
0x3a: {  	_ = 	snop  }
0x3b: {  	_ = 	snop  }
0x3c: {  	p2 =	seq.s32 s10, $0x1;
	s10 =	sld [smem:$0x3FB6]  }
0x3d: {  	_ =	shalt  }
0x3e: {  	_ =	shalt  }
0x3f: {  	_ =	shalt  }
0x40: {  	_ =	shalt  }
0x41: {  	_ =	shalt  }
0x42: {  	_ =	shalt  }
0x43: {  	_ =	shalt  }
0x44: {  	_ =	shalt  }
0x45: {  	_ =	shalt  }
0x46: {  	_ =	shalt  }
0x47: {  	_ =	shalt  }
0x48: {  	_ =	shalt  }
0x49: {  	_ =	shalt  }
0x4a: {  	_ =	shalt  }
0x4b: {  	_ =	shalt  }
0x4c: {  	_ =	shalt  }
0x4d: {  	_ =	shalt  }
0x4e: {  	_ =	shalt  }
0x4f: {  	_ =	shalt  }
0x50: {  	_ =	shalt  }
0x51: {  	_ =	shalt  }
0x52: {  	_ =	shalt  }
0x53: {  	_ =	shalt  }
0x54: {  	_ =	shalt  }
0x55: {  	_ =	shalt  }
0x56: {  	_ =	shalt  }
0x57: {  	_ =	shalt  }
0x58: {  	_ =	shalt  }
0x59: {  	_ =	shalt  }
0x5a: {  	_ =	shalt  }
0x5b: {  	_ =	shalt  }
0x5c: {  	_ =	shalt  }
0x5d: {  	_ =	shalt  }
0x5e: {  	_ =	shalt  }
0x5f: {  	_ =	shalt  }
0x60: {  	_ =	shalt  }
0x61: {  	_ =	shalt  }
0x62: {  	_ =	shalt  }
0x63: {  	_ =	shalt  }
0x64: {  	_ =	shalt  }
0x65: {  	_ =	shalt  }
0x66: {  	_ =	shalt  }
0x67: {  	_ =	shalt  }
0x68: {  	_ =	shalt  }
0x69: {  	_ =	shalt  }
0x6a: {  	_ =	shalt  }
0x6b: {  	_ =	shalt  }
0x6c: {  	_ =	shalt  }
0x6d: {  	_ =	shalt  }
0x6e: {  	_ =	shalt  }
0x6f: {  	_ =	shalt  }
0x70: {  	_ =	shalt  }
0x71: {  	_ =	shalt  }
0x72: {  	_ =	shalt  }
0x73: {  	_ =	shalt  }
0x74: {  	_ =	shalt  }
0x75: {  	_ =	shalt  }
0x76: {  	_ =	shalt  }
0x77: {  	_ =	shalt  }
0x78: {  	_ =	shalt  }
0x79: {  	_ =	shalt  }
0x7a: {  	_ =	shalt  }
0x7b: {  	_ =	shalt  }
0x7c: {  	_ =	shalt  }
0x7d: {  	_ =	shalt  }
0x7e: {  	_ =	shalt  }
0x7f: {  	_ =	shalt  }
0x80: {  	_ =	shalt  }
0x81: {  	_ =	shalt  }
0x82: {  	_ =	shalt  }
0x83: {  	_ =	shalt  }
0x84: {  	_ =	shalt  }
0x85: {  	_ =	shalt  }
0x86: {  	_ =	shalt  }
0x87: {  	_ =	shalt  }
.Lfunc_end0:
.L_simem_size_0:
called_computation.1_lowered:
.L_overlay_start_0:
0x88: {  	s2 =	sld [smem:$0x3FD9]  }
0x89: {  	s3 =	sld [smem:$0x3FFE];
	_ =	sdelay $0x1  }
0x8a: {  	s1 =	srdreg.scid  }
0x8b: {  	s0 =	sand.u32 $0x1, s1  }
0x8c: {  	s17 =	sshll.u32 s0, $0xA;
	s2 =	sadd.s32 s3, s2  }
0x8d: {  	s2 =	sadd.s32 s2, s17  }
0x8e: {  	[smem:$0x3FC2] =	sst s2  }
0x8f: {  	_ = 	snop  }
0x90: {  	s2 =	sld [smem:$0x3FD0];
	(tm) =	ssettm $0x1  }
0x91: {  	s18 =	sld [smem:$0x3FFB];
	_ =	sdelay $0x3  }
0x92: {  	_ =	strace s18  }
0x93: {  	s3 =	sld [smem:$0x3FFC];
	_ =	sdelay $0x3  }
0x94: {  	_ =	strace s3  }
0x95: {  	s3 =	sld [smem:$0x3FFD];
	_ =	sdelay $0x3  }
0x96: {  	_ =	strace s3  }
0x97: {  	_ =	strace $0x8FFFFFFF  }
0x98: {  	s19 =	sld [smem:$0x3FDB];
	_ =	sdelay $0x1  }
0x99: {  	s4 =	simm.s32 $_scs_section_size  }
0x9a: {  	s5 =	simm.s32 $_size__tile_overlayer_lowered;
	s6 =	simm.s32 $_tile_overlayer_lowered  }
0x9b: {  	s22 =	simm.s32 $0x1BFF;
	s21 =	sshll.u32 s6, $0x1;
	s3 =	sadd.s32 s4, s19  }
0x9c: {  	s7 =	simm.s32 $0x0;
	s20 =	sshll.u32 s5, $0x1;
	s5 =	sadd.s32 s21, s3  }
0x9d: {  	[timem:s7], [sflag:s22] =	dma.local [hbm:s5], s20  }
0x9e: {  	_ =	swait.ge [sflag:s22], s20  }
0x9f: {  	s4 =	ssub.s32 $0x0, s20;
	[sflag:s22] =	ssyncset.done $0x0  }
0xa0: {  	[sflag:s22] =	ssyncadd.s32 s4;
	_ =	sdelay $0x1  }
0xa1: {  	s23 =	simm.s32 $0x1B8B  }
0xa2: {  	_ =	swait.ge [sflag:s23], $0x1  }
0xa3: {  	[sflag:s23] =	ssyncset.done $0x0  }
0xa4: {  	s25 =	simm.s32 $0x1B8E;
	s24 =	sld [smem:$0x3FFE];
	[sflag:s23] =	ssyncadd.s32 $0xFFFFFFFF  }
0xa5: {  	s26 =	simm.s32 $execute0_lowered;
	[smem:$0x3FD2] =	sst s25  }
0xa6: {  	s5 =	sshll.u32 s26, $0x1;
	_ =	strace $0x80000049;
	[dreg:$0x1] =	wrdreg $0xFFFFFFFF  }
0xa7: {  	s28 =	simm.s32 $_size_execute0_lowered;
	s3 =	sadd.s32 s3, s5;
	[dreg:$0x0] =	wrdreg $0x0  }
0xa8: {  	s5 =	sshll.u32 s28, $0x1;
	[dreg:$0x2] =	wrdreg s3  }
0xa9: {  	[dreg:$0x3] =	wrdreg s5  }
0xaa: {  	[dreg:$0x4] =	wrdreg $0xC0  }
0xab: {  	_ =	task [dreg:s7], $0x5FFFF  }
0xac: {  	[dreg:$0x1] =	wrdreg $0xFFFFFFFF  }
0xad: {  	[dreg:$0x0] =	wrdreg $0x60  }
0xae: {  	[dreg:$0x2] =	wrdreg s24  }
0xaf: {  	[dreg:$0x3] =	wrdreg s2  }
0xb0: {  	[dreg:$0x4] =	wrdreg $0xAA000  }
0xb1: {  	[dreg:$0x5] =	wrdreg $0x9  }
0xb2: {  	_ =	task.clear_ibuf [dreg:s7], $0x6FFFF;
	_ =	strace $0x90000049  }
0xb3: {  	s29 =	simm.s32 $0x9;
	_ =	strace $0x8000004B  }
0xb4: {  	_ =	swait.ge [sflag:s29], $0x1  }
0xb5: {  	[sflag:s29] =	ssyncadd.s32 $0xFFFFFFFF  }
0xb6: {  	_ =	strace $0x9000004B  }
0xb7: {  	_ =	sfence  }
0xb8: {  	s30 =	sld [smem:$0x0];
	_ =	sdelay $0x2  }
0xb9: {  	s31 =	sshll.u32 s1, $0xD;
	s1 =	sshrl.u32 s1, $0x2  }
0xba: {  	s3 =	sand.u32 $0x4000, s31;
	s1 =	sadd.s32 s1, s30  }
0xbb: {  	s0 =	sor.u32 s3, s0;
	s1 =	sshll.u32 s1, $0x11  }
0xbc: {  	s0 =	sor.u32 s1, s0  }
0xbd: {  	s0 =	sadd.s32 $0x8F2B, s0  }
0xbe: {  	[sflag:s0] =	ssyncadd.remote.s32 $0x1  }
0xbf: {  	_ =	sfence.sel $0xFFFF  }
0xc0: {  	[dreg:$0x0] =	wrdreg $0xFFFFFFFF;
	(pc) =	sbr.abs _section_cstart, $3  }
0xc1: {  	[dreg:$0x1] =	wrdreg $0xFFFFFFFF  }
0xc2: {  	_ =	task.clear_ibuf [dreg:s7], $0x2FFFF;
	_ =	strace $0x9FFFFFFF  }
0xc3: {  	(tm) =	ssettm $0x7FFFFFFF  }
tec
execute0_lowered:
.L_overlay_start_1:
0x0: {  	(tag) =	ssettag $0x1  }
0x1: {  	s8 =	rddreg [dreg:$0x0]  }
0x2: {  	s0 =	srdreg.scid;
	s2 =	rddreg [dreg:$0x1]  }
0x3: {  	s3 =	rddreg [dreg:$0x2];
	s28 =	simm.s32 $0x0;
	s16 =	simm.s32 $0x2  }
0x4: {  	s17 =	simm.s32 $0x2A00;
	s18 =	simm.s32 $0x2800;
	s19 =	simm.s32 $0x2880  }
0x5: {  	s20 =	simm.s32 $0x1;
	s21 =	simm.s32 $0x80;
	s7 =	sand.u32 $0x1, s0  }
0x6: {  	s22 =	simm.s32 $0x2980;
	s0 =	stileid.u32;
	s9 =	smul.u32 $0x140000, s7  }
0x7: {  	s23 =	simm.s32 $0x0;
	s1 =	sshll.u32 s7, $0x4;
	s10 =	smul.u32 $0x14000, s0  }
0x8: {  	[smem:$0x7FF] =	sst s28;
	s29 =	smul.u32 $0x50000, s0;
	s1 =	sor.u32 s0, s1  }
0x9: {  	s6 =	sadd.s32 $0x5C200, s8;
	s7 =	ssub.s32 $0x2, s7;
	s4 =	smul.u32 $0x2800, s1  }
0xa: {  	_ =	strace $0x8000004A;
	s30 =	sshrl.u32 s7, $0x1;
	s9 =	sadd.s32 s10, s9  }
0xb: {  	s31 =	sshrl.u32 s29, $0x2;
	s9 =	sshrl.u32 s9, $0x3;
	s11 =	sshrl.u32 s4, $0x3  }
0xc: {  	s14 =	ssub.s32 s7, s30;
	s13 =	sadd.s32 s9, s8;
	s12 =	sadd.s32 s11, s8  }
0xd: {  	s8 =	sadd.s32 s31, s3;
	s9 =	sadd.s32 s2, s11;
	s10 =	sadd.s32 $0x84200, s13  }
0xe: {  	s11 =	smax.u32 s14, $0x1;
	s7 =	sadd.s32 $0x2200, s12;
	s12 =	sadd.s32 $0x4000, s8  }
0xf: {  	v0 =	vimm.f32 $0.0e+00;
	s13 =	sadd.s32 $0x8000, s8;
	s14 =	sadd.s32 $0xC000, s8;
	s15 =	sadd.s32 $0x10000, s8  }
.LBB2_1:
0x10: {  	s1 =	simm.s32 $0x0  }
0x11: {  	[tilespmem:s1], [sflag:$0x2] =	stream.linear.gather [hbm4b:s7+s1], $0x2780, $0x38;
	[tilespmem:$0x1EA00] =	vst v63  }
0x12: {  	_ =	swait.ge [sflag:s16], $0x2780  }
0x13: {  	[sflag:s16] =	ssyncset.done $0x0  }
0x14: {  	s24 =	simm.s32 $0x0;
	s25 =	simm.s32 $0x200;
	[sflag:s16] =	ssyncadd.s32 $0xFFFFD880  }
.LBB2_2:
0x15: {  	p0 =	sne.s32 s25, $0xFE00;
	[tilespmem:s24+$0x2A70] =	vst v0  }
0x16: {  	[tilespmem:s24+$0x2A00] =	vst v0  }
0x17: {  	[tilespmem:s24+$0x2A10] =	vst v0  }
.Ltmp0:
0x18: {  	[tilespmem:s24+$0x2A20] =	vst v0;
	(pc) =	sbr.rel @p0 .LBB2_2-.Ltmp0, $4  }
0x19: {  	[tilespmem:s24+$0x2A30] =	vst v0  }
0x1a: {  	[tilespmem:s24+$0x2A40] =	vst v0  }
0x1b: {  	[tilespmem:s24+$0x2A50] =	vst v0  }
0x1c: {  	[tilespmem:s24+$0x2A60] =	vst v0;
	s24 =	sshra.s32 s25, $0x2;
	s25 =	sadd.s32 $0x200, s25  }
0x1d: {  	[tilespmem:s24+$0x2A70] =	vst v0  }
0x1e: {  	[tilespmem:s24+$0x2A00] =	vst v0  }
0x1f: {  	[tilespmem:s24+$0x2A10] =	vst v0  }
0x20: {  	[tilespmem:s24+$0x2A20] =	vst v0  }
0x21: {  	[tilespmem:s24+$0x2A30] =	vst v0  }
0x22: {  	[tilespmem:s24+$0x2A40] =	vst v0  }
0x23: {  	[tilespmem:s24+$0x2A50] =	vst v0  }
0x24: {  	[tilespmem:s24+$0x2A60] =	vst v0  }
0x25: {  	[spmem:s8] =	stream.linear.scatter [tilespmem:s17], [sflag:$0x2], $0x4000, $0x38;
	[tilespmem:$0x1EA00] =	vst v63  }
0x26: {  	_ =	swait.ge [sflag:s16], $0x4000  }
0x27: {  	[sflag:s16] =	ssyncset.done $0x0  }
0x28: {  	[sflag:s16] =	ssyncadd.s32 $0xFFFFC000  }
0x29: {  	[spmem:s12] =	stream.linear.scatter [tilespmem:s17], [sflag:$0x2], $0x4000, $0x38;
	[tilespmem:$0x1EA00] =	vst v63  }
0x2a: {  	_ =	swait.ge [sflag:s16], $0x4000  }
0x2b: {  	[sflag:s16] =	ssyncset.done $0x0  }
0x2c: {  	[sflag:s16] =	ssyncadd.s32 $0xFFFFC000  }
0x2d: {  	[spmem:s13] =	stream.linear.scatter [tilespmem:s17], [sflag:$0x2], $0x4000, $0x38;
	[tilespmem:$0x1EA00] =	vst v63  }
0x2e: {  	_ =	swait.ge [sflag:s16], $0x4000  }
0x2f: {  	[sflag:s16] =	ssyncset.done $0x0  }
0x30: {  	[sflag:s16] =	ssyncadd.s32 $0xFFFFC000  }
0x31: {  	[spmem:s14] =	stream.linear.scatter [tilespmem:s17], [sflag:$0x2], $0x4000, $0x38;
	[tilespmem:$0x1EA00] =	vst v63  }
0x32: {  	_ =	swait.ge [sflag:s16], $0x4000  }
0x33: {  	[sflag:s16] =	ssyncset.done $0x0  }
0x34: {  	[sflag:s16] =	ssyncadd.s32 $0xFFFFC000  }
0x35: {  	[spmem:s15] =	stream.linear.scatter [tilespmem:s17], [sflag:$0x2], $0x4000, $0x38;
	[tilespmem:$0x1EA00] =	vst v63  }
0x36: {  	_ =	swait.ge [sflag:s16], $0x4000  }
0x37: {  	[sflag:s16] =	ssyncset.done $0x0  }
0x38: {  	[sflag:s16] =	ssyncadd.s32 $0xFFFFC000  }
0x39: {  	s25 =	simm.s32 $0x0;
	[bflag:$0x0] =	sbarrier.arrive $0xFFFF  }
0x3a: {  	[tilespmem:s18], [sflag:$0x2] =	stream.linear.gather [hbm4b:s9+s25], $0x80, $0x38;
	[tilespmem:$0x1EA00] =	vst v63  }
0x3b: {  	_ =	swait.ge [sflag:s16], $0x80  }
0x3c: {  	[sflag:s16] =	ssyncset.done $0x0  }
0x3d: {  	[sflag:s16] =	ssyncadd.s32 $0xFFFFFF80  }
0x3e: {  	v1 =	vld [tilespmem:$0x2800]  }
0x3f: {  	v2 =	vld [tilespmem:$0x0]  }
0x40: {  	v3 =	vld [tilespmem:$0x2810]  }
0x41: {  	v4 =	vld [tilespmem:$0x10]  }
0x42: {  	v5 =	vld [tilespmem:$0x2820]  }
0x43: {  	v6 =	vld [tilespmem:$0x20]  }
0x44: {  	v7 =	vld [tilespmem:$0x2830]  }
0x45: {  	v8 =	vld [tilespmem:$0x30]  }
0x46: {  	v9 =	vld [tilespmem:$0x2840]  }
0x47: {  	v10 =	vld [tilespmem:$0x40]  }
0x48: {  	v11 =	vld [tilespmem:$0x2850]  }
0x49: {  	v12 =	vld [tilespmem:$0x50]  }
0x4a: {  	v13 =	vld [tilespmem:$0x2860]  }
0x4b: {  	v63 =	vld [tilespmem:$0x2870];
	vm0 =	veq.s32 v1, v2  }
0x4c: {  	v2 =	vld [tilespmem:$0x60];
	vm9 =	veq.s32 v3, v4;
	v1 =	vsel vm0, $0x2710, v1  }
0x4d: {  	vm10 =	veq.s32 v5, v6;
	[tilespmem:$0x2880] =	vst v1;
	v1 =	vsel vm9, $0x2710, v3;
	v3 =	vld [tilespmem:$0x70]  }
0x4e: {  	vm11 =	veq.s32 v7, v8;
	[tilespmem:$0x2890] =	vst v1;
	v1 =	vsel vm10, $0x2710, v5  }
0x4f: {  	vm12 =	veq.s32 v9, v10;
	[tilespmem:$0x28A0] =	vst v1;
	v1 =	vsel vm11, $0x2710, v7  }
0x50: {  	vm13 =	veq.s32 v11, v12;
	[tilespmem:$0x28B0] =	vst v1;
	v1 =	vsel vm12, $0x2710, v9  }
0x51: {  	vm14 =	veq.s32 v13, v2;
	[tilespmem:$0x28C0] =	vst v1;
	v1 =	vsel vm13, $0x2710, v11  }
0x52: {  	s24 =	simm.s32 $0x80;
	p0 =	por $0x0, $0x0;
	[tilespmem:$0x28D0] =	vst v1;
	v1 =	vsel vm14, $0x2710, v13;
	vm15 =	veq.s32 v63, v3  }
0x53: {  	s26 =	sand.u32 @!p0 $0x7C00, s24;
	[tilespmem:$0x28E0] =	vst v1;
	v1 =	vsel vm15, $0x2710, v63  }
0x54: {  	s28 =	sand.u32 @!p0 $0x380, s24;
	s26 =	sadd.s32 @!p0 s4, s26;
	[tilespmem:$0x28F0] =	vst v1  }
0x55: {  	[tilespmem:s17], [sflag:$0x1] =	stream.indirect.gather [hbm4b:s6+s24], $0x80, s19, s24, $0xb8;
	[tilespmem:$0x1EA00] =	vst v63  }
0x56: {  	s29 =	simm.s32 @!p0 $0x2800;
	s26 =	sor.u32 @!p0 s28, s26;
	_ =	swait.ge [sflag:s20], $0x4000  }
0x57: {  	s30 =	simm.s32 @!p0 $0x0;
	s26 =	sshrl.u32 @!p0 s26, $0x3;
	[sflag:s20] =	ssyncset.done $0x0  }
0x58: {  	s28 =	simm.s32 @!p0 $0x2;
	s26 =	sadd.s32 @!p0 s2, s26;
	[sflag:s20] =	ssyncadd.s32 $0xFFFFC000  }
0x59: {  	[tilespmem:s29], [sflag:$0x2] =	stream.linear.gather @!p0 [hbm4b:s26+s30], $0x80, $0x38;
	[tilespmem:$0x1EA00] =	vst v63  }
0x5a: {  	_ =	swait.ge @!p0 [sflag:s28], $0x80  }
0x5b: {  	[sflag:s28] =	ssyncset.done @!p0 $0x0  }
0x5c: {  	[sflag:s28] =	ssyncadd.s32 @!p0 $0xFFFFFF80  }
0x5d: {  	v1 =	vld @!p0 [tilespmem:$0x2800]  }
0x5e: {  	v2 =	vld @!p0 [tilespmem:s24+$0x0];
	_ =	sdelay $0x3  }
0x5f: {  	s25 =	sand.u32 $0x1, s25  }
0x60: {  	s26 =	sxor.u32 @!p0 $0x1, s25;
	vm0 =	veq.s32 @!p0 v1, v2  }
0x61: {  	s28 =	sshll.u32 @!p0 s26, $0x7;
	v1 =	vsel @!p0 vm0, $0x2710, v1  }
0x62: {  	[tilespmem:s28+$0x2880] =	vst @!p0 v1  }
0x63: {  	v1 =	vld @!p0 [tilespmem:$0x2810]  }
0x64: {  	v2 =	vld @!p0 [tilespmem:s24+$0x10];
	_ =	sdelay $0x4  }
0x65: {  	vm0 =	veq.s32 @!p0 v1, v2  }
0x66: {  	v1 =	vsel @!p0 vm0, $0x2710, v1  }
0x67: {  	[tilespmem:s28+$0x2890] =	vst @!p0 v1  }
0x68: {  	v1 =	vld @!p0 [tilespmem:$0x2820]  }
0x69: {  	v2 =	vld @!p0 [tilespmem:s24+$0x20];
	_ =	sdelay $0x4  }
0x6a: {  	vm0 =	veq.s32 @!p0 v1, v2  }
0x6b: {  	v1 =	vsel @!p0 vm0, $0x2710, v1  }
0x6c: {  	[tilespmem:s28+$0x28A0] =	vst @!p0 v1  }
0x6d: {  	v1 =	vld @!p0 [tilespmem:$0x2830]  }
0x6e: {  	v2 =	vld @!p0 [tilespmem:s24+$0x30];
	_ =	sdelay $0x4  }
0x6f: {  	vm0 =	veq.s32 @!p0 v1, v2  }
0x70: {  	v1 =	vsel @!p0 vm0, $0x2710, v1  }
0x71: {  	[tilespmem:s28+$0x28B0] =	vst @!p0 v1  }
0x72: {  	v1 =	vld @!p0 [tilespmem:$0x2840]  }
0x73: {  	v2 =	vld @!p0 [tilespmem:s24+$0x40];
	_ =	sdelay $0x4  }
0x74: {  	vm0 =	veq.s32 @!p0 v1, v2  }
0x75: {  	v1 =	vsel @!p0 vm0, $0x2710, v1  }
0x76: {  	[tilespmem:s28+$0x28C0] =	vst @!p0 v1  }
0x77: {  	v1 =	vld @!p0 [tilespmem:$0x2850]  }
0x78: {  	v2 =	vld @!p0 [tilespmem:s24+$0x50];
	_ =	sdelay $0x4  }
0x79: {  	vm0 =	veq.s32 @!p0 v1, v2  }
0x7a: {  	v1 =	vsel @!p0 vm0, $0x2710, v1  }
0x7b: {  	[tilespmem:s28+$0x28D0] =	vst @!p0 v1  }
0x7c: {  	v1 =	vld @!p0 [tilespmem:$0x2860]  }
0x7d: {  	v2 =	vld @!p0 [tilespmem:s24+$0x60];
	_ =	sdelay $0x4  }
0x7e: {  	vm0 =	veq.s32 @!p0 v1, v2  }
0x7f: {  	v1 =	vsel @!p0 vm0, $0x2710, v1  }
0x80: {  	[tilespmem:s28+$0x28E0] =	vst @!p0 v1  }
0x81: {  	v1 =	vld @!p0 [tilespmem:$0x2870]  }
0x82: {  	v2 =	vld @!p0 [tilespmem:s24+$0x70];
	_ =	sdelay $0x4  }
0x83: {  	vm0 =	veq.s32 @!p0 v1, v2  }
0x84: {  	s26 =	sshll.u32 @!p0 s26, $0xE;
	v1 =	vsel @!p0 vm0, $0x2710, v1  }
0x85: {  	s30 =	simm.s32 @!p0 $0x80;
	s26 =	sor.u32 @!p0 $0x2A00, s26;
	s29 =	sadd.s32 @!p0 $0x2880, s28;
	[tilespmem:s28+$0x28F0] =	vst @!p0 v1  }
0x86: {  	[tilespmem:s26], [sflag:$0x1] =	stream.indirect.gather @!p0 [hbm4b:s6+s30], $0x80, s29, s30, $0xb8;
	[tilespmem:$0x1EA00] =	vst v63  }
0x87: {  	v1 =	vld [tilespmem:s24+$0xFFFFFF80];
	_ =	sdelay $0x4  }
0x88: {  	[tilespmem:$0x2980] =	vst v1  }
0x89: {  	v1 =	vld [tilespmem:s24+$0xFFFFFF90];
	_ =	sdelay $0x4  }
0x8a: {  	[tilespmem:$0x2990] =	vst v1  }
0x8b: {  	v1 =	vld [tilespmem:s24+$0xFFFFFFA0];
	_ =	sdelay $0x4  }
0x8c: {  	[tilespmem:$0x29A0] =	vst v1  }
0x8d: {  	v1 =	vld [tilespmem:s24+$0xFFFFFFB0];
	_ =	sdelay $0x4  }
0x8e: {  	[tilespmem:$0x29B0] =	vst v1  }
0x8f: {  	v1 =	vld [tilespmem:s24+$0xFFFFFFC0];
	_ =	sdelay $0x4  }
0x90: {  	[tilespmem:$0x29C0] =	vst v1  }
0x91: {  	v1 =	vld [tilespmem:s24+$0xFFFFFFD0];
	_ =	sdelay $0x4  }
0x92: {  	[tilespmem:$0x29D0] =	vst v1  }
0x93: {  	v1 =	vld [tilespmem:s24+$0xFFFFFFE0];
	_ =	sdelay $0x4  }
0x94: {  	s31 =	sshll.u32 s25, $0xE;
	[tilespmem:$0x29E0] =	vst v1  }
0x95: {  	s25 =	simm.s32 $0x1;
	s28 =	sor.u32 $0x2A00, s31;
	s26 =	simm.s32 $0x80;
	v1 =	vld [tilespmem:s24+$0xFFFFFFF0]  }
.LBB2_4:
0x96: {  	s24 =	sadd.s32 $0x80, s24  }
0x97: {  	s26 =	sadd.s32 $0x80, s26;
	s29 =	smov.u32 s25;
	s25 =	sadd.s32 $0x1, s25  }
0x98: {  	p0 =	sne.s32 s25, $0x4F;
	_ =	sdelay $0x2  }
0x99: {  	[tilespmem:$0x29F0] =	vst v1  }
0x9a: {  	[spmem:s3] =	stream.indirect.scatter.add.f32 [tilespmem:s28], [sflag:$0x2], $0x80, s22, s21, $0xb8;
	[tilespmem:$0x1EA00] =	vst v63  }
0x9b: {  	p1 =	seq.s32 s29, $0x4E;
	s28 =	sand.u32 $0x1, s29;
	_ =	swait.ge [sflag:s16], $0x4000  }
0x9c: {  	s29 =	sand.u32 @!p1 $0x7C00, s24;
	s30 =	sxor.u32 @!p1 $0x1, s28;
	[sflag:s16] =	ssyncset.done $0x0  }
0x9d: {  	s31 =	sand.u32 @!p1 $0x380, s24;
	s29 =	sadd.s32 @!p1 s4, s29;
	[sflag:s16] =	ssyncadd.s32 $0xFFFFC000  }
0x9e: {  	s29 =	sor.u32 @!p1 s31, s29;
	s31 =	simm.s32 @!p1 $0x2;
	_ =	swait.ge [sflag:s20], $0x4000  }
0x9f: {  	s1 =	simm.s32 @!p1 $0x2800;
	s29 =	sshrl.u32 @!p1 s29, $0x3;
	[sflag:s20] =	ssyncset.done $0x0  }
0xa0: {  	s5 =	simm.s32 @!p1 $0x0;
	s29 =	sadd.s32 @!p1 s2, s29;
	[sflag:s20] =	ssyncadd.s32 $0xFFFFC000  }
0xa1: {  	[tilespmem:s1], [sflag:$0x2] =	stream.linear.gather @!p1 [hbm4b:s29+s5], $0x80, $0x38;
	[tilespmem:$0x1EA00] =	vst v63  }
0xa2: {  	s28 =	sshll.u32 s28, $0xE;
	s1 =	sshll.u32 @!p1 s30, $0xE;
	_ =	swait.ge @!p1 [sflag:s31], $0x80  }
0xa3: {  	s29 =	sor.u32 @!p1 $0x2A00, s1;
	[sflag:s31] =	ssyncset.done @!p1 $0x0  }
0xa4: {  	[sflag:s31] =	ssyncadd.s32 @!p1 $0xFFFFFF80  }
0xa5: {  	v1 =	vld @!p1 [tilespmem:$0x2800]  }
0xa6: {  	v2 =	vld @!p1 [tilespmem:s26+$0x0];
	_ =	sdelay $0x4  }
0xa7: {  	s30 =	sshll.u32 @!p1 s30, $0x7;
	vm0 =	veq.s32 @!p1 v1, v2  }
0xa8: {  	s31 =	sadd.s32 @!p1 $0x2880, s30;
	v1 =	vsel @!p1 vm0, $0x2710, v1  }
0xa9: {  	[tilespmem:s30+$0x2880] =	vst @!p1 v1  }
0xaa: {  	v1 =	vld @!p1 [tilespmem:$0x2810]  }
0xab: {  	v2 =	vld @!p1 [tilespmem:s26+$0x10];
	_ =	sdelay $0x4  }
0xac: {  	vm0 =	veq.s32 @!p1 v1, v2  }
0xad: {  	v1 =	vsel @!p1 vm0, $0x2710, v1  }
0xae: {  	[tilespmem:s30+$0x2890] =	vst @!p1 v1  }
0xaf: {  	v1 =	vld @!p1 [tilespmem:$0x2820]  }
0xb0: {  	v2 =	vld @!p1 [tilespmem:s26+$0x20];
	_ =	sdelay $0x4  }
0xb1: {  	vm0 =	veq.s32 @!p1 v1, v2  }
0xb2: {  	v1 =	vsel @!p1 vm0, $0x2710, v1  }
0xb3: {  	[tilespmem:s30+$0x28A0] =	vst @!p1 v1  }
0xb4: {  	v1 =	vld @!p1 [tilespmem:$0x2830]  }
0xb5: {  	v2 =	vld @!p1 [tilespmem:s26+$0x30];
	_ =	sdelay $0x4  }
0xb6: {  	vm0 =	veq.s32 @!p1 v1, v2  }
0xb7: {  	v1 =	vsel @!p1 vm0, $0x2710, v1  }
0xb8: {  	[tilespmem:s30+$0x28B0] =	vst @!p1 v1  }
0xb9: {  	v1 =	vld @!p1 [tilespmem:$0x2840]  }
0xba: {  	v2 =	vld @!p1 [tilespmem:s26+$0x40];
	_ =	sdelay $0x4  }
0xbb: {  	vm0 =	veq.s32 @!p1 v1, v2  }
0xbc: {  	v1 =	vsel @!p1 vm0, $0x2710, v1  }
0xbd: {  	[tilespmem:s30+$0x28C0] =	vst @!p1 v1  }
0xbe: {  	v1 =	vld @!p1 [tilespmem:$0x2850]  }
0xbf: {  	v2 =	vld @!p1 [tilespmem:s26+$0x50];
	_ =	sdelay $0x4  }
0xc0: {  	vm0 =	veq.s32 @!p1 v1, v2  }
0xc1: {  	v1 =	vsel @!p1 vm0, $0x2710, v1  }
0xc2: {  	[tilespmem:s30+$0x28D0] =	vst @!p1 v1  }
0xc3: {  	v1 =	vld @!p1 [tilespmem:$0x2860]  }
0xc4: {  	v2 =	vld @!p1 [tilespmem:s26+$0x60];
	_ =	sdelay $0x4  }
0xc5: {  	vm0 =	veq.s32 @!p1 v1, v2  }
0xc6: {  	v1 =	vsel @!p1 vm0, $0x2710, v1  }
0xc7: {  	[tilespmem:s30+$0x28E0] =	vst @!p1 v1  }
0xc8: {  	s1 =	simm.s32 @!p1 $0x80;
	v1 =	vld @!p1 [tilespmem:$0x2870]  }
0xc9: {  	v2 =	vld @!p1 [tilespmem:s26+$0x70];
	_ =	sdelay $0x4  }
0xca: {  	vm0 =	veq.s32 @!p1 v1, v2  }
0xcb: {  	v1 =	vsel @!p1 vm0, $0x2710, v1  }
0xcc: {  	[tilespmem:s30+$0x28F0] =	vst @!p1 v1  }
0xcd: {  	[tilespmem:s29], [sflag:$0x1] =	stream.indirect.gather @!p1 [hbm4b:s6+s1], $0x80, s31, s1, $0xb8;
	[tilespmem:$0x1EA00] =	vst v63  }
0xce: {  	v1 =	vld [tilespmem:s26+$0xFFFFFF80];
	_ =	sdelay $0x4  }
0xcf: {  	[tilespmem:$0x2980] =	vst v1  }
0xd0: {  	v1 =	vld [tilespmem:s26+$0xFFFFFF90];
	_ =	sdelay $0x4  }
0xd1: {  	[tilespmem:$0x2990] =	vst v1  }
0xd2: {  	v1 =	vld [tilespmem:s26+$0xFFFFFFA0];
	_ =	sdelay $0x4  }
0xd3: {  	[tilespmem:$0x29A0] =	vst v1  }
0xd4: {  	v1 =	vld [tilespmem:s26+$0xFFFFFFB0];
	_ =	sdelay $0x4  }
0xd5: {  	[tilespmem:$0x29B0] =	vst v1  }
0xd6: {  	v1 =	vld [tilespmem:s26+$0xFFFFFFC0];
	_ =	sdelay $0x4  }
0xd7: {  	[tilespmem:$0x29C0] =	vst v1  }
0xd8: {  	v1 =	vld [tilespmem:s26+$0xFFFFFFD0];
	_ =	sdelay $0x4  }
0xd9: {  	[tilespmem:$0x29D0] =	vst v1  }
0xda: {  	v1 =	vld [tilespmem:s26+$0xFFFFFFE0];
	_ =	sdelay $0x1  }
.Ltmp1:
0xdb: {  	(pc) =	sbr.rel @p0 .LBB2_4-.Ltmp1, $3  }
0xdc: {  	s28 =	sor.u32 $0x2A00, s28;
	_ =	sdelay $0x1  }
0xdd: {  	[tilespmem:$0x29E0] =	vst v1  }
0xde: {  	v1 =	vld [tilespmem:s26+$0xFFFFFFF0]  }
0xdf: {  	_ =	sdelay $0x3  }
0xe0: {  	[tilespmem:$0x29F0] =	vst v1  }
0xe1: {  	[spmem:s3] =	stream.indirect.scatter.add.f32 [tilespmem:s28], [sflag:$0x2], $0x80, s22, s21, $0xb8;
	[tilespmem:$0x1EA00] =	vst v63  }
0xe2: {  	_ =	swait.ge [sflag:s16], $0x4000  }
0xe3: {  	s1 =	sshll.u32 s0, $0x6;
	s23 =	sadd.s32 $0x1, s23;
	[sflag:s16] =	ssyncset.done $0x0  }
0xe4: {  	s5 =	sshrl.u32 s8, $0x3;
	p0 =	sne.s32 s23, s11;
	[sflag:s16] =	ssyncadd.s32 $0xFFFFC000  }
.Ltmp2:
0xe5: {  	s1 =	sor.u32 $0x1C02, s1;
	[bflag:$0x0] =	sbarrier.arrive $0xFFFF;
	(pc) =	sbr.rel @p0 .LBB2_1-.Ltmp2, $4  }
0xe6: {  	[hbm:s10], [sflag:s1] =	dma.local [spmem:s5], $0x2800  }
0xe7: {  	_ =	swait.ge [sflag:s16], $0x2800  }
0xe8: {  	[sflag:s16] =	ssyncset.done $0x0  }
0xe9: {  	[sflag:s16] =	ssyncadd.s32 $0xFFFFD800  }
0xea: {  	_ =	sfence.sel $0x180000  }
0xeb: {  	[bflag:$0x0] =	sbarrier.arrive $0xFFFF  }
0xec: {  	_ =	strace $0x9000004A  }
0xed: {  	[bflag:$0x2] =	sbarrier.arrive $0xFFFF  }
0xee: {  	p0 =	sne.s32 s0, $0x0;
	s0 =	rddreg [dreg:$0x3]  }
0xef: {  	s0 =	sadd.s32 @!p0 $0x100000, s0  }
0xf0: {  	[sflag:s0] =	ssyncadd.tile.s32 @!p0 $0x1;
	_ =	shalt  }
.Lfunc_end2:
_tile_overlayer_lowered:
.L_overlay_start_2:
0xf1: {  	(tag) =	ssettag $0x2  }
0xf2: {  	s0 =	rddreg [dreg:$0x0];
	s2 =	stileid.u32  }
0xf3: {  	s1 =	rddreg [dreg:$0x1];
	p0 =	sne.s32 s2, $0x0  }
0xf4: {  	s3 =	rddreg [dreg:$0x2];
	[bflag:$0x3] =	sbarrier.arrive $0xFFFF;
	s2 =	simm.s32 @!p0 $0x1C02  }
0xf5: {  	[timem:s3], [sflag:s2] =	dma.local @!p0 [hbm:s0], s1  }
0xf6: {  	s0 =	simm.s32 @!p0 $0x2  }
0xf7: {  	_ =	swait.ge @!p0 [sflag:s0], s1  }
0xf8: {  	s1 =	ssub.s32 @!p0 $0x0, s1;
	[sflag:s0] =	ssyncset.done @!p0 $0x0  }
0xf9: {  	[sflag:s0] =	ssyncadd.s32 @!p0 s1  }
0xfa: {  	[bflag:$0x3] =	sbarrier.arrive $0xFFFF  }
0xfb: {  	_ =	shalt  }

// kernel: kernel.15.cloned.1.call-start
scs
__scs_entry_jumppad:
0x0: {  	(pc) =	sbr.rel $0x88, $3  }
0x1: {  	(tag) =	ssettag $0x0;
	lr =	simm.s32 $0x1  }
0x2: {  	[smem:$0x3F9B] =	sst lr;
	_ =	strace $0xD0000000  }
0x3: {  	_ = 	snop  }
0x4: {  	_ = 	snop  }
0x5: {  	_ = 	snop  }
0x6: {  	_ = 	snop  }
0x7: {  	_ = 	snop  }
__scs_overlays_trampoline_lowered:
0x8: {  	[smem:$0x3FAA] =	sst s0  }
0x9: {  	[smem:$0x3FAB] =	sst s1  }
0xa: {  	[smem:$0x3FAC] =	sst s2  }
0xb: {  	[smem:$0x3FAD] =	sst s3  }
0xc: {  	[smem:$0x3FAE] =	sst s4  }
0xd: {  	[smem:$0x3FAF] =	sst s5  }
0xe: {  	[smem:$0x3FB0] =	sst s6  }
0xf: {  	[smem:$0x3FB1] =	sst s7  }
0x10: {  	[smem:$0x3FB2] =	sst s8  }
0x11: {  	[smem:$0x3FB3] =	sst s9;
	s0 =	simm.s32 @!p0 $0x0  }
0x12: {  	s1 =	sld [smem:$0x3F99];
	s0 =	simm.s32 @p0 $0x1  }
0x13: {  	[smem:$0x3FB4] =	sst s0;
	s0 =	simm.s32 @!p1 $0x0  }
0x14: {  	s2 =	sld [smem:$0x3F98];
	s0 =	simm.s32 @p1 $0x1  }
0x15: {  	[smem:$0x3FB5] =	sst s0;
	s0 =	simm.s32 @!p2 $0x0  }
0x16: {  	s3 =	sld [smem:$0x3FDB];
	s0 =	simm.s32 @p2 $0x1  }
0x17: {  	s4 =	simm.s32 $0x1BF5;
	[smem:$0x3FB7] =	sst s0  }
0x18: {  	s0 =	sld [smem:$0x3F9A];
	_ =	swait.ge [sflag:s4], $0x0  }
0x19: {  	s7 =	sld [smem:$0x3F9B]  }
0x1a: {  	s8 =	sadd.s32 $0xFFFFE003, lr  }
0x1b: {  	s9 =	sadd.s32 $0xFFFFFEF7, lr;
	s5 =	simm.s32 $0xFFFFFFFF;
	p2 =	slt.u32 s8, $0xFFFFF086  }
0x1c: {  	p1 =	slt.u32 s9, $0xF7A;
	s5 =	simm.s32 @!p2 $0x0  }
0x1d: {  	s5 =	simm.s32 @p1 $0x1;
	p0 =	seq.s32 s7, s2  }
0x1e: {  	s7 =	smul.u32 @!p0 $0xF7A, s2;
	p2 =	seq.s32 @!p0 s5, $0x0  }
0x1f: {  	s9 =	smul.u32 $0xF7A, s1;
	s8 =	simm.s32 @!p0 $0x1BF5;
	p2 =	por !p2, p0  }
0x20: {  	[sflag:s8] =	ssyncset.s32 @!p0 $0xFFFFF086;
	s6 =	sadd.s32 @!p0 s3, s7;
	s7 =	simm.s32 @!p0 $0x108  }
0x21: {  	s3 =	sadd.s32 s3, s9;
	s6 =	sadd.s32 @!p0 $0x88, s6;
	s7 =	simm.s32 @p2 $0x1082  }
0x22: {  	[simem:s7], [sflag:s8] =	dma.local @!p0 [hbm:s6], $0xF7A  }
0x23: {  	s9 =	sor.u32 $0xD0000000, s2;
	s6 =	simm.s32 $0x108;
	_ =	swait.ge @!p0 [sflag:s8], $0x0  }
0x24: {  	s3 =	sadd.s32 $0x88, s3;
	s6 =	simm.s32 @!p1 $0x1082;
	[sflag:s4] =	ssyncset.s32 $0xFFFFF086  }
0x25: {  	[simem:s6], [sflag:s4] =	dma.local [hbm:s3], $0xF7A  }
0x26: {  	[smem:$0x3F9B] =	sst s1;
	(tag) =	ssettag s2;
	_ =	strace s9  }
0x27: {  	s1 =	sld [smem:$0x3FAB]  }
0x28: {  	s2 =	sld [smem:$0x3FAC]  }
0x29: {  	s4 =	sld [smem:$0x3FAE]  }
0x2a: {  	p0 =	seq.s32 s5, $0x0;
	s5 =	sld [smem:$0x3FAF]  }
0x2b: {  	s6 =	sld [smem:$0x3FB0]  }
0x2c: {  	s7 =	sld [smem:$0x3FB1]  }
0x2d: {  	s3 =	simm.s32 $0x108;
	s8 =	sld [smem:$0x3FB2]  }
0x2e: {  	s3 =	simm.s32 @!p0 $0x1082;
	s9 =	sld [smem:$0x3FB3]  }
0x2f: {  	lr =	sadd.s32 s0, s3;
	s0 =	sld [smem:$0x3FAA]  }
0x30: {  	s3 =	sld [smem:$0x3FAD]  }
0x31: {  	[smem:$0x3FB6] =	sst s10  }
0x32: {  	s10 =	sld [smem:$0x3FB4];
	_ =	sdelay $0x3  }
0x33: {  	p0 =	seq.s32 s10, $0x1;
	s10 =	sld [smem:$0x3FB6];
	_ =	sdelay $0x3  }
0x34: {  	[smem:$0x3FB6] =	sst s10  }
0x35: {  	s10 =	sld [smem:$0x3FB5];
	_ =	sdelay $0x3  }
0x36: {  	p1 =	seq.s32 s10, $0x1;
	s10 =	sld [smem:$0x3FB6];
	_ =	sdelay $0x3  }
0x37: {  	[smem:$0x3FB6] =	sst s10  }
0x38: {  	s10 =	sld [smem:$0x3FB7]  }
0x39: {  	_ = 	snop;
	(pc) =	sbr.ind lr, $3  }
0x3a: {  	_ = 	snop  }
0x3b: {  	_ = 	snop  }
0x3c: {  	p2 =	seq.s32 s10, $0x1;
	s10 =	sld [smem:$0x3FB6]  }
0x3d: {  	_ =	shalt  }
0x3e: {  	_ =	shalt  }
0x3f: {  	_ =	shalt  }
0x40: {  	_ =	shalt  }
0x41: {  	_ =	shalt  }
0x42: {  	_ =	shalt  }
0x43: {  	_ =	shalt  }
0x44: {  	_ =	shalt  }
0x45: {  	_ =	shalt  }
0x46: {  	_ =	shalt  }
0x47: {  	_ =	shalt  }
0x48: {  	_ =	shalt  }
0x49: {  	_ =	shalt  }
0x4a: {  	_ =	shalt  }
0x4b: {  	_ =	shalt  }
0x4c: {  	_ =	shalt  }
0x4d: {  	_ =	shalt  }
0x4e: {  	_ =	shalt  }
0x4f: {  	_ =	shalt  }
0x50: {  	_ =	shalt  }
0x51: {  	_ =	shalt  }
0x52: {  	_ =	shalt  }
0x53: {  	_ =	shalt  }
0x54: {  	_ =	shalt  }
0x55: {  	_ =	shalt  }
0x56: {  	_ =	shalt  }
0x57: {  	_ =	shalt  }
0x58: {  	_ =	shalt  }
0x59: {  	_ =	shalt  }
0x5a: {  	_ =	shalt  }
0x5b: {  	_ =	shalt  }
0x5c: {  	_ =	shalt  }
0x5d: {  	_ =	shalt  }
0x5e: {  	_ =	shalt  }
0x5f: {  	_ =	shalt  }
0x60: {  	_ =	shalt  }
0x61: {  	_ =	shalt  }
0x62: {  	_ =	shalt  }
0x63: {  	_ =	shalt  }
0x64: {  	_ =	shalt  }
0x65: {  	_ =	shalt  }
0x66: {  	_ =	shalt  }
0x67: {  	_ =	shalt  }
0x68: {  	_ =	shalt  }
0x69: {  	_ =	shalt  }
0x6a: {  	_ =	shalt  }
0x6b: {  	_ =	shalt  }
0x6c: {  	_ =	shalt  }
0x6d: {  	_ =	shalt  }
0x6e: {  	_ =	shalt  }
0x6f: {  	_ =	shalt  }
0x70: {  	_ =	shalt  }
0x71: {  	_ =	shalt  }
0x72: {  	_ =	shalt  }
0x73: {  	_ =	shalt  }
0x74: {  	_ =	shalt  }
0x75: {  	_ =	shalt  }
0x76: {  	_ =	shalt  }
0x77: {  	_ =	shalt  }
0x78: {  	_ =	shalt  }
0x79: {  	_ =	shalt  }
0x7a: {  	_ =	shalt  }
0x7b: {  	_ =	shalt  }
0x7c: {  	_ =	shalt  }
0x7d: {  	_ =	shalt  }
0x7e: {  	_ =	shalt  }
0x7f: {  	_ =	shalt  }
0x80: {  	_ =	shalt  }
0x81: {  	_ =	shalt  }
0x82: {  	_ =	shalt  }
0x83: {  	_ =	shalt  }
0x84: {  	_ =	shalt  }
0x85: {  	_ =	shalt  }
0x86: {  	_ =	shalt  }
0x87: {  	_ =	shalt  }
.Lfunc_end0:
.L_simem_size_0:
called_computation.2_lowered:
.L_overlay_start_0:
0x88: {  	s2 =	sld [smem:$0x3FD9]  }
0x89: {  	s3 =	sld [smem:$0x3FFE];
	_ =	sdelay $0x1  }
0x8a: {  	s1 =	srdreg.scid  }
0x8b: {  	s0 =	sand.u32 $0x1, s1  }
0x8c: {  	s17 =	sshll.u32 s0, $0xA;
	s2 =	sadd.s32 s3, s2  }
0x8d: {  	s2 =	sadd.s32 s2, s17  }
0x8e: {  	[smem:$0x3FC2] =	sst s2  }
0x8f: {  	_ = 	snop  }
0x90: {  	s2 =	sld [smem:$0x3FD0];
	(tm) =	ssettm $0x1  }
0x91: {  	s18 =	sld [smem:$0x3FFB];
	_ =	sdelay $0x3  }
0x92: {  	_ =	strace s18  }
0x93: {  	s3 =	sld [smem:$0x3FFC];
	_ =	sdelay $0x3  }
0x94: {  	_ =	strace s3  }
0x95: {  	s3 =	sld [smem:$0x3FFD];
	_ =	sdelay $0x3  }
0x96: {  	_ =	strace s3  }
0x97: {  	_ =	strace $0x8FFFFFFF  }
0x98: {  	s19 =	sld [smem:$0x3FDB];
	_ =	sdelay $0x1  }
0x99: {  	s4 =	simm.s32 $_scs_section_size  }
0x9a: {  	s5 =	simm.s32 $_size__tile_overlayer_lowered;
	s6 =	simm.s32 $_tile_overlayer_lowered  }
0x9b: {  	s22 =	simm.s32 $0x1BFF;
	s21 =	sshll.u32 s6, $0x1;
	s3 =	sadd.s32 s4, s19  }
0x9c: {  	s7 =	simm.s32 $0x0;
	s20 =	sshll.u32 s5, $0x1;
	s5 =	sadd.s32 s21, s3  }
0x9d: {  	[timem:s7], [sflag:s22] =	dma.local [hbm:s5], s20  }
0x9e: {  	_ =	swait.ge [sflag:s22], s20  }
0x9f: {  	s4 =	ssub.s32 $0x0, s20;
	[sflag:s22] =	ssyncset.done $0x0  }
0xa0: {  	[sflag:s22] =	ssyncadd.s32 s4;
	_ =	sdelay $0x1  }
0xa1: {  	s23 =	simm.s32 $0x1B8B  }
0xa2: {  	_ =	swait.ge [sflag:s23], $0x1  }
0xa3: {  	[sflag:s23] =	ssyncset.done $0x0  }
0xa4: {  	s25 =	simm.s32 $0x1B8E;
	s24 =	sld [smem:$0x3FFE];
	[sflag:s23] =	ssyncadd.s32 $0xFFFFFFFF  }
0xa5: {  	s26 =	simm.s32 $execute0_lowered;
	[smem:$0x3FD2] =	sst s25  }
0xa6: {  	s5 =	sshll.u32 s26, $0x1;
	_ =	strace $0x8000004C;
	[dreg:$0x1] =	wrdreg $0xFFFFFFFF  }
0xa7: {  	s28 =	simm.s32 $_size_execute0_lowered;
	s3 =	sadd.s32 s3, s5;
	[dreg:$0x0] =	wrdreg $0x0  }
0xa8: {  	s5 =	sshll.u32 s28, $0x1;
	[dreg:$0x2] =	wrdreg s3  }
0xa9: {  	[dreg:$0x3] =	wrdreg s5  }
0xaa: {  	[dreg:$0x4] =	wrdreg $0xC0  }
0xab: {  	_ =	task [dreg:s7], $0x5FFFF  }
0xac: {  	[dreg:$0x1] =	wrdreg $0xFFFFFFFF  }
0xad: {  	[dreg:$0x0] =	wrdreg $0x60  }
0xae: {  	[dreg:$0x2] =	wrdreg s24  }
0xaf: {  	[dreg:$0x3] =	wrdreg s2  }
0xb0: {  	[dreg:$0x4] =	wrdreg $0xAA000  }
0xb1: {  	[dreg:$0x5] =	wrdreg $0x9  }
0xb2: {  	_ =	task.clear_ibuf [dreg:s7], $0x6FFFF;
	_ =	strace $0x9000004C  }
0xb3: {  	s29 =	simm.s32 $0x9;
	_ =	strace $0x8000004E  }
0xb4: {  	_ =	swait.ge [sflag:s29], $0x1  }
0xb5: {  	[sflag:s29] =	ssyncadd.s32 $0xFFFFFFFF  }
0xb6: {  	_ =	strace $0x9000004E  }
0xb7: {  	_ =	sfence  }
0xb8: {  	s30 =	sld [smem:$0x0];
	_ =	sdelay $0x2  }
0xb9: {  	s31 =	sshll.u32 s1, $0xD;
	s1 =	sshrl.u32 s1, $0x2  }
0xba: {  	s3 =	sand.u32 $0x4000, s31;
	s1 =	sadd.s32 s1, s30  }
0xbb: {  	s0 =	sor.u32 s3, s0;
	s1 =	sshll.u32 s1, $0x11  }
0xbc: {  	s0 =	sor.u32 s1, s0  }
0xbd: {  	s0 =	sadd.s32 $0x8F2B, s0  }
0xbe: {  	[sflag:s0] =	ssyncadd.remote.s32 $0x1  }
0xbf: {  	_ =	sfence.sel $0xFFFF  }
0xc0: {  	[dreg:$0x0] =	wrdreg $0xFFFFFFFF;
	(pc) =	sbr.abs _section_cstart, $3  }
0xc1: {  	[dreg:$0x1] =	wrdreg $0xFFFFFFFF  }
0xc2: {  	_ =	task.clear_ibuf [dreg:s7], $0x2FFFF;
	_ =	strace $0x9FFFFFFF  }
0xc3: {  	(tm) =	ssettm $0x7FFFFFFF  }
tec
execute0_lowered:
.L_overlay_start_1:
0x0: {  	(tag) =	ssettag $0x1  }
0x1: {  	s8 =	rddreg [dreg:$0x0]  }
0x2: {  	s0 =	srdreg.scid;
	s2 =	rddreg [dreg:$0x1]  }
0x3: {  	s3 =	rddreg [dreg:$0x2];
	s28 =	simm.s32 $0x0;
	s16 =	simm.s32 $0x2  }
0x4: {  	s17 =	simm.s32 $0x2A00;
	s18 =	simm.s32 $0x2800;
	s19 =	simm.s32 $0x2880  }
0x5: {  	s20 =	simm.s32 $0x1;
	s21 =	simm.s32 $0x80;
	s7 =	sand.u32 $0x1, s0  }
0x6: {  	s22 =	simm.s32 $0x2980;
	s0 =	stileid.u32;
	s9 =	smul.u32 $0x140000, s7  }
0x7: {  	s23 =	simm.s32 $0x0;
	s1 =	sshll.u32 s7, $0x4;
	s10 =	smul.u32 $0x14000, s0  }
0x8: {  	[smem:$0x7FF] =	sst s28;
	s29 =	smul.u32 $0x50000, s0;
	s1 =	sor.u32 s0, s1  }
0x9: {  	s6 =	sadd.s32 $0x5C200, s8;
	s7 =	ssub.s32 $0x2, s7;
	s4 =	smul.u32 $0x2800, s1  }
0xa: {  	_ =	strace $0x8000004D;
	s30 =	sshrl.u32 s7, $0x1;
	s9 =	sadd.s32 s10, s9  }
0xb: {  	s31 =	sshrl.u32 s29, $0x2;
	s9 =	sshrl.u32 s9, $0x3;
	s11 =	sshrl.u32 s4, $0x3  }
0xc: {  	s14 =	ssub.s32 s7, s30;
	s13 =	sadd.s32 s9, s8;
	s12 =	sadd.s32 s11, s8  }
0xd: {  	s8 =	sadd.s32 s31, s3;
	s9 =	sadd.s32 s2, s11;
	s10 =	sadd.s32 $0x84200, s13  }
0xe: {  	s11 =	smax.u32 s14, $0x1;
	s7 =	sadd.s32 $0x2200, s12;
	s12 =	sadd.s32 $0x4000, s8  }
0xf: {  	v0 =	vimm.f32 $0.0e+00;
	s13 =	sadd.s32 $0x8000, s8;
	s14 =	sadd.s32 $0xC000, s8;
	s15 =	sadd.s32 $0x10000, s8  }
.LBB2_1:
0x10: {  	s1 =	simm.s32 $0x0  }
0x11: {  	[tilespmem:s1], [sflag:$0x2] =	stream.linear.gather [hbm4b:s7+s1], $0x2780, $0x38;
	[tilespmem:$0x1EA00] =	vst v63  }
0x12: {  	_ =	swait.ge [sflag:s16], $0x2780  }
0x13: {  	[sflag:s16] =	ssyncset.done $0x0  }
0x14: {  	s24 =	simm.s32 $0x0;
	s25 =	simm.s32 $0x200;
	[sflag:s16] =	ssyncadd.s32 $0xFFFFD880  }
.LBB2_2:
0x15: {  	p0 =	sne.s32 s25, $0xFE00;
	[tilespmem:s24+$0x2A70] =	vst v0  }
0x16: {  	[tilespmem:s24+$0x2A00] =	vst v0  }
0x17: {  	[tilespmem:s24+$0x2A10] =	vst v0  }
.Ltmp0:
0x18: {  	[tilespmem:s24+$0x2A20] =	vst v0;
	(pc) =	sbr.rel @p0 .LBB2_2-.Ltmp0, $4  }
0x19: {  	[tilespmem:s24+$0x2A30] =	vst v0  }
0x1a: {  	[tilespmem:s24+$0x2A40] =	vst v0  }
0x1b: {  	[tilespmem:s24+$0x2A50] =	vst v0  }
0x1c: {  	[tilespmem:s24+$0x2A60] =	vst v0;
	s24 =	sshra.s32 s25, $0x2;
	s25 =	sadd.s32 $0x200, s25  }
0x1d: {  	[tilespmem:s24+$0x2A70] =	vst v0  }
0x1e: {  	[tilespmem:s24+$0x2A00] =	vst v0  }
0x1f: {  	[tilespmem:s24+$0x2A10] =	vst v0  }
0x20: {  	[tilespmem:s24+$0x2A20] =	vst v0  }
0x21: {  	[tilespmem:s24+$0x2A30] =	vst v0  }
0x22: {  	[tilespmem:s24+$0x2A40] =	vst v0  }
0x23: {  	[tilespmem:s24+$0x2A50] =	vst v0  }
0x24: {  	[tilespmem:s24+$0x2A60] =	vst v0  }
0x25: {  	[spmem:s8] =	stream.linear.scatter [tilespmem:s17], [sflag:$0x2], $0x4000, $0x38;
	[tilespmem:$0x1EA00] =	vst v63  }
0x26: {  	_ =	swait.ge [sflag:s16], $0x4000  }
0x27: {  	[sflag:s16] =	ssyncset.done $0x0  }
0x28: {  	[sflag:s16] =	ssyncadd.s32 $0xFFFFC000  }
0x29: {  	[spmem:s12] =	stream.linear.scatter [tilespmem:s17], [sflag:$0x2], $0x4000, $0x38;
	[tilespmem:$0x1EA00] =	vst v63  }
0x2a: {  	_ =	swait.ge [sflag:s16], $0x4000  }
0x2b: {  	[sflag:s16] =	ssyncset.done $0x0  }
0x2c: {  	[sflag:s16] =	ssyncadd.s32 $0xFFFFC000  }
0x2d: {  	[spmem:s13] =	stream.linear.scatter [tilespmem:s17], [sflag:$0x2], $0x4000, $0x38;
	[tilespmem:$0x1EA00] =	vst v63  }
0x2e: {  	_ =	swait.ge [sflag:s16], $0x4000  }
0x2f: {  	[sflag:s16] =	ssyncset.done $0x0  }
0x30: {  	[sflag:s16] =	ssyncadd.s32 $0xFFFFC000  }
0x31: {  	[spmem:s14] =	stream.linear.scatter [tilespmem:s17], [sflag:$0x2], $0x4000, $0x38;
	[tilespmem:$0x1EA00] =	vst v63  }
0x32: {  	_ =	swait.ge [sflag:s16], $0x4000  }
0x33: {  	[sflag:s16] =	ssyncset.done $0x0  }
0x34: {  	[sflag:s16] =	ssyncadd.s32 $0xFFFFC000  }
0x35: {  	[spmem:s15] =	stream.linear.scatter [tilespmem:s17], [sflag:$0x2], $0x4000, $0x38;
	[tilespmem:$0x1EA00] =	vst v63  }
0x36: {  	_ =	swait.ge [sflag:s16], $0x4000  }
0x37: {  	[sflag:s16] =	ssyncset.done $0x0  }
0x38: {  	[sflag:s16] =	ssyncadd.s32 $0xFFFFC000  }
0x39: {  	s25 =	simm.s32 $0x0;
	[bflag:$0x0] =	sbarrier.arrive $0xFFFF  }
0x3a: {  	[tilespmem:s18], [sflag:$0x2] =	stream.linear.gather [hbm4b:s9+s25], $0x80, $0x38;
	[tilespmem:$0x1EA00] =	vst v63  }
0x3b: {  	_ =	swait.ge [sflag:s16], $0x80  }
0x3c: {  	[sflag:s16] =	ssyncset.done $0x0  }
0x3d: {  	[sflag:s16] =	ssyncadd.s32 $0xFFFFFF80  }
0x3e: {  	v1 =	vld [tilespmem:$0x2800]  }
0x3f: {  	v2 =	vld [tilespmem:$0x0]  }
0x40: {  	v3 =	vld [tilespmem:$0x2810]  }
0x41: {  	v4 =	vld [tilespmem:$0x10]  }
0x42: {  	v5 =	vld [tilespmem:$0x2820]  }
0x43: {  	v6 =	vld [tilespmem:$0x20]  }
0x44: {  	v7 =	vld [tilespmem:$0x2830]  }
0x45: {  	v8 =	vld [tilespmem:$0x30]  }
0x46: {  	v9 =	vld [tilespmem:$0x2840]  }
0x47: {  	v10 =	vld [tilespmem:$0x40]  }
0x48: {  	v11 =	vld [tilespmem:$0x2850]  }
0x49: {  	v12 =	vld [tilespmem:$0x50]  }
0x4a: {  	v13 =	vld [tilespmem:$0x2860]  }
0x4b: {  	v63 =	vld [tilespmem:$0x2870];
	vm0 =	veq.s32 v1, v2  }
0x4c: {  	v2 =	vld [tilespmem:$0x60];
	vm9 =	veq.s32 v3, v4;
	v1 =	vsel vm0, $0x2710, v1  }
0x4d: {  	vm10 =	veq.s32 v5, v6;
	[tilespmem:$0x2880] =	vst v1;
	v1 =	vsel vm9, $0x2710, v3;
	v3 =	vld [tilespmem:$0x70]  }
0x4e: {  	vm11 =	veq.s32 v7, v8;
	[tilespmem:$0x2890] =	vst v1;
	v1 =	vsel vm10, $0x2710, v5  }
0x4f: {  	vm12 =	veq.s32 v9, v10;
	[tilespmem:$0x28A0] =	vst v1;
	v1 =	vsel vm11, $0x2710, v7  }
0x50: {  	vm13 =	veq.s32 v11, v12;
	[tilespmem:$0x28B0] =	vst v1;
	v1 =	vsel vm12, $0x2710, v9  }
0x51: {  	vm14 =	veq.s32 v13, v2;
	[tilespmem:$0x28C0] =	vst v1;
	v1 =	vsel vm13, $0x2710, v11  }
0x52: {  	s24 =	simm.s32 $0x80;
	p0 =	por $0x0, $0x0;
	[tilespmem:$0x28D0] =	vst v1;
	v1 =	vsel vm14, $0x2710, v13;
	vm15 =	veq.s32 v63, v3  }
0x53: {  	s26 =	sand.u32 @!p0 $0x7C00, s24;
	[tilespmem:$0x28E0] =	vst v1;
	v1 =	vsel vm15, $0x2710, v63  }
0x54: {  	s28 =	sand.u32 @!p0 $0x380, s24;
	s26 =	sadd.s32 @!p0 s4, s26;
	[tilespmem:$0x28F0] =	vst v1  }
0x55: {  	[tilespmem:s17], [sflag:$0x1] =	stream.indirect.gather [hbm4b:s6+s24], $0x80, s19, s24, $0xb8;
	[tilespmem:$0x1EA00] =	vst v63  }
0x56: {  	s29 =	simm.s32 @!p0 $0x2800;
	s26 =	sor.u32 @!p0 s28, s26;
	_ =	swait.ge [sflag:s20], $0x4000  }
0x57: {  	s30 =	simm.s32 @!p0 $0x0;
	s26 =	sshrl.u32 @!p0 s26, $0x3;
	[sflag:s20] =	ssyncset.done $0x0  }
0x58: {  	s28 =	simm.s32 @!p0 $0x2;
	s26 =	sadd.s32 @!p0 s2, s26;
	[sflag:s20] =	ssyncadd.s32 $0xFFFFC000  }
0x59: {  	[tilespmem:s29], [sflag:$0x2] =	stream.linear.gather @!p0 [hbm4b:s26+s30], $0x80, $0x38;
	[tilespmem:$0x1EA00] =	vst v63  }
0x5a: {  	_ =	swait.ge @!p0 [sflag:s28], $0x80  }
0x5b: {  	[sflag:s28] =	ssyncset.done @!p0 $0x0  }
0x5c: {  	[sflag:s28] =	ssyncadd.s32 @!p0 $0xFFFFFF80  }
0x5d: {  	v1 =	vld @!p0 [tilespmem:$0x2800]  }
0x5e: {  	v2 =	vld @!p0 [tilespmem:s24+$0x0];
	_ =	sdelay $0x3  }
0x5f: {  	s25 =	sand.u32 $0x1, s25  }
0x60: {  	s26 =	sxor.u32 @!p0 $0x1, s25;
	vm0 =	veq.s32 @!p0 v1, v2  }
0x61: {  	s28 =	sshll.u32 @!p0 s26, $0x7;
	v1 =	vsel @!p0 vm0, $0x2710, v1  }
0x62: {  	[tilespmem:s28+$0x2880] =	vst @!p0 v1  }
0x63: {  	v1 =	vld @!p0 [tilespmem:$0x2810]  }
0x64: {  	v2 =	vld @!p0 [tilespmem:s24+$0x10];
	_ =	sdelay $0x4  }
0x65: {  	vm0 =	veq.s32 @!p0 v1, v2  }
0x66: {  	v1 =	vsel @!p0 vm0, $0x2710, v1  }
0x67: {  	[tilespmem:s28+$0x2890] =	vst @!p0 v1  }
0x68: {  	v1 =	vld @!p0 [tilespmem:$0x2820]  }
0x69: {  	v2 =	vld @!p0 [tilespmem:s24+$0x20];
	_ =	sdelay $0x4  }
0x6a: {  	vm0 =	veq.s32 @!p0 v1, v2  }
0x6b: {  	v1 =	vsel @!p0 vm0, $0x2710, v1  }
0x6c: {  	[tilespmem:s28+$0x28A0] =	vst @!p0 v1  }
0x6d: {  	v1 =	vld @!p0 [tilespmem:$0x2830]  }
0x6e: {  	v2 =	vld @!p0 [tilespmem:s24+$0x30];
	_ =	sdelay $0x4  }
0x6f: {  	vm0 =	veq.s32 @!p0 v1, v2  }
0x70: {  	v1 =	vsel @!p0 vm0, $0x2710, v1  }
0x71: {  	[tilespmem:s28+$0x28B0] =	vst @!p0 v1  }
0x72: {  	v1 =	vld @!p0 [tilespmem:$0x2840]  }
0x73: {  	v2 =	vld @!p0 [tilespmem:s24+$0x40];
	_ =	sdelay $0x4  }
0x74: {  	vm0 =	veq.s32 @!p0 v1, v2  }
0x75: {  	v1 =	vsel @!p0 vm0, $0x2710, v1  }
0x76: {  	[tilespmem:s28+$0x28C0] =	vst @!p0 v1  }
0x77: {  	v1 =	vld @!p0 [tilespmem:$0x2850]  }
0x78: {  	v2 =	vld @!p0 [tilespmem:s24+$0x50];
	_ =	sdelay $0x4  }
0x79: {  	vm0 =	veq.s32 @!p0 v1, v2  }
0x7a: {  	v1 =	vsel @!p0 vm0, $0x2710, v1  }
0x7b: {  	[tilespmem:s28+$0x28D0] =	vst @!p0 v1  }
0x7c: {  	v1 =	vld @!p0 [tilespmem:$0x2860]  }
0x7d: {  	v2 =	vld @!p0 [tilespmem:s24+$0x60];
	_ =	sdelay $0x4  }
0x7e: {  	vm0 =	veq.s32 @!p0 v1, v2  }
0x7f: {  	v1 =	vsel @!p0 vm0, $0x2710, v1  }
0x80: {  	[tilespmem:s28+$0x28E0] =	vst @!p0 v1  }
0x81: {  	v1 =	vld @!p0 [tilespmem:$0x2870]  }
0x82: {  	v2 =	vld @!p0 [tilespmem:s24+$0x70];
	_ =	sdelay $0x4  }
0x83: {  	vm0 =	veq.s32 @!p0 v1, v2  }
0x84: {  	s26 =	sshll.u32 @!p0 s26, $0xE;
	v1 =	vsel @!p0 vm0, $0x2710, v1  }
0x85: {  	s30 =	simm.s32 @!p0 $0x80;
	s26 =	sor.u32 @!p0 $0x2A00, s26;
	s29 =	sadd.s32 @!p0 $0x2880, s28;
	[tilespmem:s28+$0x28F0] =	vst @!p0 v1  }
0x86: {  	[tilespmem:s26], [sflag:$0x1] =	stream.indirect.gather @!p0 [hbm4b:s6+s30], $0x80, s29, s30, $0xb8;
	[tilespmem:$0x1EA00] =	vst v63  }
0x87: {  	v1 =	vld [tilespmem:s24+$0xFFFFFF80];
	_ =	sdelay $0x4  }
0x88: {  	[tilespmem:$0x2980] =	vst v1  }
0x89: {  	v1 =	vld [tilespmem:s24+$0xFFFFFF90];
	_ =	sdelay $0x4  }
0x8a: {  	[tilespmem:$0x2990] =	vst v1  }
0x8b: {  	v1 =	vld [tilespmem:s24+$0xFFFFFFA0];
	_ =	sdelay $0x4  }
0x8c: {  	[tilespmem:$0x29A0] =	vst v1  }
0x8d: {  	v1 =	vld [tilespmem:s24+$0xFFFFFFB0];
	_ =	sdelay $0x4  }
0x8e: {  	[tilespmem:$0x29B0] =	vst v1  }
0x8f: {  	v1 =	vld [tilespmem:s24+$0xFFFFFFC0];
	_ =	sdelay $0x4  }
0x90: {  	[tilespmem:$0x29C0] =	vst v1  }
0x91: {  	v1 =	vld [tilespmem:s24+$0xFFFFFFD0];
	_ =	sdelay $0x4  }
0x92: {  	[tilespmem:$0x29D0] =	vst v1  }
0x93: {  	v1 =	vld [tilespmem:s24+$0xFFFFFFE0];
	_ =	sdelay $0x4  }
0x94: {  	s31 =	sshll.u32 s25, $0xE;
	[tilespmem:$0x29E0] =	vst v1  }
0x95: {  	s25 =	simm.s32 $0x1;
	s28 =	sor.u32 $0x2A00, s31;
	s26 =	simm.s32 $0x80;
	v1 =	vld [tilespmem:s24+$0xFFFFFFF0]  }
.LBB2_4:
0x96: {  	s24 =	sadd.s32 $0x80, s24  }
0x97: {  	s26 =	sadd.s32 $0x80, s26;
	s29 =	smov.u32 s25;
	s25 =	sadd.s32 $0x1, s25  }
0x98: {  	p0 =	sne.s32 s25, $0x4F;
	_ =	sdelay $0x2  }
0x99: {  	[tilespmem:$0x29F0] =	vst v1  }
0x9a: {  	[spmem:s3] =	stream.indirect.scatter.add.f32 [tilespmem:s28], [sflag:$0x2], $0x80, s22, s21, $0xb8;
	[tilespmem:$0x1EA00] =	vst v63  }
0x9b: {  	p1 =	seq.s32 s29, $0x4E;
	s28 =	sand.u32 $0x1, s29;
	_ =	swait.ge [sflag:s16], $0x4000  }
0x9c: {  	s29 =	sand.u32 @!p1 $0x7C00, s24;
	s30 =	sxor.u32 @!p1 $0x1, s28;
	[sflag:s16] =	ssyncset.done $0x0  }
0x9d: {  	s31 =	sand.u32 @!p1 $0x380, s24;
	s29 =	sadd.s32 @!p1 s4, s29;
	[sflag:s16] =	ssyncadd.s32 $0xFFFFC000  }
0x9e: {  	s29 =	sor.u32 @!p1 s31, s29;
	s31 =	simm.s32 @!p1 $0x2;
	_ =	swait.ge [sflag:s20], $0x4000  }
0x9f: {  	s1 =	simm.s32 @!p1 $0x2800;
	s29 =	sshrl.u32 @!p1 s29, $0x3;
	[sflag:s20] =	ssyncset.done $0x0  }
0xa0: {  	s5 =	simm.s32 @!p1 $0x0;
	s29 =	sadd.s32 @!p1 s2, s29;
	[sflag:s20] =	ssyncadd.s32 $0xFFFFC000  }
0xa1: {  	[tilespmem:s1], [sflag:$0x2] =	stream.linear.gather @!p1 [hbm4b:s29+s5], $0x80, $0x38;
	[tilespmem:$0x1EA00] =	vst v63  }
0xa2: {  	s28 =	sshll.u32 s28, $0xE;
	s1 =	sshll.u32 @!p1 s30, $0xE;
	_ =	swait.ge @!p1 [sflag:s31], $0x80  }
0xa3: {  	s29 =	sor.u32 @!p1 $0x2A00, s1;
	[sflag:s31] =	ssyncset.done @!p1 $0x0  }
0xa4: {  	[sflag:s31] =	ssyncadd.s32 @!p1 $0xFFFFFF80  }
0xa5: {  	v1 =	vld @!p1 [tilespmem:$0x2800]  }
0xa6: {  	v2 =	vld @!p1 [tilespmem:s26+$0x0];
	_ =	sdelay $0x4  }
0xa7: {  	s30 =	sshll.u32 @!p1 s30, $0x7;
	vm0 =	veq.s32 @!p1 v1, v2  }
0xa8: {  	s31 =	sadd.s32 @!p1 $0x2880, s30;
	v1 =	vsel @!p1 vm0, $0x2710, v1  }
0xa9: {  	[tilespmem:s30+$0x2880] =	vst @!p1 v1  }
0xaa: {  	v1 =	vld @!p1 [tilespmem:$0x2810]  }
0xab: {  	v2 =	vld @!p1 [tilespmem:s26+$0x10];
	_ =	sdelay $0x4  }
0xac: {  	vm0 =	veq.s32 @!p1 v1, v2  }
0xad: {  	v1 =	vsel @!p1 vm0, $0x2710, v1  }
0xae: {  	[tilespmem:s30+$0x2890] =	vst @!p1 v1  }
0xaf: {  	v1 =	vld @!p1 [tilespmem:$0x2820]  }
0xb0: {  	v2 =	vld @!p1 [tilespmem:s26+$0x20];
	_ =	sdelay $0x4  }
0xb1: {  	vm0 =	veq.s32 @!p1 v1, v2  }
0xb2: {  	v1 =	vsel @!p1 vm0, $0x2710, v1  }
0xb3: {  	[tilespmem:s30+$0x28A0] =	vst @!p1 v1  }
0xb4: {  	v1 =	vld @!p1 [tilespmem:$0x2830]  }
0xb5: {  	v2 =	vld @!p1 [tilespmem:s26+$0x30];
	_ =	sdelay $0x4  }
0xb6: {  	vm0 =	veq.s32 @!p1 v1, v2  }
0xb7: {  	v1 =	vsel @!p1 vm0, $0x2710, v1  }
0xb8: {  	[tilespmem:s30+$0x28B0] =	vst @!p1 v1  }
0xb9: {  	v1 =	vld @!p1 [tilespmem:$0x2840]  }
0xba: {  	v2 =	vld @!p1 [tilespmem:s26+$0x40];
	_ =	sdelay $0x4  }
0xbb: {  	vm0 =	veq.s32 @!p1 v1, v2  }
0xbc: {  	v1 =	vsel @!p1 vm0, $0x2710, v1  }
0xbd: {  	[tilespmem:s30+$0x28C0] =	vst @!p1 v1  }
0xbe: {  	v1 =	vld @!p1 [tilespmem:$0x2850]  }
0xbf: {  	v2 =	vld @!p1 [tilespmem:s26+$0x50];
	_ =	sdelay $0x4  }
0xc0: {  	vm0 =	veq.s32 @!p1 v1, v2  }
0xc1: {  	v1 =	vsel @!p1 vm0, $0x2710, v1  }
0xc2: {  	[tilespmem:s30+$0x28D0] =	vst @!p1 v1  }
0xc3: {  	v1 =	vld @!p1 [tilespmem:$0x2860]  }
0xc4: {  	v2 =	vld @!p1 [tilespmem:s26+$0x60];
	_ =	sdelay $0x4  }
0xc5: {  	vm0 =	veq.s32 @!p1 v1, v2  }
0xc6: {  	v1 =	vsel @!p1 vm0, $0x2710, v1  }
0xc7: {  	[tilespmem:s30+$0x28E0] =	vst @!p1 v1  }
0xc8: {  	s1 =	simm.s32 @!p1 $0x80;
	v1 =	vld @!p1 [tilespmem:$0x2870]  }
0xc9: {  	v2 =	vld @!p1 [tilespmem:s26+$0x70];
	_ =	sdelay $0x4  }
0xca: {  	vm0 =	veq.s32 @!p1 v1, v2  }
0xcb: {  	v1 =	vsel @!p1 vm0, $0x2710, v1  }
0xcc: {  	[tilespmem:s30+$0x28F0] =	vst @!p1 v1  }
0xcd: {  	[tilespmem:s29], [sflag:$0x1] =	stream.indirect.gather @!p1 [hbm4b:s6+s1], $0x80, s31, s1, $0xb8;
	[tilespmem:$0x1EA00] =	vst v63  }
0xce: {  	v1 =	vld [tilespmem:s26+$0xFFFFFF80];
	_ =	sdelay $0x4  }
0xcf: {  	[tilespmem:$0x2980] =	vst v1  }
0xd0: {  	v1 =	vld [tilespmem:s26+$0xFFFFFF90];
	_ =	sdelay $0x4  }
0xd1: {  	[tilespmem:$0x2990] =	vst v1  }
0xd2: {  	v1 =	vld [tilespmem:s26+$0xFFFFFFA0];
	_ =	sdelay $0x4  }
0xd3: {  	[tilespmem:$0x29A0] =	vst v1  }
0xd4: {  	v1 =	vld [tilespmem:s26+$0xFFFFFFB0];
	_ =	sdelay $0x4  }
0xd5: {  	[tilespmem:$0x29B0] =	vst v1  }
0xd6: {  	v1 =	vld [tilespmem:s26+$0xFFFFFFC0];
	_ =	sdelay $0x4  }
0xd7: {  	[tilespmem:$0x29C0] =	vst v1  }
0xd8: {  	v1 =	vld [tilespmem:s26+$0xFFFFFFD0];
	_ =	sdelay $0x4  }
0xd9: {  	[tilespmem:$0x29D0] =	vst v1  }
0xda: {  	v1 =	vld [tilespmem:s26+$0xFFFFFFE0];
	_ =	sdelay $0x1  }
.Ltmp1:
0xdb: {  	(pc) =	sbr.rel @p0 .LBB2_4-.Ltmp1, $3  }
0xdc: {  	s28 =	sor.u32 $0x2A00, s28;
	_ =	sdelay $0x1  }
0xdd: {  	[tilespmem:$0x29E0] =	vst v1  }
0xde: {  	v1 =	vld [tilespmem:s26+$0xFFFFFFF0]  }
0xdf: {  	_ =	sdelay $0x3  }
0xe0: {  	[tilespmem:$0x29F0] =	vst v1  }
0xe1: {  	[spmem:s3] =	stream.indirect.scatter.add.f32 [tilespmem:s28], [sflag:$0x2], $0x80, s22, s21, $0xb8;
	[tilespmem:$0x1EA00] =	vst v63  }
0xe2: {  	_ =	swait.ge [sflag:s16], $0x4000  }
0xe3: {  	s1 =	sshll.u32 s0, $0x6;
	s23 =	sadd.s32 $0x1, s23;
	[sflag:s16] =	ssyncset.done $0x0  }
0xe4: {  	s5 =	sshrl.u32 s8, $0x3;
	p0 =	sne.s32 s23, s11;
	[sflag:s16] =	ssyncadd.s32 $0xFFFFC000  }
.Ltmp2:
0xe5: {  	s1 =	sor.u32 $0x1C02, s1;
	[bflag:$0x0] =	sbarrier.arrive $0xFFFF;
	(pc) =	sbr.rel @p0 .LBB2_1-.Ltmp2, $4  }
0xe6: {  	[hbm:s10], [sflag:s1] =	dma.local [spmem:s5], $0x2800  }
0xe7: {  	_ =	swait.ge [sflag:s16], $0x2800  }
0xe8: {  	[sflag:s16] =	ssyncset.done $0x0  }
0xe9: {  	[sflag:s16] =	ssyncadd.s32 $0xFFFFD800  }
0xea: {  	_ =	sfence.sel $0x180000  }
0xeb: {  	[bflag:$0x0] =	sbarrier.arrive $0xFFFF  }
0xec: {  	_ =	strace $0x9000004D  }
0xed: {  	[bflag:$0x2] =	sbarrier.arrive $0xFFFF  }
0xee: {  	p0 =	sne.s32 s0, $0x0;
	s0 =	rddreg [dreg:$0x3]  }
0xef: {  	s0 =	sadd.s32 @!p0 $0x100000, s0  }
0xf0: {  	[sflag:s0] =	ssyncadd.tile.s32 @!p0 $0x1;
	_ =	shalt  }
.Lfunc_end2:
_tile_overlayer_lowered:
.L_overlay_start_2:
0xf1: {  	(tag) =	ssettag $0x2  }
0xf2: {  	s0 =	rddreg [dreg:$0x0];
	s2 =	stileid.u32  }
0xf3: {  	s1 =	rddreg [dreg:$0x1];
	p0 =	sne.s32 s2, $0x0  }
0xf4: {  	s3 =	rddreg [dreg:$0x2];
	[bflag:$0x3] =	sbarrier.arrive $0xFFFF;
	s2 =	simm.s32 @!p0 $0x1C02  }
0xf5: {  	[timem:s3], [sflag:s2] =	dma.local @!p0 [hbm:s0], s1  }
0xf6: {  	s0 =	simm.s32 @!p0 $0x2  }
0xf7: {  	_ =	swait.ge @!p0 [sflag:s0], s1  }
0xf8: {  	s1 =	ssub.s32 @!p0 $0x0, s1;
	[sflag:s0] =	ssyncset.done @!p0 $0x0  }
0xf9: {  	[sflag:s0] =	ssyncadd.s32 @!p0 s1  }
0xfa: {  	[bflag:$0x3] =	sbarrier.arrive $0xFFFF  }
0xfb: {  	_ =	shalt  }

// kernel: kernel.9.cloned.1.call-start
scs
__scs_entry_jumppad:
0x0: {  	(pc) =	sbr.rel $0x88, $3  }
0x1: {  	(tag) =	ssettag $0x0;
	lr =	simm.s32 $0x1  }
0x2: {  	[smem:$0x3F9B] =	sst lr;
	_ =	strace $0xD0000000  }
0x3: {  	_ = 	snop  }
0x4: {  	_ = 	snop  }
0x5: {  	_ = 	snop  }
0x6: {  	_ = 	snop  }
0x7: {  	_ = 	snop  }
__scs_overlays_trampoline_lowered:
0x8: {  	[smem:$0x3FAA] =	sst s0  }
0x9: {  	[smem:$0x3FAB] =	sst s1  }
0xa: {  	[smem:$0x3FAC] =	sst s2  }
0xb: {  	[smem:$0x3FAD] =	sst s3  }
0xc: {  	[smem:$0x3FAE] =	sst s4  }
0xd: {  	[smem:$0x3FAF] =	sst s5  }
0xe: {  	[smem:$0x3FB0] =	sst s6  }
0xf: {  	[smem:$0x3FB1] =	sst s7  }
0x10: {  	[smem:$0x3FB2] =	sst s8  }
0x11: {  	[smem:$0x3FB3] =	sst s9;
	s0 =	simm.s32 @!p0 $0x0  }
0x12: {  	s1 =	sld [smem:$0x3F99];
	s0 =	simm.s32 @p0 $0x1  }
0x13: {  	[smem:$0x3FB4] =	sst s0;
	s0 =	simm.s32 @!p1 $0x0  }
0x14: {  	s2 =	sld [smem:$0x3F98];
	s0 =	simm.s32 @p1 $0x1  }
0x15: {  	[smem:$0x3FB5] =	sst s0;
	s0 =	simm.s32 @!p2 $0x0  }
0x16: {  	s3 =	sld [smem:$0x3FDB];
	s0 =	simm.s32 @p2 $0x1  }
0x17: {  	s4 =	simm.s32 $0x1BF5;
	[smem:$0x3FB7] =	sst s0  }
0x18: {  	s0 =	sld [smem:$0x3F9A];
	_ =	swait.ge [sflag:s4], $0x0  }
0x19: {  	s7 =	sld [smem:$0x3F9B]  }
0x1a: {  	s8 =	sadd.s32 $0xFFFFE003, lr  }
0x1b: {  	s9 =	sadd.s32 $0xFFFFFEF7, lr;
	s5 =	simm.s32 $0xFFFFFFFF;
	p2 =	slt.u32 s8, $0xFFFFF086  }
0x1c: {  	p1 =	slt.u32 s9, $0xF7A;
	s5 =	simm.s32 @!p2 $0x0  }
0x1d: {  	s5 =	simm.s32 @p1 $0x1;
	p0 =	seq.s32 s7, s2  }
0x1e: {  	s7 =	smul.u32 @!p0 $0xF7A, s2;
	p2 =	seq.s32 @!p0 s5, $0x0  }
0x1f: {  	s9 =	smul.u32 $0xF7A, s1;
	s8 =	simm.s32 @!p0 $0x1BF5;
	p2 =	por !p2, p0  }
0x20: {  	[sflag:s8] =	ssyncset.s32 @!p0 $0xFFFFF086;
	s6 =	sadd.s32 @!p0 s3, s7;
	s7 =	simm.s32 @!p0 $0x108  }
0x21: {  	s3 =	sadd.s32 s3, s9;
	s6 =	sadd.s32 @!p0 $0x88, s6;
	s7 =	simm.s32 @p2 $0x1082  }
0x22: {  	[simem:s7], [sflag:s8] =	dma.local @!p0 [hbm:s6], $0xF7A  }
0x23: {  	s9 =	sor.u32 $0xD0000000, s2;
	s6 =	simm.s32 $0x108;
	_ =	swait.ge @!p0 [sflag:s8], $0x0  }
0x24: {  	s3 =	sadd.s32 $0x88, s3;
	s6 =	simm.s32 @!p1 $0x1082;
	[sflag:s4] =	ssyncset.s32 $0xFFFFF086  }
0x25: {  	[simem:s6], [sflag:s4] =	dma.local [hbm:s3], $0xF7A  }
0x26: {  	[smem:$0x3F9B] =	sst s1;
	(tag) =	ssettag s2;
	_ =	strace s9  }
0x27: {  	s1 =	sld [smem:$0x3FAB]  }
0x28: {  	s2 =	sld [smem:$0x3FAC]  }
0x29: {  	s4 =	sld [smem:$0x3FAE]  }
0x2a: {  	p0 =	seq.s32 s5, $0x0;
	s5 =	sld [smem:$0x3FAF]  }
0x2b: {  	s6 =	sld [smem:$0x3FB0]  }
0x2c: {  	s7 =	sld [smem:$0x3FB1]  }
0x2d: {  	s3 =	simm.s32 $0x108;
	s8 =	sld [smem:$0x3FB2]  }
0x2e: {  	s3 =	simm.s32 @!p0 $0x1082;
	s9 =	sld [smem:$0x3FB3]  }
0x2f: {  	lr =	sadd.s32 s0, s3;
	s0 =	sld [smem:$0x3FAA]  }
0x30: {  	s3 =	sld [smem:$0x3FAD]  }
0x31: {  	[smem:$0x3FB6] =	sst s10  }
0x32: {  	s10 =	sld [smem:$0x3FB4];
	_ =	sdelay $0x3  }
0x33: {  	p0 =	seq.s32 s10, $0x1;
	s10 =	sld [smem:$0x3FB6];
	_ =	sdelay $0x3  }
0x34: {  	[smem:$0x3FB6] =	sst s10  }
0x35: {  	s10 =	sld [smem:$0x3FB5];
	_ =	sdelay $0x3  }
0x36: {  	p1 =	seq.s32 s10, $0x1;
	s10 =	sld [smem:$0x3FB6];
	_ =	sdelay $0x3  }
0x37: {  	[smem:$0x3FB6] =	sst s10  }
0x38: {  	s10 =	sld [smem:$0x3FB7]  }
0x39: {  	_ = 	snop;
	(pc) =	sbr.ind lr, $3  }
0x3a: {  	_ = 	snop  }
0x3b: {  	_ = 	snop  }
0x3c: {  	p2 =	seq.s32 s10, $0x1;
	s10 =	sld [smem:$0x3FB6]  }
0x3d: {  	_ =	shalt  }
0x3e: {  	_ =	shalt  }
0x3f: {  	_ =	shalt  }
0x40: {  	_ =	shalt  }
0x41: {  	_ =	shalt  }
0x42: {  	_ =	shalt  }
0x43: {  	_ =	shalt  }
0x44: {  	_ =	shalt  }
0x45: {  	_ =	shalt  }
0x46: {  	_ =	shalt  }
0x47: {  	_ =	shalt  }
0x48: {  	_ =	shalt  }
0x49: {  	_ =	shalt  }
0x4a: {  	_ =	shalt  }
0x4b: {  	_ =	shalt  }
0x4c: {  	_ =	shalt  }
0x4d: {  	_ =	shalt  }
0x4e: {  	_ =	shalt  }
0x4f: {  	_ =	shalt  }
0x50: {  	_ =	shalt  }
0x51: {  	_ =	shalt  }
0x52: {  	_ =	shalt  }
0x53: {  	_ =	shalt  }
0x54: {  	_ =	shalt  }
0x55: {  	_ =	shalt  }
0x56: {  	_ =	shalt  }
0x57: {  	_ =	shalt  }
0x58: {  	_ =	shalt  }
0x59: {  	_ =	shalt  }
0x5a: {  	_ =	shalt  }
0x5b: {  	_ =	shalt  }
0x5c: {  	_ =	shalt  }
0x5d: {  	_ =	shalt  }
0x5e: {  	_ =	shalt  }
0x5f: {  	_ =	shalt  }
0x60: {  	_ =	shalt  }
0x61: {  	_ =	shalt  }
0x62: {  	_ =	shalt  }
0x63: {  	_ =	shalt  }
0x64: {  	_ =	shalt  }
0x65: {  	_ =	shalt  }
0x66: {  	_ =	shalt  }
0x67: {  	_ =	shalt  }
0x68: {  	_ =	shalt  }
0x69: {  	_ =	shalt  }
0x6a: {  	_ =	shalt  }
0x6b: {  	_ =	shalt  }
0x6c: {  	_ =	shalt  }
0x6d: {  	_ =	shalt  }
0x6e: {  	_ =	shalt  }
0x6f: {  	_ =	shalt  }
0x70: {  	_ =	shalt  }
0x71: {  	_ =	shalt  }
0x72: {  	_ =	shalt  }
0x73: {  	_ =	shalt  }
0x74: {  	_ =	shalt  }
0x75: {  	_ =	shalt  }
0x76: {  	_ =	shalt  }
0x77: {  	_ =	shalt  }
0x78: {  	_ =	shalt  }
0x79: {  	_ =	shalt  }
0x7a: {  	_ =	shalt  }
0x7b: {  	_ =	shalt  }
0x7c: {  	_ =	shalt  }
0x7d: {  	_ =	shalt  }
0x7e: {  	_ =	shalt  }
0x7f: {  	_ =	shalt  }
0x80: {  	_ =	shalt  }
0x81: {  	_ =	shalt  }
0x82: {  	_ =	shalt  }
0x83: {  	_ =	shalt  }
0x84: {  	_ =	shalt  }
0x85: {  	_ =	shalt  }
0x86: {  	_ =	shalt  }
0x87: {  	_ =	shalt  }
.Lfunc_end0:
.L_simem_size_0:
called_computation_lowered:
.L_overlay_start_0:
0x88: {  	s2 =	sld [smem:$0x3FD9]  }
0x89: {  	s3 =	sld [smem:$0x3FFE];
	_ =	sdelay $0x1  }
0x8a: {  	s1 =	srdreg.scid  }
0x8b: {  	s0 =	sand.u32 $0x1, s1  }
0x8c: {  	s17 =	sshll.u32 s0, $0xA;
	s2 =	sadd.s32 s3, s2  }
0x8d: {  	s2 =	sadd.s32 s2, s17  }
0x8e: {  	[smem:$0x3FC2] =	sst s2  }
0x8f: {  	_ = 	snop  }
0x90: {  	s2 =	sld [smem:$0x3FD0];
	(tm) =	ssettm $0x1  }
0x91: {  	s18 =	sld [smem:$0x3FFB];
	_ =	sdelay $0x3  }
0x92: {  	_ =	strace s18  }
0x93: {  	s3 =	sld [smem:$0x3FFC];
	_ =	sdelay $0x3  }
0x94: {  	_ =	strace s3  }
0x95: {  	s3 =	sld [smem:$0x3FFD];
	_ =	sdelay $0x3  }
0x96: {  	_ =	strace s3  }
0x97: {  	_ =	strace $0x8FFFFFFF  }
0x98: {  	s19 =	sld [smem:$0x3FDB];
	_ =	sdelay $0x1  }
0x99: {  	s4 =	simm.s32 $_scs_section_size  }
0x9a: {  	s5 =	simm.s32 $_size__tile_overlayer_lowered;
	s6 =	simm.s32 $_tile_overlayer_lowered  }
0x9b: {  	s22 =	simm.s32 $0x1BFF;
	s21 =	sshll.u32 s6, $0x1;
	s3 =	sadd.s32 s4, s19  }
0x9c: {  	s7 =	simm.s32 $0x0;
	s20 =	sshll.u32 s5, $0x1;
	s5 =	sadd.s32 s21, s3  }
0x9d: {  	[timem:s7], [sflag:s22] =	dma.local [hbm:s5], s20  }
0x9e: {  	_ =	swait.ge [sflag:s22], s20  }
0x9f: {  	s4 =	ssub.s32 $0x0, s20;
	[sflag:s22] =	ssyncset.done $0x0  }
0xa0: {  	[sflag:s22] =	ssyncadd.s32 s4;
	_ =	sdelay $0x1  }
0xa1: {  	s23 =	simm.s32 $0x1B8B  }
0xa2: {  	_ =	swait.ge [sflag:s23], $0x1  }
0xa3: {  	[sflag:s23] =	ssyncset.done $0x0  }
0xa4: {  	s25 =	simm.s32 $0x1B8E;
	s24 =	sld [smem:$0x3FFE];
	[sflag:s23] =	ssyncadd.s32 $0xFFFFFFFF  }
0xa5: {  	s26 =	simm.s32 $execute0_lowered;
	[smem:$0x3FD2] =	sst s25  }
0xa6: {  	s5 =	sshll.u32 s26, $0x1;
	_ =	strace $0x80000046;
	[dreg:$0x1] =	wrdreg $0xFFFFFFFF  }
0xa7: {  	s28 =	simm.s32 $_size_execute0_lowered;
	s3 =	sadd.s32 s3, s5;
	[dreg:$0x0] =	wrdreg $0x0  }
0xa8: {  	s5 =	sshll.u32 s28, $0x1;
	[dreg:$0x2] =	wrdreg s3  }
0xa9: {  	[dreg:$0x3] =	wrdreg s5  }
0xaa: {  	[dreg:$0x4] =	wrdreg $0xC0  }
0xab: {  	_ =	task [dreg:s7], $0x5FFFF  }
0xac: {  	[dreg:$0x1] =	wrdreg $0xFFFFFFFF  }
0xad: {  	[dreg:$0x0] =	wrdreg $0x60  }
0xae: {  	[dreg:$0x2] =	wrdreg s2  }
0xaf: {  	[dreg:$0x3] =	wrdreg s24  }
0xb0: {  	[dreg:$0x4] =	wrdreg $0x4800  }
0xb1: {  	[dreg:$0x5] =	wrdreg $0x9  }
0xb2: {  	_ =	task.clear_ibuf [dreg:s7], $0x6FFFF;
	_ =	strace $0x90000046  }
0xb3: {  	s29 =	simm.s32 $0x9;
	_ =	strace $0x80000048  }
0xb4: {  	_ =	swait.ge [sflag:s29], $0x1  }
0xb5: {  	[sflag:s29] =	ssyncadd.s32 $0xFFFFFFFF  }
0xb6: {  	_ =	strace $0x90000048  }
0xb7: {  	_ =	sfence  }
0xb8: {  	s30 =	sld [smem:$0x0];
	_ =	sdelay $0x2  }
0xb9: {  	s31 =	sshll.u32 s1, $0xD;
	s1 =	sshrl.u32 s1, $0x2  }
0xba: {  	s3 =	sand.u32 $0x4000, s31;
	s1 =	sadd.s32 s1, s30  }
0xbb: {  	s0 =	sor.u32 s3, s0;
	s1 =	sshll.u32 s1, $0x11  }
0xbc: {  	s0 =	sor.u32 s1, s0  }
0xbd: {  	s0 =	sadd.s32 $0x8F2B, s0  }
0xbe: {  	[sflag:s0] =	ssyncadd.remote.s32 $0x1  }
0xbf: {  	_ =	sfence.sel $0xFFFF  }
0xc0: {  	[dreg:$0x0] =	wrdreg $0xFFFFFFFF;
	(pc) =	sbr.abs _section_cstart, $3  }
0xc1: {  	[dreg:$0x1] =	wrdreg $0xFFFFFFFF  }
0xc2: {  	_ =	task.clear_ibuf [dreg:s7], $0x2FFFF;
	_ =	strace $0x9FFFFFFF  }
0xc3: {  	(tm) =	ssettm $0x7FFFFFFF  }
tec
execute0_lowered:
.L_overlay_start_1:
0x0: {  	(tag) =	ssettag $0x1  }
0x1: {  	s1 =	rddreg [dreg:$0x0]  }
0x2: {  	s6 =	rddreg [dreg:$0x1];
	s2 =	srdreg.scid  }
0x3: {  	s0 =	stileid.u32;
	s3 =	rddreg [dreg:$0x2];
	s4 =	simm.s32 $0x0  }
0x4: {  	s11 =	simm.s32 $0x300;
	s12 =	simm.s32 $0x380;
	s13 =	simm.s32 $0x80  }
0x5: {  	s14 =	simm.s32 $0x400;
	s15 =	simm.s32 $0x280;
	s18 =	simm.s32 $0x20  }
0x6: {  	s19 =	simm.s32 $0x10;
	s7 =	sand.u32 $0x1, s2;
	s2 =	rddreg [dreg:$0x3]  }
0x7: {  	s20 =	simm.s32 $0x0;
	s5 =	smul.u32 $0x500, s0;
	[smem:$0x7FF] =	sst s4  }
0x8: {  	s9 =	smul.u32 $0xA00, s0;
	s16 =	sshll.u32 s0, $0x6;
	s8 =	sshll.u32 s7, $0x7  }
0x9: {  	_ =	strace $0x80000047;
	s31 =	ssub.s32 $0x2, s7;
	s7 =	sshll.u32 s7, $0x4  }
0xa: {  	s16 =	sor.u32 $0x1C01, s16;
	s5 =	sor.u32 s8, s5;
	s10 =	sshrl.u32 s31, $0x1  }
0xb: {  	s9 =	sshrl.u32 s9, $0x2;
	s7 =	sor.u32 s0, s7;
	s8 =	sshrl.u32 s5, $0x3  }
0xc: {  	s5 =	sadd.s32 $0x2200, s6;
	s10 =	ssub.s32 s31, s10;
	s7 =	smul.u32 $0x2800, s7  }
0xd: {  	s8 =	sadd.s32 s8, s6;
	s6 =	sadd.s32 s9, s3;
	s9 =	smax.u32 s10, $0x1  }
0xe: {  	v0 =	vimm.f32 $0.0e+00;
	v1 =	vimm.f32 $1.000000000e+00;
	s10 =	simm.s32 $0x1;
	s8 =	sadd.s32 $0xC200, s8;
	s17 =	sshrl.u32 s6, $0x3  }
.LBB2_1:
0xf: {  	[tilespmem:$0x0] =	vst v0  }
0x10: {  	[tilespmem:$0x10] =	vst v0  }
0x11: {  	[tilespmem:$0x20] =	vst v0  }
0x12: {  	[tilespmem:$0x30] =	vst v0  }
0x13: {  	[tilespmem:$0x40] =	vst v0  }
0x14: {  	[tilespmem:$0x50] =	vst v0  }
0x15: {  	[tilespmem:$0x60] =	vst v0  }
0x16: {  	[tilespmem:$0x70] =	vst v0  }
0x17: {  	[tilespmem:$0x80] =	vst v0  }
0x18: {  	[tilespmem:$0x90] =	vst v0  }
0x19: {  	[tilespmem:$0xA0] =	vst v0  }
0x1a: {  	[tilespmem:$0xB0] =	vst v0  }
0x1b: {  	[tilespmem:$0xC0] =	vst v0  }
0x1c: {  	[tilespmem:$0xD0] =	vst v0  }
0x1d: {  	[tilespmem:$0xE0] =	vst v0  }
0x1e: {  	[tilespmem:$0xF0] =	vst v0  }
0x1f: {  	[tilespmem:$0x100] =	vst v0  }
0x20: {  	[tilespmem:$0x110] =	vst v0  }
0x21: {  	[tilespmem:$0x120] =	vst v0  }
0x22: {  	[tilespmem:$0x130] =	vst v0  }
0x23: {  	[tilespmem:$0x140] =	vst v0  }
0x24: {  	[tilespmem:$0x150] =	vst v0  }
0x25: {  	[tilespmem:$0x160] =	vst v0  }
0x26: {  	[tilespmem:$0x170] =	vst v0  }
0x27: {  	[tilespmem:$0x180] =	vst v0  }
0x28: {  	[tilespmem:$0x190] =	vst v0  }
0x29: {  	[tilespmem:$0x1A0] =	vst v0  }
0x2a: {  	[tilespmem:$0x1B0] =	vst v0  }
0x2b: {  	[tilespmem:$0x1C0] =	vst v0  }
0x2c: {  	[tilespmem:$0x1D0] =	vst v0  }
0x2d: {  	[tilespmem:$0x1E0] =	vst v0  }
0x2e: {  	[tilespmem:$0x1F0] =	vst v0  }
0x2f: {  	[tilespmem:$0x200] =	vst v0  }
0x30: {  	[tilespmem:$0x210] =	vst v0  }
0x31: {  	[tilespmem:$0x220] =	vst v0  }
0x32: {  	[tilespmem:$0x230] =	vst v0  }
0x33: {  	[tilespmem:$0x240] =	vst v0  }
0x34: {  	[tilespmem:$0x250] =	vst v0  }
0x35: {  	[tilespmem:$0x260] =	vst v0  }
0x36: {  	[tilespmem:$0x270] =	vst v0  }
0x37: {  	[tilespmem:$0x280] =	vst v1  }
0x38: {  	[tilespmem:$0x290] =	vst v1  }
0x39: {  	[tilespmem:$0x2A0] =	vst v1  }
0x3a: {  	[tilespmem:$0x2B0] =	vst v1  }
0x3b: {  	[tilespmem:$0x2C0] =	vst v1  }
0x3c: {  	[tilespmem:$0x2D0] =	vst v1  }
0x3d: {  	[tilespmem:$0x2E0] =	vst v1  }
0x3e: {  	[tilespmem:$0x2F0] =	vst v1;
	s21 =	sand.u32 $0x3C00, s4  }
0x3f: {  	[spmem:s6] =	stream.linear.scatter [tilespmem:s4], [sflag:$0x1], $0x280, $0x38;
	[tilespmem:$0x700] =	vst v63  }
0x40: {  	s22 =	sand.u32 $0x380, s4;
	s21 =	sadd.s32 s7, s21;
	_ =	swait.ge [sflag:s10], $0x280  }
0x41: {  	s21 =	sor.u32 s22, s21;
	[sflag:s10] =	ssyncset.done $0x0  }
0x42: {  	s21 =	sshrl.u32 s21, $0x3;
	[sflag:s10] =	ssyncadd.s32 $0xFFFFFD80  }
0x43: {  	s31 =	sadd.s32 s1, s21;
	[bflag:$0x0] =	sbarrier.arrive $0xFFFF  }
0x44: {  	[tilespmem:s11], [sflag:$0x1] =	stream.linear.gather [hbm4b:s31+s4], $0x80, $0x38;
	[tilespmem:$0x700] =	vst v63  }
0x45: {  	_ =	swait.ge [sflag:s10], $0x80  }
0x46: {  	[sflag:s10] =	ssyncset.done $0x0  }
0x47: {  	s21 =	sadd.s32 s5, s21;
	[sflag:s10] =	ssyncadd.s32 $0xFFFFFF80  }
0x48: {  	[tilespmem:s12], [sflag:$0x1] =	stream.linear.gather [hbm4b:s21+s4], $0x80, $0x38;
	[tilespmem:$0x700] =	vst v63  }
0x49: {  	_ =	swait.ge [sflag:s10], $0x80  }
0x4a: {  	[sflag:s10] =	ssyncset.done $0x0  }
0x4b: {  	[sflag:s10] =	ssyncadd.s32 $0xFFFFFF80  }
0x4c: {  	v4 =	vld [tilespmem:$0x3B0]  }
0x4d: {  	v5 =	vld [tilespmem:$0x3E0]  }
0x4e: {  	v3 =	vld [tilespmem:$0x3F0]  }
0x4f: {  	s21 =	simm.s32 $0x80;
	v2 =	vld [tilespmem:$0x390]  }
.LBB2_2:
0x50: {  	p0 =	sne.s32 s21, $0x2700;
	v6 =	vld [tilespmem:$0x360];
	s22 =	smov.u32 s21;
	s21 =	sadd.s32 $0x80, s21  }
0x51: {  	v7 =	vld [tilespmem:$0x3C0]  }
0x52: {  	v8 =	vld [tilespmem:$0x3A0]  }
0x53: {  	v9 =	vld [tilespmem:$0x330]  }
0x54: {  	v10 =	vld [tilespmem:$0x350]  }
0x55: {  	v11 =	vld [tilespmem:$0x3D0]  }
0x56: {  	v12 =	vld [tilespmem:$0x370]  }
0x57: {  	vm0 =	veq.s32 v6, v5;
	v13 =	vld [tilespmem:$0x300]  }
0x58: {  	v5 =	vsel vm0, $0x2711, v5;
	v6 =	vld [tilespmem:$0x310];
	vm1 =	veq.s32 v9, v4  }
0x59: {  	v9 =	vld [tilespmem:$0x320];
	v4 =	vsel vm1, $0x2711, v4  }
0x5a: {  	s23 =	sand.u32 $0x3C00, s22;
	v14 =	vld [tilespmem:$0x340];
	vm0 =	veq.s32 v10, v11;
	[tilespmem:$0x460] =	vst v5  }
0x5b: {  	s22 =	sand.u32 $0x380, s22;
	s23 =	sadd.s32 s7, s23;
	v5 =	vld [tilespmem:$0x380];
	v10 =	vsel vm0, $0x2711, v11;
	vm0 =	veq.s32 v12, v3  }
0x5c: {  	s22 =	sor.u32 s22, s23;
	[tilespmem:$0x450] =	vst v10;
	v3 =	vsel vm0, $0x2711, v3  }
0x5d: {  	s22 =	sshrl.u32 s22, $0x3;
	vm0 =	veq.s32 v6, v2;
	[tilespmem:$0x470] =	vst v3  }
0x5e: {  	v2 =	vsel vm0, $0x2711, v2;
	vm0 =	veq.s32 v9, v8;
	[tilespmem:$0x430] =	vst v4  }
0x5f: {  	[tilespmem:$0x410] =	vst v2;
	v2 =	vsel vm0, $0x2711, v8;
	vm0 =	veq.s32 v14, v7  }
0x60: {  	vm1 =	veq.s32 v13, v5;
	[tilespmem:$0x420] =	vst v2;
	v2 =	vsel vm0, $0x2711, v7  }
0x61: {  	v3 =	vsel vm1, $0x2711, v5;
	[tilespmem:$0x440] =	vst v2  }
0x62: {  	[tilespmem:$0x400] =	vst v3  }
0x63: {  	[spmem:s3] =	stream.indirect.scatter.add.f32 [tilespmem:s15], [sflag:$0x1], $0x1, s14, s13, $0xb8;
	[tilespmem:$0x700] =	vst v63  }
0x64: {  	_ =	swait.ge [sflag:s10], $0x80  }
0x65: {  	s23 =	sadd.s32 s1, s22;
	[sflag:s10] =	ssyncset.done $0x0  }
0x66: {  	[sflag:s10] =	ssyncadd.s32 $0xFFFFFF80  }
0x67: {  	[tilespmem:s11], [sflag:$0x1] =	stream.linear.gather [hbm4b:s23+s4], $0x80, $0x38;
	[tilespmem:$0x700] =	vst v63  }
0x68: {  	_ =	swait.ge [sflag:s10], $0x80  }
0x69: {  	[sflag:s10] =	ssyncset.done $0x0  }
0x6a: {  	s22 =	sadd.s32 s5, s22;
	[sflag:s10] =	ssyncadd.s32 $0xFFFFFF80  }
0x6b: {  	[tilespmem:s12], [sflag:$0x1] =	stream.linear.gather [hbm4b:s22+s4], $0x80, $0x38;
	[tilespmem:$0x700] =	vst v63  }
0x6c: {  	_ =	swait.ge [sflag:s10], $0x80  }
0x6d: {  	[sflag:s10] =	ssyncset.done $0x0  }
.Ltmp0:
0x6e: {  	[sflag:s10] =	ssyncadd.s32 $0xFFFFFF80;
	(pc) =	sbr.rel @p0 .LBB2_2-.Ltmp0, $4  }
0x6f: {  	v4 =	vld [tilespmem:$0x3B0]  }
0x70: {  	v5 =	vld [tilespmem:$0x3E0]  }
0x71: {  	v3 =	vld [tilespmem:$0x3F0]  }
0x72: {  	v2 =	vld [tilespmem:$0x390]  }
0x73: {  	v6 =	vld [tilespmem:$0x360]  }
0x74: {  	v7 =	vld [tilespmem:$0x3C0]  }
0x75: {  	v8 =	vld [tilespmem:$0x3A0]  }
0x76: {  	v9 =	vld [tilespmem:$0x330]  }
0x77: {  	v10 =	vld [tilespmem:$0x350]  }
0x78: {  	v11 =	vld [tilespmem:$0x3D0]  }
0x79: {  	v12 =	vld [tilespmem:$0x370]  }
0x7a: {  	v13 =	vld [tilespmem:$0x300]  }
0x7b: {  	v14 =	vld [tilespmem:$0x310]  }
0x7c: {  	v60 =	vld [tilespmem:$0x320];
	vm0 =	veq.s32 v6, v5  }
0x7d: {  	v63 =	vld [tilespmem:$0x380];
	vm10 =	veq.s32 v10, v11;
	v5 =	vsel vm0, $0x2711, v5  }
0x7e: {  	v61 =	vld [tilespmem:$0x340];
	vm11 =	veq.s32 v12, v3;
	v62 =	vsel vm10, $0x2711, v11;
	[tilespmem:$0x460] =	vst v5  }
0x7f: {  	vm1 =	veq.s32 v9, v4;
	v3 =	vsel vm11, $0x2711, v3;
	[tilespmem:$0x450] =	vst v62  }
0x80: {  	vm12 =	veq.s32 v14, v2;
	v4 =	vsel vm1, $0x2711, v4;
	[tilespmem:$0x470] =	vst v3  }
0x81: {  	vm13 =	veq.s32 v60, v8;
	v2 =	vsel vm12, $0x2711, v2;
	[tilespmem:$0x430] =	vst v4  }
0x82: {  	vm15 =	veq.s32 v13, v63;
	[tilespmem:$0x410] =	vst v2;
	v2 =	vsel vm13, $0x2711, v8  }
0x83: {  	vm14 =	veq.s32 v61, v7;
	v3 =	vsel vm15, $0x2711, v63;
	[tilespmem:$0x420] =	vst v2  }
0x84: {  	v2 =	vsel vm14, $0x2711, v7;
	[tilespmem:$0x400] =	vst v3  }
0x85: {  	[tilespmem:$0x440] =	vst v2  }
0x86: {  	[spmem:s3] =	stream.indirect.scatter.add.f32 [tilespmem:s15], [sflag:$0x1], $0x1, s14, s13, $0xb8;
	[tilespmem:$0x700] =	vst v63  }
0x87: {  	_ =	swait.ge [sflag:s10], $0x80  }
0x88: {  	s20 =	sadd.s32 $0x1, s20;
	[sflag:s10] =	ssyncset.done $0x0  }
0x89: {  	p0 =	sne.s32 s20, s9;
	[sflag:s10] =	ssyncadd.s32 $0xFFFFFF80  }
.Ltmp1:
0x8a: {  	[bflag:$0x0] =	sbarrier.arrive $0xFFFF;
	(pc) =	sbr.rel @p0 .LBB2_1-.Ltmp1, $4  }
0x8b: {  	[hbm:s8@s18], [sflag:s16] =	dma.strided [spmem:s17@s19], $0x50, s10, $0x10   }
0x8c: {  	_ =	swait.ge [sflag:s10], $0x50  }
0x8d: {  	[sflag:s10] =	ssyncset.done $0x0  }
0x8e: {  	[sflag:s10] =	ssyncadd.s32 $0xFFFFFFB0  }
0x8f: {  	_ =	sfence.sel $0x180000  }
0x90: {  	[bflag:$0x0] =	sbarrier.arrive $0xFFFF  }
0x91: {  	p0 =	sne.s32 s0, $0x0;
	_ =	strace $0x90000047  }
0x92: {  	s0 =	sadd.s32 @!p0 $0x100000, s2;
	[bflag:$0x2] =	sbarrier.arrive $0xFFFF  }
0x93: {  	[sflag:s0] =	ssyncadd.tile.s32 @!p0 $0x1;
	_ =	shalt  }
.Lfunc_end2:
_tile_overlayer_lowered:
.L_overlay_start_2:
0x94: {  	(tag) =	ssettag $0x2  }
0x95: {  	s0 =	rddreg [dreg:$0x0];
	s2 =	stileid.u32  }
0x96: {  	s1 =	rddreg [dreg:$0x1];
	p0 =	sne.s32 s2, $0x0  }
0x97: {  	s3 =	rddreg [dreg:$0x2];
	[bflag:$0x3] =	sbarrier.arrive $0xFFFF;
	s2 =	simm.s32 @!p0 $0x1C01  }
0x98: {  	[timem:s3], [sflag:s2] =	dma.local @!p0 [hbm:s0], s1  }
0x99: {  	s0 =	simm.s32 @!p0 $0x1  }
0x9a: {  	_ =	swait.ge @!p0 [sflag:s0], s1  }
0x9b: {  	s1 =	ssub.s32 @!p0 $0x0, s1;
	[sflag:s0] =	ssyncset.done @!p0 $0x0  }
0x9c: {  	[sflag:s0] =	ssyncadd.s32 @!p0 s1  }
0x9d: {  	[bflag:$0x3] =	sbarrier.arrive $0xFFFF  }
0x9e: {  	_ =	shalt  }

</sc_bundles>
